<compile_context>
chip_gen: v7x
topology: tpu7x:2x2x1
jax: 0.10.2.dev20260603
libtpu: 0.0.44.dev20260713+nightly
codegen_flags: <defaults>
</compile_context>

<pallas_src>
import functools

import jax
import jax.numpy as jnp
from jax import lax
from jax.experimental import pallas as pl
from jax.experimental.pallas import tpu as pltpu
from jax.experimental.pallas import tpu_sc as plsc

DIM = 33
D2 = DIM * DIM
D3 = DIM * DIM * DIM
D3P = D3 + 7
LUT_WORDS = 3 * D3P

NTILES = 32
LANES = 16
BROWS = 8
BCOLS = 128


def _make_sc_kernel(batch, h, w):
    rows_per_tile = batch * h // NTILES
    tiles_per_plane = h // rows_per_tile
    row_steps = rows_per_tile // BROWS
    col_steps = w // BCOLS
    nsteps = row_steps * col_steps

    mesh = plsc.VectorSubcoreMesh(core_axis_name="c", subcore_axis_name="s")

    @functools.partial(
        pl.kernel,
        mesh=mesh,
        compiler_params=pltpu.CompilerParams(needs_layout_passes=False),
        out_type=jax.ShapeDtypeStruct((batch, 3, h, w), jnp.float32),
        scratch_types=(
            [pltpu.VMEM((LUT_WORDS,), jnp.float32)]
            + [pltpu.VMEM((BROWS, BCOLS), jnp.float32)] * 12
            + [pltpu.SemaphoreType.DMA] * 4
        ),
    )
    def sc_kernel(x_hbm, lut_hbm, out_hbm, lut_v,
                  ir0, ig0, ib0, ir1, ig1, ib1,
                  or0, og0, ob0, or1, og1, ob1,
                  sin0, sin1, sout0, sout1):
        ins = ((ir0, ig0, ib0), (ir1, ig1, ib1))
        outs = ((or0, og0, ob0), (or1, og1, ob1))
        sins = (sin0, sin1)
        souts = (sout0, sout1)
        wid = lax.axis_index("s") * 2 + lax.axis_index("c")
        bidx = wid // tiles_per_plane
        tile_row0 = (wid % tiles_per_plane) * rows_per_tile

        views = [lut_v.at[pl.ds(c * D3P, D3P)] for c in range(3)]
        corner_offs = (1, DIM, DIM + 1, D2, D2 + 1, D2 + DIM, D2 + DIM + 1)

        def xwin(ci, ch):
            r0 = tile_row0 + (ci // col_steps) * BROWS
            co = (ci % col_steps) * BCOLS
            return x_hbm.at[bidx, ch, pl.ds(r0, BROWS), pl.ds(co, BCOLS)]

        def owin(ci, ch):
            r0 = tile_row0 + (ci // col_steps) * BROWS
            co = (ci % col_steps) * BCOLS
            return out_hbm.at[bidx, ch, pl.ds(r0, BROWS), pl.ds(co, BCOLS)]

        def start_in(ci, bufs, sem):
            for ch in range(3):
                pltpu.async_copy(xwin(ci, ch), bufs[ch], sem)

        def wait_in(ci, bufs, sem):
            for ch in range(3):
                pltpu.make_async_copy(xwin(ci, ch), bufs[ch], sem).wait()

        def start_out(ci, bufs, sem):
            for ch in range(3):
                pltpu.async_copy(bufs[ch], owin(ci, ch), sem)

        def wait_out(ci, bufs, sem):
            for ch in range(3):
                pltpu.make_async_copy(bufs[ch], owin(ci, ch), sem).wait()

        start_in(0, ins[0], sins[0])
        pltpu.sync_copy(lut_hbm, lut_v)

        def step_pair(ci2, carry):
            for b in (0, 1):
                ci = ci2 * 2 + b
                rbuf, gbuf, bbuf = ins[b]
                orb, ogb, obb = outs[b]

                @pl.when(ci + 1 < nsteps)
                def _():
                    start_in(ci + 1, ins[1 - b], sins[1 - b])

                wait_in(ci, ins[b], sins[b])

                @pl.when(ci >= 2)
                def _():
                    wait_out(ci - 2, outs[b], souts[b])

                @plsc.parallel_loop(0, BROWS * BCOLS, step=LANES, unroll=1)
                def grp(si):
                    j = si // BCOLS
                    s = si % BCOLS
                    rr = rbuf[j, pl.ds(s, LANES)]
                    gg = gbuf[j, pl.ds(s, LANES)]
                    bb = bbuf[j, pl.ds(s, LANES)]

                    def prep(v):
                        xs = v * float(DIM - 1)
                        i0 = xs.astype(jnp.int32)
                        f = xs - i0.astype(jnp.float32)
                        return i0, f

                    r0i, fr = prep(rr)
                    g0i, fg = prep(gg)
                    b0i, fb = prep(bb)
                    base = r0i * D2 + g0i * DIM + b0i
                    wb0 = 1.0 - fb
                    wg0 = 1.0 - fg
                    w00 = wg0 * wb0
                    w01 = wg0 * fb
                    w10 = fg * wb0
                    w11 = fg * fb
                    wr0 = 1.0 - fr

                    wlohi = (w00, w01, w10, w11)
                    lo = [None, None, None]
                    hi = [None, None, None]
                    for k, co2 in enumerate((0,) + corner_offs):
                        idx = base + co2 if co2 else base
                        for c in range(3):
                            t = plsc.load_gather(views[c], [idx]) * wlohi[k % 4]
                            if k == 0:
                                lo[c] = t
                            elif k < 4:
                                lo[c] += t
                            elif k == 4:
                                hi[c] = t
                            else:
                                hi[c] += t
                    for c, obuf in ((0, orb), (1, ogb), (2, obb)):
                        obuf[j, pl.ds(s, LANES)] = lo[c] * wr0 + hi[c] * fr

                start_out(ci, outs[b], souts[b])
            return carry

        lax.fori_loop(0, nsteps // 2, step_pair, 0)
        wait_out(nsteps - 2, outs[0], souts[0])
        wait_out(nsteps - 1, outs[1], souts[1])

    return sc_kernel


def kernel(x, LUT):
    batch, _, h, w = x.shape
    sc = _make_sc_kernel(batch, h, w)
    lut_flat = jnp.pad(LUT.reshape(3, D3), ((0, 0), (0, D3P - D3))).reshape(-1)
    return sc(x, lut_flat)

# --- scband reference (transcript-rebuilt; emitter-appended) ---
"""Pipeline reference for scband-generator3-dlut-72928544686086 (READ-ONLY COPY).

The authoritative reference and input builder live on the scoring server;
editing this copy changes nothing except your own understanding.
"""

import jax, jax.numpy as jnp
import numpy as np

DIM = 33

def setup_inputs(seed: int = 0) -> dict:
    key = jax.random.key(seed)
    k1, k2 = jax.random.split(key)
    # RGB image in [0,1]
    x = jax.random.uniform(k1, (8, 3, 512, 512), dtype=jnp.float32)
    # Learned LUT parameter [3, DIM, DIM, DIM]. ('zeros' init would give trivial
    # output, so use small random values as a trained-parameter stand-in.)
    LUT = jax.random.normal(k2, (3, DIM, DIM, DIM), dtype=jnp.float32) * 0.05
    return {"x": x, "LUT": LUT}

def _trilinear(LUT, x):
    # LUT: [3, D, D, D] with axes (channel, R, G, B); x: [B, 3, H, W] in [0,1]
    dim = LUT.shape[1]
    xs = jnp.clip(x, 0.0, 1.0) * (dim - 1)
    i0 = jnp.clip(jnp.floor(xs).astype(jnp.int32), 0, dim - 2)
    f = xs - i0.astype(jnp.float32)
    r0, g0, b0 = i0[:, 0], i0[:, 1], i0[:, 2]
    r1, g1, b1 = r0 + 1, g0 + 1, b0 + 1
    fr, fg, fb = f[:, 0], f[:, 1], f[:, 2]

    def gath(ri, gi, bi):
        # advanced indexing gather -> [3, B, H, W]
        return LUT[:, ri, gi, bi]

    c000 = gath(r0, g0, b0)
    c100 = gath(r1, g0, b0)
    c010 = gath(r0, g1, b0)
    c001 = gath(r0, g0, b1)
    c110 = gath(r1, g1, b0)
    c101 = gath(r1, g0, b1)
    c011 = gath(r0, g1, b1)
    c111 = gath(r1, g1, b1)

    wr0, wr1 = 1.0 - fr, fr
    wg0, wg1 = 1.0 - fg, fg
    wb0, wb1 = 1.0 - fb, fb
    # weights [B,H,W] broadcast against corners [3,B,H,W] over trailing dims
    out = (c000 * wr0 * wg0 * wb0
           + c100 * wr1 * wg0 * wb0
           + c010 * wr0 * wg1 * wb0
           + c001 * wr0 * wg0 * wb1
           + c110 * wr1 * wg1 * wb0
           + c101 * wr1 * wg0 * wb1
           + c011 * wr0 * wg1 * wb1
           + c111 * wr1 * wg1 * wb1)
    return jnp.moveaxis(out, 0, 1)  # [B, 3, H, W]

def reference(x, LUT):
    # Generator3DLUT.forward: _, output = TrilinearInterpolation(self.LUT, x); return output
    return _trilinear(LUT, x)

if __name__ == "__main__":
    import jax
    _d = setup_inputs()
    print(jax.jit(kernel)(*tuple(_d.values())))

</pallas_src>

<mosaic_0001>
#map = affine_map<(d0, d1) -> (0, 0, 0, 0)>
#map1 = affine_map<(d0, d1) -> (0)>
module attributes {stable_mosaic.version = 14 : i64} {
  func.func @sc_kernel(%arg0: i32, %arg1: i32, %arg2: memref<8x3x512x512xf32, #tpu.memory_space<hbm>>, %arg3: memref<107832xf32, #tpu.memory_space<hbm>>, %arg4: memref<8x3x512x512xf32, #tpu.memory_space<hbm>>, %arg5: memref<107832xf32, #tpu.memory_space<vmem>>, %arg6: memref<8x128xf32, #tpu.memory_space<vmem>>, %arg7: memref<8x128xf32, #tpu.memory_space<vmem>>, %arg8: memref<8x128xf32, #tpu.memory_space<vmem>>, %arg9: memref<8x128xf32, #tpu.memory_space<vmem>>, %arg10: memref<8x128xf32, #tpu.memory_space<vmem>>, %arg11: memref<8x128xf32, #tpu.memory_space<vmem>>, %arg12: memref<8x128xf32, #tpu.memory_space<vmem>>, %arg13: memref<8x128xf32, #tpu.memory_space<vmem>>, %arg14: memref<8x128xf32, #tpu.memory_space<vmem>>, %arg15: memref<8x128xf32, #tpu.memory_space<vmem>>, %arg16: memref<8x128xf32, #tpu.memory_space<vmem>>, %arg17: memref<8x128xf32, #tpu.memory_space<vmem>>, %arg18: memref<!tpu.dma_semaphore, #tpu.memory_space<semaphore_mem>>, %arg19: memref<!tpu.dma_semaphore, #tpu.memory_space<semaphore_mem>>, %arg20: memref<!tpu.dma_semaphore, #tpu.memory_space<semaphore_mem>>, %arg21: memref<!tpu.dma_semaphore, #tpu.memory_space<semaphore_mem>>) attributes {dimension_semantics = [#tpu.dimension_semantics<core_parallel>, #tpu.dimension_semantics<subcore_parallel>], iteration_bounds = array<i64: 2, 16>, scalar_prefetch = 0 : i64, scratch_operands = 17 : i64, tpu.core_type = #tpu.core_type<sc_vector_subcore>, window_params = [{transform_indices = #map}, {transform_indices = #map1}, {transform_indices = #map}]} {
    %mul3A = arith.constant 2 : i32
    %mul3A_0 = arith.muli %arg1, %mul3A : i32
    %add3A = arith.addi %mul3A_0, %arg0 : i32
    %jit3A = arith.constant 4 : i32
    %div3A = arith.divsi %add3A, %jit3A : i32
    %sign3A = arith.constant 0 : i32
    %sign3A_1 = arith.cmpi sgt, %add3A, %sign3A : i32
    %sign3A_2 = arith.extui %sign3A_1 : i1 to i32
    %sign3A_3 = arith.constant 0 : i32
    %sign3A_4 = arith.cmpi slt, %add3A, %sign3A_3 : i32
    %sign3A_5 = arith.extui %sign3A_4 : i1 to i32
    %sign3A_6 = arith.subi %sign3A_2, %sign3A_5 : i32
    %sign3A_7 = arith.constant 0 : i32
    %sign3A_8 = arith.cmpi sgt, %jit3A, %sign3A_7 : i32
    %sign3A_9 = arith.extui %sign3A_8 : i1 to i32
    %sign3A_10 = arith.constant 0 : i32
    %sign3A_11 = arith.cmpi slt, %jit3A, %sign3A_10 : i32
    %sign3A_12 = arith.extui %sign3A_11 : i1 to i32
    %sign3A_13 = arith.subi %sign3A_9, %sign3A_12 : i32
    %ne3A = arith.cmpi ne, %sign3A_6, %sign3A_13 : i32
    %rem3A = arith.remsi %add3A, %jit3A : i32
    %ne3A_14 = arith.constant 0 : i32
    %ne3A_15 = arith.cmpi ne, %rem3A, %ne3A_14 : i32
    %and3A = arith.andi %ne3A, %ne3A_15 : i1
    %sub3A = arith.constant 1 : i32
    %sub3A_16 = arith.subi %div3A, %sub3A : i32
    %select_n3A = arith.select %and3A, %sub3A_16, %div3A : i32
    %jit3A_17 = arith.constant 4 : i32
    %eq3A = arith.constant 0 : i32
    %eq3A_18 = arith.cmpi eq, %jit3A_17, %eq3A : i32
    %jit3A_19 = arith.constant 1 : i32
    %select_n3A_20 = arith.select %eq3A_18, %jit3A_19, %jit3A_17 : i32
    %rem3A_21 = arith.remsi %add3A, %select_n3A_20 : i32
    %ne3A_22 = arith.constant 0 : i32
    %ne3A_23 = arith.cmpi ne, %rem3A_21, %ne3A_22 : i32
    %lt3A = arith.constant 0 : i32
    %lt3A_24 = arith.cmpi slt, %rem3A_21, %lt3A : i32
    %lt3A_25 = arith.constant 0 : i32
    %lt3A_26 = arith.cmpi slt, %select_n3A_20, %lt3A_25 : i32
    %ne3A_27 = arith.xori %lt3A_24, %lt3A_26 : i1
    %and3A_28 = arith.andi %ne3A_27, %ne3A_23 : i1
    %add3A_29 = arith.addi %rem3A_21, %select_n3A_20 : i32
    %select_n3A_30 = arith.select %and3A_28, %add3A_29, %rem3A_21 : i32
    %mul3A_31 = arith.constant 128 : i32
    %mul3A_32 = arith.muli %select_n3A_30, %mul3A_31 : i32
    %add3A_33 = arith.constant 0 : i32
    %add3A_34 = arith.addi %mul3A_32, %add3A_33 : i32
    %dma_start3A = arith.constant 0 : i32
    %dma_start3A_35 = arith.constant 0 : i32
    %dma_start3A_36 = tpu.memref_slice %arg2[%select_n3A, %dma_start3A, %add3A_34, %dma_start3A_35] : memref<8x3x512x512xf32, #tpu.memory_space<hbm>> -> memref<1x1x8x128xf32, #tpu.memory_space<hbm>>
    %dma_start3A_37 = tpu.memref_squeeze %dma_start3A_36 : memref<1x1x8x128xf32, #tpu.memory_space<hbm>> -> memref<8x128xf32, #tpu.memory_space<hbm>>
    %dma_start3A_38 = arith.constant 0 : i32
    %dma_start3A_39 = tpu.memref_slice %arg2[%select_n3A, %dma_start3A, %add3A_34, %dma_start3A_38] : memref<8x3x512x512xf32, #tpu.memory_space<hbm>> -> memref<1x1x8x128xf32, #tpu.memory_space<hbm>>
    %dma_start3A_40 = tpu.memref_squeeze %dma_start3A_39 : memref<1x1x8x128xf32, #tpu.memory_space<hbm>> -> memref<8x128xf32, #tpu.memory_space<hbm>>
    tpu.enqueue_dma source(%dma_start3A_40 : memref<8x128xf32, #tpu.memory_space<hbm>>) target(%arg6 : memref<8x128xf32, #tpu.memory_space<vmem>>) target_semaphore(%arg18 : memref<!tpu.dma_semaphore, #tpu.memory_space<semaphore_mem>>)
    %add3A_41 = arith.constant 0 : i32
    %add3A_42 = arith.addi %mul3A_32, %add3A_41 : i32
    %dma_start3A_43 = arith.constant 1 : i32
    %dma_start3A_44 = arith.constant 0 : i32
    %dma_start3A_45 = tpu.memref_slice %arg2[%select_n3A, %dma_start3A_43, %add3A_42, %dma_start3A_44] : memref<8x3x512x512xf32, #tpu.memory_space<hbm>> -> memref<1x1x8x128xf32, #tpu.memory_space<hbm>>
    %dma_start3A_46 = tpu.memref_squeeze %dma_start3A_45 : memref<1x1x8x128xf32, #tpu.memory_space<hbm>> -> memref<8x128xf32, #tpu.memory_space<hbm>>
    %dma_start3A_47 = arith.constant 0 : i32
    %dma_start3A_48 = tpu.memref_slice %arg2[%select_n3A, %dma_start3A_43, %add3A_42, %dma_start3A_47] : memref<8x3x512x512xf32, #tpu.memory_space<hbm>> -> memref<1x1x8x128xf32, #tpu.memory_space<hbm>>
    %dma_start3A_49 = tpu.memref_squeeze %dma_start3A_48 : memref<1x1x8x128xf32, #tpu.memory_space<hbm>> -> memref<8x128xf32, #tpu.memory_space<hbm>>
    tpu.enqueue_dma source(%dma_start3A_49 : memref<8x128xf32, #tpu.memory_space<hbm>>) target(%arg7 : memref<8x128xf32, #tpu.memory_space<vmem>>) target_semaphore(%arg18 : memref<!tpu.dma_semaphore, #tpu.memory_space<semaphore_mem>>)
    %add3A_50 = arith.constant 0 : i32
    %add3A_51 = arith.addi %mul3A_32, %add3A_50 : i32
    %dma_start3A_52 = arith.constant 2 : i32
    %dma_start3A_53 = arith.constant 0 : i32
    %dma_start3A_54 = tpu.memref_slice %arg2[%select_n3A, %dma_start3A_52, %add3A_51, %dma_start3A_53] : memref<8x3x512x512xf32, #tpu.memory_space<hbm>> -> memref<1x1x8x128xf32, #tpu.memory_space<hbm>>
    %dma_start3A_55 = tpu.memref_squeeze %dma_start3A_54 : memref<1x1x8x128xf32, #tpu.memory_space<hbm>> -> memref<8x128xf32, #tpu.memory_space<hbm>>
    %dma_start3A_56 = arith.constant 0 : i32
    %dma_start3A_57 = tpu.memref_slice %arg2[%select_n3A, %dma_start3A_52, %add3A_51, %dma_start3A_56] : memref<8x3x512x512xf32, #tpu.memory_space<hbm>> -> memref<1x1x8x128xf32, #tpu.memory_space<hbm>>
    %dma_start3A_58 = tpu.memref_squeeze %dma_start3A_57 : memref<1x1x8x128xf32, #tpu.memory_space<hbm>> -> memref<8x128xf32, #tpu.memory_space<hbm>>
    tpu.enqueue_dma source(%dma_start3A_58 : memref<8x128xf32, #tpu.memory_space<hbm>>) target(%arg8 : memref<8x128xf32, #tpu.memory_space<vmem>>) target_semaphore(%arg18 : memref<!tpu.dma_semaphore, #tpu.memory_space<semaphore_mem>>)
    "tpu.region"() ({
      %run_scoped3A = tpu.sem_alloc : memref<!tpu.dma_semaphore, #tpu.memory_space<semaphore_mem>>
      tpu.enqueue_dma source(%arg3 : memref<107832xf32, #tpu.memory_space<hbm>>) target(%arg5 : memref<107832xf32, #tpu.memory_space<vmem>>) target_semaphore(%run_scoped3A : memref<!tpu.dma_semaphore, #tpu.memory_space<semaphore_mem>>)
      tpu.wait_dma2 semaphore(%run_scoped3A : memref<!tpu.dma_semaphore, #tpu.memory_space<semaphore_mem>>) src(%arg3 : memref<107832xf32, #tpu.memory_space<hbm>>) dst(%arg5 : memref<107832xf32, #tpu.memory_space<vmem>>)
      tpu.yield
    }) : () -> ()
    %scan3A = arith.constant 0 : i32
    %scan3A_59 = arith.constant 0 : i32
    %scan3A_60 = arith.constant 32 : i32
    %scan3A_61 = arith.addi %scan3A_59, %scan3A_60 : i32
    %scan3A_62 = arith.constant 1 : i32
    scf.for %scan3A_117 = %scan3A_59 to %scan3A_61 step %scan3A_62  : i32 {
      %mul3A_118 = arith.constant 2 : i32
      %mul3A_119 = arith.muli %scan3A_117, %mul3A_118 : i32
      %add3A_120 = arith.constant 0 : i32
      %add3A_121 = arith.addi %mul3A_119, %add3A_120 : i32
      %add3A_122 = arith.constant 1 : i32
      %add3A_123 = arith.addi %add3A_121, %add3A_122 : i32
      %lt3A_124 = arith.constant 64 : i32
      %lt3A_125 = arith.cmpi slt, %add3A_123, %lt3A_124 : i32
      %convert_element_type3A = arith.extui %lt3A_125 : i1 to i32
      %cond3A = arith.constant 0 : i32
      %cond3A_126 = arith.cmpi ne, %convert_element_type3A, %cond3A : i32
      scf.if %cond3A_126 {
        %add3A_752 = arith.constant 1 : i32
        %add3A_753 = arith.addi %add3A_121, %add3A_752 : i32
        %jit3A_754 = arith.constant 4 : i32
        %div3A_755 = arith.divsi %add3A_753, %jit3A_754 : i32
        %sign3A_756 = arith.constant 0 : i32
        %sign3A_757 = arith.cmpi sgt, %add3A_753, %sign3A_756 : i32
        %sign3A_758 = arith.extui %sign3A_757 : i1 to i32
        %sign3A_759 = arith.constant 0 : i32
        %sign3A_760 = arith.cmpi slt, %add3A_753, %sign3A_759 : i32
        %sign3A_761 = arith.extui %sign3A_760 : i1 to i32
        %sign3A_762 = arith.subi %sign3A_758, %sign3A_761 : i32
        %sign3A_763 = arith.constant 0 : i32
        %sign3A_764 = arith.cmpi sgt, %jit3A_754, %sign3A_763 : i32
        %sign3A_765 = arith.extui %sign3A_764 : i1 to i32
        %sign3A_766 = arith.constant 0 : i32
        %sign3A_767 = arith.cmpi slt, %jit3A_754, %sign3A_766 : i32
        %sign3A_768 = arith.extui %sign3A_767 : i1 to i32
        %sign3A_769 = arith.subi %sign3A_765, %sign3A_768 : i32
        %ne3A_770 = arith.cmpi ne, %sign3A_762, %sign3A_769 : i32
        %rem3A_771 = arith.remsi %add3A_753, %jit3A_754 : i32
        %ne3A_772 = arith.constant 0 : i32
        %ne3A_773 = arith.cmpi ne, %rem3A_771, %ne3A_772 : i32
        %and3A_774 = arith.andi %ne3A_770, %ne3A_773 : i1
        %sub3A_775 = arith.constant 1 : i32
        %sub3A_776 = arith.subi %div3A_755, %sub3A_775 : i32
        %select_n3A_777 = arith.select %and3A_774, %sub3A_776, %div3A_755 : i32
        %mul3A_778 = arith.constant 8 : i32
        %mul3A_779 = arith.muli %select_n3A_777, %mul3A_778 : i32
        %add3A_780 = arith.addi %mul3A_32, %mul3A_779 : i32
        %jit3A_781 = arith.constant 4 : i32
        %eq3A_782 = arith.constant 0 : i32
        %eq3A_783 = arith.cmpi eq, %jit3A_781, %eq3A_782 : i32
        %jit3A_784 = arith.constant 1 : i32
        %select_n3A_785 = arith.select %eq3A_783, %jit3A_784, %jit3A_781 : i32
        %rem3A_786 = arith.remsi %add3A_753, %select_n3A_785 : i32
        %ne3A_787 = arith.constant 0 : i32
        %ne3A_788 = arith.cmpi ne, %rem3A_786, %ne3A_787 : i32
        %lt3A_789 = arith.constant 0 : i32
        %lt3A_790 = arith.cmpi slt, %rem3A_786, %lt3A_789 : i32
        %lt3A_791 = arith.constant 0 : i32
        %lt3A_792 = arith.cmpi slt, %select_n3A_785, %lt3A_791 : i32
        %ne3A_793 = arith.xori %lt3A_790, %lt3A_792 : i1
        %and3A_794 = arith.andi %ne3A_793, %ne3A_788 : i1
        %add3A_795 = arith.addi %rem3A_786, %select_n3A_785 : i32
        %select_n3A_796 = arith.select %and3A_794, %add3A_795, %rem3A_786 : i32
        %mul3A_797 = arith.constant 128 : i32
        %mul3A_798 = arith.muli %select_n3A_796, %mul3A_797 : i32
        %dma_start3A_799 = arith.constant 0 : i32
        %dma_start3A_800 = tpu.memref_slice %arg2[%select_n3A, %dma_start3A_799, %add3A_780, %mul3A_798] : memref<8x3x512x512xf32, #tpu.memory_space<hbm>> -> memref<1x1x8x128xf32, #tpu.memory_space<hbm>>
        %dma_start3A_801 = tpu.memref_squeeze %dma_start3A_800 : memref<1x1x8x128xf32, #tpu.memory_space<hbm>> -> memref<8x128xf32, #tpu.memory_space<hbm>>
        %dma_start3A_802 = tpu.memref_slice %arg2[%select_n3A, %dma_start3A_799, %add3A_780, %mul3A_798] : memref<8x3x512x512xf32, #tpu.memory_space<hbm>> -> memref<1x1x8x128xf32, #tpu.memory_space<hbm>>
        %dma_start3A_803 = tpu.memref_squeeze %dma_start3A_802 : memref<1x1x8x128xf32, #tpu.memory_space<hbm>> -> memref<8x128xf32, #tpu.memory_space<hbm>>
        tpu.enqueue_dma source(%dma_start3A_803 : memref<8x128xf32, #tpu.memory_space<hbm>>) target(%arg9 : memref<8x128xf32, #tpu.memory_space<vmem>>) target_semaphore(%arg19 : memref<!tpu.dma_semaphore, #tpu.memory_space<semaphore_mem>>)
        %jit3A_804 = arith.constant 4 : i32
        %div3A_805 = arith.divsi %add3A_753, %jit3A_804 : i32
        %sign3A_806 = arith.constant 0 : i32
        %sign3A_807 = arith.cmpi sgt, %add3A_753, %sign3A_806 : i32
        %sign3A_808 = arith.extui %sign3A_807 : i1 to i32
        %sign3A_809 = arith.constant 0 : i32
        %sign3A_810 = arith.cmpi slt, %add3A_753, %sign3A_809 : i32
        %sign3A_811 = arith.extui %sign3A_810 : i1 to i32
        %sign3A_812 = arith.subi %sign3A_808, %sign3A_811 : i32
        %sign3A_813 = arith.constant 0 : i32
        %sign3A_814 = arith.cmpi sgt, %jit3A_804, %sign3A_813 : i32
        %sign3A_815 = arith.extui %sign3A_814 : i1 to i32
        %sign3A_816 = arith.constant 0 : i32
        %sign3A_817 = arith.cmpi slt, %jit3A_804, %sign3A_816 : i32
        %sign3A_818 = arith.extui %sign3A_817 : i1 to i32
        %sign3A_819 = arith.subi %sign3A_815, %sign3A_818 : i32
        %ne3A_820 = arith.cmpi ne, %sign3A_812, %sign3A_819 : i32
        %rem3A_821 = arith.remsi %add3A_753, %jit3A_804 : i32
        %ne3A_822 = arith.constant 0 : i32
        %ne3A_823 = arith.cmpi ne, %rem3A_821, %ne3A_822 : i32
        %and3A_824 = arith.andi %ne3A_820, %ne3A_823 : i1
        %sub3A_825 = arith.constant 1 : i32
        %sub3A_826 = arith.subi %div3A_805, %sub3A_825 : i32
        %select_n3A_827 = arith.select %and3A_824, %sub3A_826, %div3A_805 : i32
        %mul3A_828 = arith.constant 8 : i32
        %mul3A_829 = arith.muli %select_n3A_827, %mul3A_828 : i32
        %add3A_830 = arith.addi %mul3A_32, %mul3A_829 : i32
        %jit3A_831 = arith.constant 4 : i32
        %eq3A_832 = arith.constant 0 : i32
        %eq3A_833 = arith.cmpi eq, %jit3A_831, %eq3A_832 : i32
        %jit3A_834 = arith.constant 1 : i32
        %select_n3A_835 = arith.select %eq3A_833, %jit3A_834, %jit3A_831 : i32
        %rem3A_836 = arith.remsi %add3A_753, %select_n3A_835 : i32
        %ne3A_837 = arith.constant 0 : i32
        %ne3A_838 = arith.cmpi ne, %rem3A_836, %ne3A_837 : i32
        %lt3A_839 = arith.constant 0 : i32
        %lt3A_840 = arith.cmpi slt, %rem3A_836, %lt3A_839 : i32
        %lt3A_841 = arith.constant 0 : i32
        %lt3A_842 = arith.cmpi slt, %select_n3A_835, %lt3A_841 : i32
        %ne3A_843 = arith.xori %lt3A_840, %lt3A_842 : i1
        %and3A_844 = arith.andi %ne3A_843, %ne3A_838 : i1
        %add3A_845 = arith.addi %rem3A_836, %select_n3A_835 : i32
        %select_n3A_846 = arith.select %and3A_844, %add3A_845, %rem3A_836 : i32
        %mul3A_847 = arith.constant 128 : i32
        %mul3A_848 = arith.muli %select_n3A_846, %mul3A_847 : i32
        %dma_start3A_849 = arith.constant 1 : i32
        %dma_start3A_850 = tpu.memref_slice %arg2[%select_n3A, %dma_start3A_849, %add3A_830, %mul3A_848] : memref<8x3x512x512xf32, #tpu.memory_space<hbm>> -> memref<1x1x8x128xf32, #tpu.memory_space<hbm>>
        %dma_start3A_851 = tpu.memref_squeeze %dma_start3A_850 : memref<1x1x8x128xf32, #tpu.memory_space<hbm>> -> memref<8x128xf32, #tpu.memory_space<hbm>>
        %dma_start3A_852 = tpu.memref_slice %arg2[%select_n3A, %dma_start3A_849, %add3A_830, %mul3A_848] : memref<8x3x512x512xf32, #tpu.memory_space<hbm>> -> memref<1x1x8x128xf32, #tpu.memory_space<hbm>>
        %dma_start3A_853 = tpu.memref_squeeze %dma_start3A_852 : memref<1x1x8x128xf32, #tpu.memory_space<hbm>> -> memref<8x128xf32, #tpu.memory_space<hbm>>
        tpu.enqueue_dma source(%dma_start3A_853 : memref<8x128xf32, #tpu.memory_space<hbm>>) target(%arg10 : memref<8x128xf32, #tpu.memory_space<vmem>>) target_semaphore(%arg19 : memref<!tpu.dma_semaphore, #tpu.memory_space<semaphore_mem>>)
        %jit3A_854 = arith.constant 4 : i32
        %div3A_855 = arith.divsi %add3A_753, %jit3A_854 : i32
        %sign3A_856 = arith.constant 0 : i32
        %sign3A_857 = arith.cmpi sgt, %add3A_753, %sign3A_856 : i32
        %sign3A_858 = arith.extui %sign3A_857 : i1 to i32
        %sign3A_859 = arith.constant 0 : i32
        %sign3A_860 = arith.cmpi slt, %add3A_753, %sign3A_859 : i32
        %sign3A_861 = arith.extui %sign3A_860 : i1 to i32
        %sign3A_862 = arith.subi %sign3A_858, %sign3A_861 : i32
        %sign3A_863 = arith.constant 0 : i32
        %sign3A_864 = arith.cmpi sgt, %jit3A_854, %sign3A_863 : i32
        %sign3A_865 = arith.extui %sign3A_864 : i1 to i32
        %sign3A_866 = arith.constant 0 : i32
        %sign3A_867 = arith.cmpi slt, %jit3A_854, %sign3A_866 : i32
        %sign3A_868 = arith.extui %sign3A_867 : i1 to i32
        %sign3A_869 = arith.subi %sign3A_865, %sign3A_868 : i32
        %ne3A_870 = arith.cmpi ne, %sign3A_862, %sign3A_869 : i32
        %rem3A_871 = arith.remsi %add3A_753, %jit3A_854 : i32
        %ne3A_872 = arith.constant 0 : i32
        %ne3A_873 = arith.cmpi ne, %rem3A_871, %ne3A_872 : i32
        %and3A_874 = arith.andi %ne3A_870, %ne3A_873 : i1
        %sub3A_875 = arith.constant 1 : i32
        %sub3A_876 = arith.subi %div3A_855, %sub3A_875 : i32
        %select_n3A_877 = arith.select %and3A_874, %sub3A_876, %div3A_855 : i32
        %mul3A_878 = arith.constant 8 : i32
        %mul3A_879 = arith.muli %select_n3A_877, %mul3A_878 : i32
        %add3A_880 = arith.addi %mul3A_32, %mul3A_879 : i32
        %jit3A_881 = arith.constant 4 : i32
        %eq3A_882 = arith.constant 0 : i32
        %eq3A_883 = arith.cmpi eq, %jit3A_881, %eq3A_882 : i32
        %jit3A_884 = arith.constant 1 : i32
        %select_n3A_885 = arith.select %eq3A_883, %jit3A_884, %jit3A_881 : i32
        %rem3A_886 = arith.remsi %add3A_753, %select_n3A_885 : i32
        %ne3A_887 = arith.constant 0 : i32
        %ne3A_888 = arith.cmpi ne, %rem3A_886, %ne3A_887 : i32
        %lt3A_889 = arith.constant 0 : i32
        %lt3A_890 = arith.cmpi slt, %rem3A_886, %lt3A_889 : i32
        %lt3A_891 = arith.constant 0 : i32
        %lt3A_892 = arith.cmpi slt, %select_n3A_885, %lt3A_891 : i32
        %ne3A_893 = arith.xori %lt3A_890, %lt3A_892 : i1
        %and3A_894 = arith.andi %ne3A_893, %ne3A_888 : i1
        %add3A_895 = arith.addi %rem3A_886, %select_n3A_885 : i32
        %select_n3A_896 = arith.select %and3A_894, %add3A_895, %rem3A_886 : i32
        %mul3A_897 = arith.constant 128 : i32
        %mul3A_898 = arith.muli %select_n3A_896, %mul3A_897 : i32
        %dma_start3A_899 = arith.constant 2 : i32
        %dma_start3A_900 = tpu.memref_slice %arg2[%select_n3A, %dma_start3A_899, %add3A_880, %mul3A_898] : memref<8x3x512x512xf32, #tpu.memory_space<hbm>> -> memref<1x1x8x128xf32, #tpu.memory_space<hbm>>
        %dma_start3A_901 = tpu.memref_squeeze %dma_start3A_900 : memref<1x1x8x128xf32, #tpu.memory_space<hbm>> -> memref<8x128xf32, #tpu.memory_space<hbm>>
        %dma_start3A_902 = tpu.memref_slice %arg2[%select_n3A, %dma_start3A_899, %add3A_880, %mul3A_898] : memref<8x3x512x512xf32, #tpu.memory_space<hbm>> -> memref<1x1x8x128xf32, #tpu.memory_space<hbm>>
        %dma_start3A_903 = tpu.memref_squeeze %dma_start3A_902 : memref<1x1x8x128xf32, #tpu.memory_space<hbm>> -> memref<8x128xf32, #tpu.memory_space<hbm>>
        tpu.enqueue_dma source(%dma_start3A_903 : memref<8x128xf32, #tpu.memory_space<hbm>>) target(%arg11 : memref<8x128xf32, #tpu.memory_space<vmem>>) target_semaphore(%arg19 : memref<!tpu.dma_semaphore, #tpu.memory_space<semaphore_mem>>)
      } else {
      }
      %jit3A_127 = arith.constant 4 : i32
      %div3A_128 = arith.divsi %add3A_121, %jit3A_127 : i32
      %sign3A_129 = arith.constant 0 : i32
      %sign3A_130 = arith.cmpi sgt, %add3A_121, %sign3A_129 : i32
      %sign3A_131 = arith.extui %sign3A_130 : i1 to i32
      %sign3A_132 = arith.constant 0 : i32
      %sign3A_133 = arith.cmpi slt, %add3A_121, %sign3A_132 : i32
      %sign3A_134 = arith.extui %sign3A_133 : i1 to i32
      %sign3A_135 = arith.subi %sign3A_131, %sign3A_134 : i32
      %sign3A_136 = arith.constant 0 : i32
      %sign3A_137 = arith.cmpi sgt, %jit3A_127, %sign3A_136 : i32
      %sign3A_138 = arith.extui %sign3A_137 : i1 to i32
      %sign3A_139 = arith.constant 0 : i32
      %sign3A_140 = arith.cmpi slt, %jit3A_127, %sign3A_139 : i32
      %sign3A_141 = arith.extui %sign3A_140 : i1 to i32
      %sign3A_142 = arith.subi %sign3A_138, %sign3A_141 : i32
      %ne3A_143 = arith.cmpi ne, %sign3A_135, %sign3A_142 : i32
      %rem3A_144 = arith.remsi %add3A_121, %jit3A_127 : i32
      %ne3A_145 = arith.constant 0 : i32
      %ne3A_146 = arith.cmpi ne, %rem3A_144, %ne3A_145 : i32
      %and3A_147 = arith.andi %ne3A_143, %ne3A_146 : i1
      %sub3A_148 = arith.constant 1 : i32
      %sub3A_149 = arith.subi %div3A_128, %sub3A_148 : i32
      %select_n3A_150 = arith.select %and3A_147, %sub3A_149, %div3A_128 : i32
      %mul3A_151 = arith.constant 8 : i32
      %mul3A_152 = arith.muli %select_n3A_150, %mul3A_151 : i32
      %add3A_153 = arith.addi %mul3A_32, %mul3A_152 : i32
      %jit3A_154 = arith.constant 4 : i32
      %eq3A_155 = arith.constant 0 : i32
      %eq3A_156 = arith.cmpi eq, %jit3A_154, %eq3A_155 : i32
      %jit3A_157 = arith.constant 1 : i32
      %select_n3A_158 = arith.select %eq3A_156, %jit3A_157, %jit3A_154 : i32
      %rem3A_159 = arith.remsi %add3A_121, %select_n3A_158 : i32
      %ne3A_160 = arith.constant 0 : i32
      %ne3A_161 = arith.cmpi ne, %rem3A_159, %ne3A_160 : i32
      %lt3A_162 = arith.constant 0 : i32
      %lt3A_163 = arith.cmpi slt, %rem3A_159, %lt3A_162 : i32
      %lt3A_164 = arith.constant 0 : i32
      %lt3A_165 = arith.cmpi slt, %select_n3A_158, %lt3A_164 : i32
      %ne3A_166 = arith.xori %lt3A_163, %lt3A_165 : i1
      %and3A_167 = arith.andi %ne3A_166, %ne3A_161 : i1
      %add3A_168 = arith.addi %rem3A_159, %select_n3A_158 : i32
      %select_n3A_169 = arith.select %and3A_167, %add3A_168, %rem3A_159 : i32
      %mul3A_170 = arith.constant 128 : i32
      %mul3A_171 = arith.muli %select_n3A_169, %mul3A_170 : i32
      %dma_wait3A_172 = arith.constant 0 : i32
      %dma_wait3A_173 = tpu.memref_slice %arg2[%select_n3A, %dma_wait3A_172, %add3A_153, %mul3A_171] : memref<8x3x512x512xf32, #tpu.memory_space<hbm>> -> memref<1x1x8x128xf32, #tpu.memory_space<hbm>>
      %dma_wait3A_174 = tpu.memref_squeeze %dma_wait3A_173 : memref<1x1x8x128xf32, #tpu.memory_space<hbm>> -> memref<8x128xf32, #tpu.memory_space<hbm>>
      %dma_wait3A_175 = tpu.memref_slice %arg2[%select_n3A, %dma_wait3A_172, %add3A_153, %mul3A_171] : memref<8x3x512x512xf32, #tpu.memory_space<hbm>> -> memref<1x1x8x128xf32, #tpu.memory_space<hbm>>
      %dma_wait3A_176 = tpu.memref_squeeze %dma_wait3A_175 : memref<1x1x8x128xf32, #tpu.memory_space<hbm>> -> memref<8x128xf32, #tpu.memory_space<hbm>>
      tpu.wait_dma2 semaphore(%arg18 : memref<!tpu.dma_semaphore, #tpu.memory_space<semaphore_mem>>) src(%dma_wait3A_176 : memref<8x128xf32, #tpu.memory_space<hbm>>) dst(%arg6 : memref<8x128xf32, #tpu.memory_space<vmem>>)
      %jit3A_177 = arith.constant 4 : i32
      %div3A_178 = arith.divsi %add3A_121, %jit3A_177 : i32
      %sign3A_179 = arith.constant 0 : i32
      %sign3A_180 = arith.cmpi sgt, %add3A_121, %sign3A_179 : i32
      %sign3A_181 = arith.extui %sign3A_180 : i1 to i32
      %sign3A_182 = arith.constant 0 : i32
      %sign3A_183 = arith.cmpi slt, %add3A_121, %sign3A_182 : i32
      %sign3A_184 = arith.extui %sign3A_183 : i1 to i32
      %sign3A_185 = arith.subi %sign3A_181, %sign3A_184 : i32
      %sign3A_186 = arith.constant 0 : i32
      %sign3A_187 = arith.cmpi sgt, %jit3A_177, %sign3A_186 : i32
      %sign3A_188 = arith.extui %sign3A_187 : i1 to i32
      %sign3A_189 = arith.constant 0 : i32
      %sign3A_190 = arith.cmpi slt, %jit3A_177, %sign3A_189 : i32
      %sign3A_191 = arith.extui %sign3A_190 : i1 to i32
      %sign3A_192 = arith.subi %sign3A_188, %sign3A_191 : i32
      %ne3A_193 = arith.cmpi ne, %sign3A_185, %sign3A_192 : i32
      %rem3A_194 = arith.remsi %add3A_121, %jit3A_177 : i32
      %ne3A_195 = arith.constant 0 : i32
      %ne3A_196 = arith.cmpi ne, %rem3A_194, %ne3A_195 : i32
      %and3A_197 = arith.andi %ne3A_193, %ne3A_196 : i1
      %sub3A_198 = arith.constant 1 : i32
      %sub3A_199 = arith.subi %div3A_178, %sub3A_198 : i32
      %select_n3A_200 = arith.select %and3A_197, %sub3A_199, %div3A_178 : i32
      %mul3A_201 = arith.constant 8 : i32
      %mul3A_202 = arith.muli %select_n3A_200, %mul3A_201 : i32
      %add3A_203 = arith.addi %mul3A_32, %mul3A_202 : i32
      %jit3A_204 = arith.constant 4 : i32
      %eq3A_205 = arith.constant 0 : i32
      %eq3A_206 = arith.cmpi eq, %jit3A_204, %eq3A_205 : i32
      %jit3A_207 = arith.constant 1 : i32
      %select_n3A_208 = arith.select %eq3A_206, %jit3A_207, %jit3A_204 : i32
      %rem3A_209 = arith.remsi %add3A_121, %select_n3A_208 : i32
      %ne3A_210 = arith.constant 0 : i32
      %ne3A_211 = arith.cmpi ne, %rem3A_209, %ne3A_210 : i32
      %lt3A_212 = arith.constant 0 : i32
      %lt3A_213 = arith.cmpi slt, %rem3A_209, %lt3A_212 : i32
      %lt3A_214 = arith.constant 0 : i32
      %lt3A_215 = arith.cmpi slt, %select_n3A_208, %lt3A_214 : i32
      %ne3A_216 = arith.xori %lt3A_213, %lt3A_215 : i1
      %and3A_217 = arith.andi %ne3A_216, %ne3A_211 : i1
      %add3A_218 = arith.addi %rem3A_209, %select_n3A_208 : i32
      %select_n3A_219 = arith.select %and3A_217, %add3A_218, %rem3A_209 : i32
      %mul3A_220 = arith.constant 128 : i32
      %mul3A_221 = arith.muli %select_n3A_219, %mul3A_220 : i32
      %dma_wait3A_222 = arith.constant 1 : i32
      %dma_wait3A_223 = tpu.memref_slice %arg2[%select_n3A, %dma_wait3A_222, %add3A_203, %mul3A_221] : memref<8x3x512x512xf32, #tpu.memory_space<hbm>> -> memref<1x1x8x128xf32, #tpu.memory_space<hbm>>
      %dma_wait3A_224 = tpu.memref_squeeze %dma_wait3A_223 : memref<1x1x8x128xf32, #tpu.memory_space<hbm>> -> memref<8x128xf32, #tpu.memory_space<hbm>>
      %dma_wait3A_225 = tpu.memref_slice %arg2[%select_n3A, %dma_wait3A_222, %add3A_203, %mul3A_221] : memref<8x3x512x512xf32, #tpu.memory_space<hbm>> -> memref<1x1x8x128xf32, #tpu.memory_space<hbm>>
      %dma_wait3A_226 = tpu.memref_squeeze %dma_wait3A_225 : memref<1x1x8x128xf32, #tpu.memory_space<hbm>> -> memref<8x128xf32, #tpu.memory_space<hbm>>
      tpu.wait_dma2 semaphore(%arg18 : memref<!tpu.dma_semaphore, #tpu.memory_space<semaphore_mem>>) src(%dma_wait3A_226 : memref<8x128xf32, #tpu.memory_space<hbm>>) dst(%arg7 : memref<8x128xf32, #tpu.memory_space<vmem>>)
      %jit3A_227 = arith.constant 4 : i32
      %div3A_228 = arith.divsi %add3A_121, %jit3A_227 : i32
      %sign3A_229 = arith.constant 0 : i32
      %sign3A_230 = arith.cmpi sgt, %add3A_121, %sign3A_229 : i32
      %sign3A_231 = arith.extui %sign3A_230 : i1 to i32
      %sign3A_232 = arith.constant 0 : i32
      %sign3A_233 = arith.cmpi slt, %add3A_121, %sign3A_232 : i32
      %sign3A_234 = arith.extui %sign3A_233 : i1 to i32
      %sign3A_235 = arith.subi %sign3A_231, %sign3A_234 : i32
      %sign3A_236 = arith.constant 0 : i32
      %sign3A_237 = arith.cmpi sgt, %jit3A_227, %sign3A_236 : i32
      %sign3A_238 = arith.extui %sign3A_237 : i1 to i32
      %sign3A_239 = arith.constant 0 : i32
      %sign3A_240 = arith.cmpi slt, %jit3A_227, %sign3A_239 : i32
      %sign3A_241 = arith.extui %sign3A_240 : i1 to i32
      %sign3A_242 = arith.subi %sign3A_238, %sign3A_241 : i32
      %ne3A_243 = arith.cmpi ne, %sign3A_235, %sign3A_242 : i32
      %rem3A_244 = arith.remsi %add3A_121, %jit3A_227 : i32
      %ne3A_245 = arith.constant 0 : i32
      %ne3A_246 = arith.cmpi ne, %rem3A_244, %ne3A_245 : i32
      %and3A_247 = arith.andi %ne3A_243, %ne3A_246 : i1
      %sub3A_248 = arith.constant 1 : i32
      %sub3A_249 = arith.subi %div3A_228, %sub3A_248 : i32
      %select_n3A_250 = arith.select %and3A_247, %sub3A_249, %div3A_228 : i32
      %mul3A_251 = arith.constant 8 : i32
      %mul3A_252 = arith.muli %select_n3A_250, %mul3A_251 : i32
      %add3A_253 = arith.addi %mul3A_32, %mul3A_252 : i32
      %jit3A_254 = arith.constant 4 : i32
      %eq3A_255 = arith.constant 0 : i32
      %eq3A_256 = arith.cmpi eq, %jit3A_254, %eq3A_255 : i32
      %jit3A_257 = arith.constant 1 : i32
      %select_n3A_258 = arith.select %eq3A_256, %jit3A_257, %jit3A_254 : i32
      %rem3A_259 = arith.remsi %add3A_121, %select_n3A_258 : i32
      %ne3A_260 = arith.constant 0 : i32
      %ne3A_261 = arith.cmpi ne, %rem3A_259, %ne3A_260 : i32
      %lt3A_262 = arith.constant 0 : i32
      %lt3A_263 = arith.cmpi slt, %rem3A_259, %lt3A_262 : i32
      %lt3A_264 = arith.constant 0 : i32
      %lt3A_265 = arith.cmpi slt, %select_n3A_258, %lt3A_264 : i32
      %ne3A_266 = arith.xori %lt3A_263, %lt3A_265 : i1
      %and3A_267 = arith.andi %ne3A_266, %ne3A_261 : i1
      %add3A_268 = arith.addi %rem3A_259, %select_n3A_258 : i32
      %select_n3A_269 = arith.select %and3A_267, %add3A_268, %rem3A_259 : i32
      %mul3A_270 = arith.constant 128 : i32
      %mul3A_271 = arith.muli %select_n3A_269, %mul3A_270 : i32
      %dma_wait3A_272 = arith.constant 2 : i32
      %dma_wait3A_273 = tpu.memref_slice %arg2[%select_n3A, %dma_wait3A_272, %add3A_253, %mul3A_271] : memref<8x3x512x512xf32, #tpu.memory_space<hbm>> -> memref<1x1x8x128xf32, #tpu.memory_space<hbm>>
      %dma_wait3A_274 = tpu.memref_squeeze %dma_wait3A_273 : memref<1x1x8x128xf32, #tpu.memory_space<hbm>> -> memref<8x128xf32, #tpu.memory_space<hbm>>
      %dma_wait3A_275 = tpu.memref_slice %arg2[%select_n3A, %dma_wait3A_272, %add3A_253, %mul3A_271] : memref<8x3x512x512xf32, #tpu.memory_space<hbm>> -> memref<1x1x8x128xf32, #tpu.memory_space<hbm>>
      %dma_wait3A_276 = tpu.memref_squeeze %dma_wait3A_275 : memref<1x1x8x128xf32, #tpu.memory_space<hbm>> -> memref<8x128xf32, #tpu.memory_space<hbm>>
      tpu.wait_dma2 semaphore(%arg18 : memref<!tpu.dma_semaphore, #tpu.memory_space<semaphore_mem>>) src(%dma_wait3A_276 : memref<8x128xf32, #tpu.memory_space<hbm>>) dst(%arg8 : memref<8x128xf32, #tpu.memory_space<vmem>>)
      %ge3A = arith.constant 2 : i32
      %ge3A_277 = arith.cmpi sge, %add3A_121, %ge3A : i32
      %convert_element_type3A_278 = arith.extui %ge3A_277 : i1 to i32
      %cond3A_279 = arith.constant 0 : i32
      %cond3A_280 = arith.cmpi ne, %convert_element_type3A_278, %cond3A_279 : i32
      scf.if %cond3A_280 {
        %sub3A_752 = arith.constant 2 : i32
        %sub3A_753 = arith.subi %add3A_121, %sub3A_752 : i32
        %jit3A_754 = arith.constant 4 : i32
        %div3A_755 = arith.divsi %sub3A_753, %jit3A_754 : i32
        %sign3A_756 = arith.constant 0 : i32
        %sign3A_757 = arith.cmpi sgt, %sub3A_753, %sign3A_756 : i32
        %sign3A_758 = arith.extui %sign3A_757 : i1 to i32
        %sign3A_759 = arith.constant 0 : i32
        %sign3A_760 = arith.cmpi slt, %sub3A_753, %sign3A_759 : i32
        %sign3A_761 = arith.extui %sign3A_760 : i1 to i32
        %sign3A_762 = arith.subi %sign3A_758, %sign3A_761 : i32
        %sign3A_763 = arith.constant 0 : i32
        %sign3A_764 = arith.cmpi sgt, %jit3A_754, %sign3A_763 : i32
        %sign3A_765 = arith.extui %sign3A_764 : i1 to i32
        %sign3A_766 = arith.constant 0 : i32
        %sign3A_767 = arith.cmpi slt, %jit3A_754, %sign3A_766 : i32
        %sign3A_768 = arith.extui %sign3A_767 : i1 to i32
        %sign3A_769 = arith.subi %sign3A_765, %sign3A_768 : i32
        %ne3A_770 = arith.cmpi ne, %sign3A_762, %sign3A_769 : i32
        %rem3A_771 = arith.remsi %sub3A_753, %jit3A_754 : i32
        %ne3A_772 = arith.constant 0 : i32
        %ne3A_773 = arith.cmpi ne, %rem3A_771, %ne3A_772 : i32
        %and3A_774 = arith.andi %ne3A_770, %ne3A_773 : i1
        %sub3A_775 = arith.constant 1 : i32
        %sub3A_776 = arith.subi %div3A_755, %sub3A_775 : i32
        %select_n3A_777 = arith.select %and3A_774, %sub3A_776, %div3A_755 : i32
        %mul3A_778 = arith.constant 8 : i32
        %mul3A_779 = arith.muli %select_n3A_777, %mul3A_778 : i32
        %add3A_780 = arith.addi %mul3A_32, %mul3A_779 : i32
        %jit3A_781 = arith.constant 4 : i32
        %eq3A_782 = arith.constant 0 : i32
        %eq3A_783 = arith.cmpi eq, %jit3A_781, %eq3A_782 : i32
        %jit3A_784 = arith.constant 1 : i32
        %select_n3A_785 = arith.select %eq3A_783, %jit3A_784, %jit3A_781 : i32
        %rem3A_786 = arith.remsi %sub3A_753, %select_n3A_785 : i32
        %ne3A_787 = arith.constant 0 : i32
        %ne3A_788 = arith.cmpi ne, %rem3A_786, %ne3A_787 : i32
        %lt3A_789 = arith.constant 0 : i32
        %lt3A_790 = arith.cmpi slt, %rem3A_786, %lt3A_789 : i32
        %lt3A_791 = arith.constant 0 : i32
        %lt3A_792 = arith.cmpi slt, %select_n3A_785, %lt3A_791 : i32
        %ne3A_793 = arith.xori %lt3A_790, %lt3A_792 : i1
        %and3A_794 = arith.andi %ne3A_793, %ne3A_788 : i1
        %add3A_795 = arith.addi %rem3A_786, %select_n3A_785 : i32
        %select_n3A_796 = arith.select %and3A_794, %add3A_795, %rem3A_786 : i32
        %mul3A_797 = arith.constant 128 : i32
        %mul3A_798 = arith.muli %select_n3A_796, %mul3A_797 : i32
        %dma_wait3A_799 = arith.constant 0 : i32
        %dma_wait3A_800 = tpu.memref_slice %arg4[%select_n3A, %dma_wait3A_799, %add3A_780, %mul3A_798] : memref<8x3x512x512xf32, #tpu.memory_space<hbm>> -> memref<1x1x8x128xf32, #tpu.memory_space<hbm>>
        %dma_wait3A_801 = tpu.memref_squeeze %dma_wait3A_800 : memref<1x1x8x128xf32, #tpu.memory_space<hbm>> -> memref<8x128xf32, #tpu.memory_space<hbm>>
        %dma_wait3A_802 = tpu.memref_slice %arg4[%select_n3A, %dma_wait3A_799, %add3A_780, %mul3A_798] : memref<8x3x512x512xf32, #tpu.memory_space<hbm>> -> memref<1x1x8x128xf32, #tpu.memory_space<hbm>>
        %dma_wait3A_803 = tpu.memref_squeeze %dma_wait3A_802 : memref<1x1x8x128xf32, #tpu.memory_space<hbm>> -> memref<8x128xf32, #tpu.memory_space<hbm>>
        tpu.wait_dma2 semaphore(%arg20 : memref<!tpu.dma_semaphore, #tpu.memory_space<semaphore_mem>>) src(%arg12 : memref<8x128xf32, #tpu.memory_space<vmem>>) dst(%dma_wait3A_803 : memref<8x128xf32, #tpu.memory_space<hbm>>)
        %jit3A_804 = arith.constant 4 : i32
        %div3A_805 = arith.divsi %sub3A_753, %jit3A_804 : i32
        %sign3A_806 = arith.constant 0 : i32
        %sign3A_807 = arith.cmpi sgt, %sub3A_753, %sign3A_806 : i32
        %sign3A_808 = arith.extui %sign3A_807 : i1 to i32
        %sign3A_809 = arith.constant 0 : i32
        %sign3A_810 = arith.cmpi slt, %sub3A_753, %sign3A_809 : i32
        %sign3A_811 = arith.extui %sign3A_810 : i1 to i32
        %sign3A_812 = arith.subi %sign3A_808, %sign3A_811 : i32
        %sign3A_813 = arith.constant 0 : i32
        %sign3A_814 = arith.cmpi sgt, %jit3A_804, %sign3A_813 : i32
        %sign3A_815 = arith.extui %sign3A_814 : i1 to i32
        %sign3A_816 = arith.constant 0 : i32
        %sign3A_817 = arith.cmpi slt, %jit3A_804, %sign3A_816 : i32
        %sign3A_818 = arith.extui %sign3A_817 : i1 to i32
        %sign3A_819 = arith.subi %sign3A_815, %sign3A_818 : i32
        %ne3A_820 = arith.cmpi ne, %sign3A_812, %sign3A_819 : i32
        %rem3A_821 = arith.remsi %sub3A_753, %jit3A_804 : i32
        %ne3A_822 = arith.constant 0 : i32
        %ne3A_823 = arith.cmpi ne, %rem3A_821, %ne3A_822 : i32
        %and3A_824 = arith.andi %ne3A_820, %ne3A_823 : i1
        %sub3A_825 = arith.constant 1 : i32
        %sub3A_826 = arith.subi %div3A_805, %sub3A_825 : i32
        %select_n3A_827 = arith.select %and3A_824, %sub3A_826, %div3A_805 : i32
        %mul3A_828 = arith.constant 8 : i32
        %mul3A_829 = arith.muli %select_n3A_827, %mul3A_828 : i32
        %add3A_830 = arith.addi %mul3A_32, %mul3A_829 : i32
        %jit3A_831 = arith.constant 4 : i32
        %eq3A_832 = arith.constant 0 : i32
        %eq3A_833 = arith.cmpi eq, %jit3A_831, %eq3A_832 : i32
        %jit3A_834 = arith.constant 1 : i32
        %select_n3A_835 = arith.select %eq3A_833, %jit3A_834, %jit3A_831 : i32
        %rem3A_836 = arith.remsi %sub3A_753, %select_n3A_835 : i32
        %ne3A_837 = arith.constant 0 : i32
        %ne3A_838 = arith.cmpi ne, %rem3A_836, %ne3A_837 : i32
        %lt3A_839 = arith.constant 0 : i32
        %lt3A_840 = arith.cmpi slt, %rem3A_836, %lt3A_839 : i32
        %lt3A_841 = arith.constant 0 : i32
        %lt3A_842 = arith.cmpi slt, %select_n3A_835, %lt3A_841 : i32
        %ne3A_843 = arith.xori %lt3A_840, %lt3A_842 : i1
        %and3A_844 = arith.andi %ne3A_843, %ne3A_838 : i1
        %add3A_845 = arith.addi %rem3A_836, %select_n3A_835 : i32
        %select_n3A_846 = arith.select %and3A_844, %add3A_845, %rem3A_836 : i32
        %mul3A_847 = arith.constant 128 : i32
        %mul3A_848 = arith.muli %select_n3A_846, %mul3A_847 : i32
        %dma_wait3A_849 = arith.constant 1 : i32
        %dma_wait3A_850 = tpu.memref_slice %arg4[%select_n3A, %dma_wait3A_849, %add3A_830, %mul3A_848] : memref<8x3x512x512xf32, #tpu.memory_space<hbm>> -> memref<1x1x8x128xf32, #tpu.memory_space<hbm>>
        %dma_wait3A_851 = tpu.memref_squeeze %dma_wait3A_850 : memref<1x1x8x128xf32, #tpu.memory_space<hbm>> -> memref<8x128xf32, #tpu.memory_space<hbm>>
        %dma_wait3A_852 = tpu.memref_slice %arg4[%select_n3A, %dma_wait3A_849, %add3A_830, %mul3A_848] : memref<8x3x512x512xf32, #tpu.memory_space<hbm>> -> memref<1x1x8x128xf32, #tpu.memory_space<hbm>>
        %dma_wait3A_853 = tpu.memref_squeeze %dma_wait3A_852 : memref<1x1x8x128xf32, #tpu.memory_space<hbm>> -> memref<8x128xf32, #tpu.memory_space<hbm>>
        tpu.wait_dma2 semaphore(%arg20 : memref<!tpu.dma_semaphore, #tpu.memory_space<semaphore_mem>>) src(%arg13 : memref<8x128xf32, #tpu.memory_space<vmem>>) dst(%dma_wait3A_853 : memref<8x128xf32, #tpu.memory_space<hbm>>)
        %jit3A_854 = arith.constant 4 : i32
        %div3A_855 = arith.divsi %sub3A_753, %jit3A_854 : i32
        %sign3A_856 = arith.constant 0 : i32
        %sign3A_857 = arith.cmpi sgt, %sub3A_753, %sign3A_856 : i32
        %sign3A_858 = arith.extui %sign3A_857 : i1 to i32
        %sign3A_859 = arith.constant 0 : i32
        %sign3A_860 = arith.cmpi slt, %sub3A_753, %sign3A_859 : i32
        %sign3A_861 = arith.extui %sign3A_860 : i1 to i32
        %sign3A_862 = arith.subi %sign3A_858, %sign3A_861 : i32
        %sign3A_863 = arith.constant 0 : i32
        %sign3A_864 = arith.cmpi sgt, %jit3A_854, %sign3A_863 : i32
        %sign3A_865 = arith.extui %sign3A_864 : i1 to i32
        %sign3A_866 = arith.constant 0 : i32
        %sign3A_867 = arith.cmpi slt, %jit3A_854, %sign3A_866 : i32
        %sign3A_868 = arith.extui %sign3A_867 : i1 to i32
        %sign3A_869 = arith.subi %sign3A_865, %sign3A_868 : i32
        %ne3A_870 = arith.cmpi ne, %sign3A_862, %sign3A_869 : i32
        %rem3A_871 = arith.remsi %sub3A_753, %jit3A_854 : i32
        %ne3A_872 = arith.constant 0 : i32
        %ne3A_873 = arith.cmpi ne, %rem3A_871, %ne3A_872 : i32
        %and3A_874 = arith.andi %ne3A_870, %ne3A_873 : i1
        %sub3A_875 = arith.constant 1 : i32
        %sub3A_876 = arith.subi %div3A_855, %sub3A_875 : i32
        %select_n3A_877 = arith.select %and3A_874, %sub3A_876, %div3A_855 : i32
        %mul3A_878 = arith.constant 8 : i32
        %mul3A_879 = arith.muli %select_n3A_877, %mul3A_878 : i32
        %add3A_880 = arith.addi %mul3A_32, %mul3A_879 : i32
        %jit3A_881 = arith.constant 4 : i32
        %eq3A_882 = arith.constant 0 : i32
        %eq3A_883 = arith.cmpi eq, %jit3A_881, %eq3A_882 : i32
        %jit3A_884 = arith.constant 1 : i32
        %select_n3A_885 = arith.select %eq3A_883, %jit3A_884, %jit3A_881 : i32
        %rem3A_886 = arith.remsi %sub3A_753, %select_n3A_885 : i32
        %ne3A_887 = arith.constant 0 : i32
        %ne3A_888 = arith.cmpi ne, %rem3A_886, %ne3A_887 : i32
        %lt3A_889 = arith.constant 0 : i32
        %lt3A_890 = arith.cmpi slt, %rem3A_886, %lt3A_889 : i32
        %lt3A_891 = arith.constant 0 : i32
        %lt3A_892 = arith.cmpi slt, %select_n3A_885, %lt3A_891 : i32
        %ne3A_893 = arith.xori %lt3A_890, %lt3A_892 : i1
        %and3A_894 = arith.andi %ne3A_893, %ne3A_888 : i1
        %add3A_895 = arith.addi %rem3A_886, %select_n3A_885 : i32
        %select_n3A_896 = arith.select %and3A_894, %add3A_895, %rem3A_886 : i32
        %mul3A_897 = arith.constant 128 : i32
        %mul3A_898 = arith.muli %select_n3A_896, %mul3A_897 : i32
        %dma_wait3A_899 = arith.constant 2 : i32
        %dma_wait3A_900 = tpu.memref_slice %arg4[%select_n3A, %dma_wait3A_899, %add3A_880, %mul3A_898] : memref<8x3x512x512xf32, #tpu.memory_space<hbm>> -> memref<1x1x8x128xf32, #tpu.memory_space<hbm>>
        %dma_wait3A_901 = tpu.memref_squeeze %dma_wait3A_900 : memref<1x1x8x128xf32, #tpu.memory_space<hbm>> -> memref<8x128xf32, #tpu.memory_space<hbm>>
        %dma_wait3A_902 = tpu.memref_slice %arg4[%select_n3A, %dma_wait3A_899, %add3A_880, %mul3A_898] : memref<8x3x512x512xf32, #tpu.memory_space<hbm>> -> memref<1x1x8x128xf32, #tpu.memory_space<hbm>>
        %dma_wait3A_903 = tpu.memref_squeeze %dma_wait3A_902 : memref<1x1x8x128xf32, #tpu.memory_space<hbm>> -> memref<8x128xf32, #tpu.memory_space<hbm>>
        tpu.wait_dma2 semaphore(%arg20 : memref<!tpu.dma_semaphore, #tpu.memory_space<semaphore_mem>>) src(%arg14 : memref<8x128xf32, #tpu.memory_space<vmem>>) dst(%dma_wait3A_903 : memref<8x128xf32, #tpu.memory_space<hbm>>)
      } else {
      }
      %parallel_loop3A = arith.constant 0 : i32
      %parallel_loop3A_281 = arith.constant 1024 : i32
      %parallel_loop3A_282 = arith.constant 16 : i32
      scf.for %parallel_loop3A_752 = %parallel_loop3A to %parallel_loop3A_281 step %parallel_loop3A_282  : i32 {
        %parallel_loop3A_753 = arith.constant 128 : i32
        %parallel_loop3A_754 = arith.divsi %parallel_loop3A_752, %parallel_loop3A_753 : i32
        %parallel_loop3A_755 = arith.constant 0 : i32
        %parallel_loop3A_756 = arith.cmpi sgt, %parallel_loop3A_752, %parallel_loop3A_755 : i32
        %parallel_loop3A_757 = arith.extui %parallel_loop3A_756 : i1 to i32
        %parallel_loop3A_758 = arith.constant 0 : i32
        %parallel_loop3A_759 = arith.cmpi slt, %parallel_loop3A_752, %parallel_loop3A_758 : i32
        %parallel_loop3A_760 = arith.extui %parallel_loop3A_759 : i1 to i32
        %parallel_loop3A_761 = arith.subi %parallel_loop3A_757, %parallel_loop3A_760 : i32
        %parallel_loop3A_762 = arith.constant 0 : i32
        %parallel_loop3A_763 = arith.cmpi sgt, %parallel_loop3A_753, %parallel_loop3A_762 : i32
        %parallel_loop3A_764 = arith.extui %parallel_loop3A_763 : i1 to i32
        %parallel_loop3A_765 = arith.constant 0 : i32
        %parallel_loop3A_766 = arith.cmpi slt, %parallel_loop3A_753, %parallel_loop3A_765 : i32
        %parallel_loop3A_767 = arith.extui %parallel_loop3A_766 : i1 to i32
        %parallel_loop3A_768 = arith.subi %parallel_loop3A_764, %parallel_loop3A_767 : i32
        %parallel_loop3A_769 = arith.cmpi ne, %parallel_loop3A_761, %parallel_loop3A_768 : i32
        %parallel_loop3A_770 = arith.remsi %parallel_loop3A_752, %parallel_loop3A_753 : i32
        %parallel_loop3A_771 = arith.constant 0 : i32
        %parallel_loop3A_772 = arith.cmpi ne, %parallel_loop3A_770, %parallel_loop3A_771 : i32
        %parallel_loop3A_773 = arith.andi %parallel_loop3A_769, %parallel_loop3A_772 : i1
        %parallel_loop3A_774 = arith.constant 1 : i32
        %parallel_loop3A_775 = arith.subi %parallel_loop3A_754, %parallel_loop3A_774 : i32
        %parallel_loop3A_776 = arith.select %parallel_loop3A_773, %parallel_loop3A_775, %parallel_loop3A_754 : i32
        %parallel_loop3A_777 = arith.constant 128 : i32
        %parallel_loop3A_778 = arith.constant 0 : i32
        %parallel_loop3A_779 = arith.cmpi eq, %parallel_loop3A_777, %parallel_loop3A_778 : i32
        %parallel_loop3A_780 = arith.constant 1 : i32
        %parallel_loop3A_781 = arith.select %parallel_loop3A_779, %parallel_loop3A_780, %parallel_loop3A_777 : i32
        %parallel_loop3A_782 = arith.remsi %parallel_loop3A_752, %parallel_loop3A_781 : i32
        %parallel_loop3A_783 = arith.constant 0 : i32
        %parallel_loop3A_784 = arith.cmpi ne, %parallel_loop3A_782, %parallel_loop3A_783 : i32
        %parallel_loop3A_785 = arith.constant 0 : i32
        %parallel_loop3A_786 = arith.cmpi slt, %parallel_loop3A_782, %parallel_loop3A_785 : i32
        %parallel_loop3A_787 = arith.constant 0 : i32
        %parallel_loop3A_788 = arith.cmpi slt, %parallel_loop3A_781, %parallel_loop3A_787 : i32
        %parallel_loop3A_789 = arith.xori %parallel_loop3A_786, %parallel_loop3A_788 : i1
        %parallel_loop3A_790 = arith.andi %parallel_loop3A_789, %parallel_loop3A_784 : i1
        %parallel_loop3A_791 = arith.addi %parallel_loop3A_782, %parallel_loop3A_781 : i32
        %parallel_loop3A_792 = arith.select %parallel_loop3A_790, %parallel_loop3A_791, %parallel_loop3A_782 : i32
        %parallel_loop3A_793 = arith.index_cast %parallel_loop3A_776 : i32 to index
        %parallel_loop3A_794 = arith.index_cast %parallel_loop3A_792 : i32 to index
        %parallel_loop3A_795 = tpu.vector_load %arg6[%parallel_loop3A_793, %parallel_loop3A_794] {strides = array<i32>} : memref<8x128xf32, #tpu.memory_space<vmem>>, vector<16xf32>,
        %parallel_loop3A_796 = arith.index_cast %parallel_loop3A_776 : i32 to index
        %parallel_loop3A_797 = arith.index_cast %parallel_loop3A_792 : i32 to index
        %parallel_loop3A_798 = tpu.vector_load %arg7[%parallel_loop3A_796, %parallel_loop3A_797] {strides = array<i32>} : memref<8x128xf32, #tpu.memory_space<vmem>>, vector<16xf32>,
        %parallel_loop3A_799 = arith.index_cast %parallel_loop3A_776 : i32 to index
        %parallel_loop3A_800 = arith.index_cast %parallel_loop3A_792 : i32 to index
        %parallel_loop3A_801 = tpu.vector_load %arg8[%parallel_loop3A_799, %parallel_loop3A_800] {strides = array<i32>} : memref<8x128xf32, #tpu.memory_space<vmem>>, vector<16xf32>,
        %parallel_loop3A_802 = arith.constant 3.200000e+01 : f32
        %parallel_loop3A_803 = vector.broadcast %parallel_loop3A_802 : f32 to vector<16xf32>
        %parallel_loop3A_804 = arith.mulf %parallel_loop3A_795, %parallel_loop3A_803 : vector<16xf32>
        %parallel_loop3A_805 = arith.fptosi %parallel_loop3A_804 : vector<16xf32> to vector<16xi32>
        %parallel_loop3A_806 = arith.sitofp %parallel_loop3A_805 : vector<16xi32> to vector<16xf32>
        %parallel_loop3A_807 = arith.subf %parallel_loop3A_804, %parallel_loop3A_806 : vector<16xf32>
        %parallel_loop3A_808 = arith.constant 3.200000e+01 : f32
        %parallel_loop3A_809 = vector.broadcast %parallel_loop3A_808 : f32 to vector<16xf32>
        %parallel_loop3A_810 = arith.mulf %parallel_loop3A_798, %parallel_loop3A_809 : vector<16xf32>
        %parallel_loop3A_811 = arith.fptosi %parallel_loop3A_810 : vector<16xf32> to vector<16xi32>
        %parallel_loop3A_812 = arith.sitofp %parallel_loop3A_811 : vector<16xi32> to vector<16xf32>
        %parallel_loop3A_813 = arith.subf %parallel_loop3A_810, %parallel_loop3A_812 : vector<16xf32>
        %parallel_loop3A_814 = arith.constant 3.200000e+01 : f32
        %parallel_loop3A_815 = vector.broadcast %parallel_loop3A_814 : f32 to vector<16xf32>
        %parallel_loop3A_816 = arith.mulf %parallel_loop3A_801, %parallel_loop3A_815 : vector<16xf32>
        %parallel_loop3A_817 = arith.fptosi %parallel_loop3A_816 : vector<16xf32> to vector<16xi32>
        %parallel_loop3A_818 = arith.sitofp %parallel_loop3A_817 : vector<16xi32> to vector<16xf32>
        %parallel_loop3A_819 = arith.subf %parallel_loop3A_816, %parallel_loop3A_818 : vector<16xf32>
        %parallel_loop3A_820 = arith.constant 1089 : i32
        %parallel_loop3A_821 = vector.broadcast %parallel_loop3A_820 : i32 to vector<16xi32>
        %parallel_loop3A_822 = arith.muli %parallel_loop3A_805, %parallel_loop3A_821 : vector<16xi32>
        %parallel_loop3A_823 = arith.constant 33 : i32
        %parallel_loop3A_824 = vector.broadcast %parallel_loop3A_823 : i32 to vector<16xi32>
        %parallel_loop3A_825 = arith.muli %parallel_loop3A_811, %parallel_loop3A_824 : vector<16xi32>
        %parallel_loop3A_826 = arith.addi %parallel_loop3A_822, %parallel_loop3A_825 : vector<16xi32>
        %parallel_loop3A_827 = arith.addi %parallel_loop3A_826, %parallel_loop3A_817 : vector<16xi32>
        %parallel_loop3A_828 = arith.constant 1.000000e+00 : f32
        %parallel_loop3A_829 = vector.broadcast %parallel_loop3A_828 : f32 to vector<16xf32>
        %parallel_loop3A_830 = arith.subf %parallel_loop3A_829, %parallel_loop3A_819 : vector<16xf32>
        %parallel_loop3A_831 = arith.constant 1.000000e+00 : f32
        %parallel_loop3A_832 = vector.broadcast %parallel_loop3A_831 : f32 to vector<16xf32>
        %parallel_loop3A_833 = arith.subf %parallel_loop3A_832, %parallel_loop3A_813 : vector<16xf32>
        %parallel_loop3A_834 = arith.mulf %parallel_loop3A_833, %parallel_loop3A_830 : vector<16xf32>
        %parallel_loop3A_835 = arith.mulf %parallel_loop3A_833, %parallel_loop3A_819 : vector<16xf32>
        %parallel_loop3A_836 = arith.mulf %parallel_loop3A_813, %parallel_loop3A_830 : vector<16xf32>
        %parallel_loop3A_837 = arith.mulf %parallel_loop3A_813, %parallel_loop3A_819 : vector<16xf32>
        %parallel_loop3A_838 = arith.constant 1.000000e+00 : f32
        %parallel_loop3A_839 = vector.broadcast %parallel_loop3A_838 : f32 to vector<16xf32>
        %parallel_loop3A_840 = arith.subf %parallel_loop3A_839, %parallel_loop3A_807 : vector<16xf32>
        %parallel_loop3A_841 = arith.constant 0 : i32
        %parallel_loop3A_842 = tpu.memref_slice %arg5[%parallel_loop3A_841] : memref<107832xf32, #tpu.memory_space<vmem>> -> memref<35944xf32, #tpu.memory_space<vmem>>
        %parallel_loop3A_843 = tpu.vector_load_idx %parallel_loop3A_842[%parallel_loop3A_827] : memref<35944xf32, #tpu.memory_space<vmem>>[vector<16xi32>], vector<16xf32>,
        %parallel_loop3A_844 = arith.mulf %parallel_loop3A_843, %parallel_loop3A_834 : vector<16xf32>
        %parallel_loop3A_845 = arith.constant 35944 : i32
        %parallel_loop3A_846 = tpu.memref_slice %arg5[%parallel_loop3A_845] : memref<107832xf32, #tpu.memory_space<vmem>> -> memref<35944xf32, #tpu.memory_space<vmem>>
        %parallel_loop3A_847 = tpu.vector_load_idx %parallel_loop3A_846[%parallel_loop3A_827] : memref<35944xf32, #tpu.memory_space<vmem>>[vector<16xi32>], vector<16xf32>,
        %parallel_loop3A_848 = arith.mulf %parallel_loop3A_847, %parallel_loop3A_834 : vector<16xf32>
        %parallel_loop3A_849 = arith.constant 71888 : i32
        %parallel_loop3A_850 = tpu.memref_slice %arg5[%parallel_loop3A_849] : memref<107832xf32, #tpu.memory_space<vmem>> -> memref<35944xf32, #tpu.memory_space<vmem>>
        %parallel_loop3A_851 = tpu.vector_load_idx %parallel_loop3A_850[%parallel_loop3A_827] : memref<35944xf32, #tpu.memory_space<vmem>>[vector<16xi32>], vector<16xf32>,
        %parallel_loop3A_852 = arith.mulf %parallel_loop3A_851, %parallel_loop3A_834 : vector<16xf32>
        %parallel_loop3A_853 = arith.constant 1 : i32
        %parallel_loop3A_854 = vector.broadcast %parallel_loop3A_853 : i32 to vector<16xi32>
        %parallel_loop3A_855 = arith.addi %parallel_loop3A_827, %parallel_loop3A_854 : vector<16xi32>
        %parallel_loop3A_856 = arith.constant 0 : i32
        %parallel_loop3A_857 = tpu.memref_slice %arg5[%parallel_loop3A_856] : memref<107832xf32, #tpu.memory_space<vmem>> -> memref<35944xf32, #tpu.memory_space<vmem>>
        %parallel_loop3A_858 = tpu.vector_load_idx %parallel_loop3A_857[%parallel_loop3A_855] : memref<35944xf32, #tpu.memory_space<vmem>>[vector<16xi32>], vector<16xf32>,
        %parallel_loop3A_859 = arith.mulf %parallel_loop3A_858, %parallel_loop3A_835 : vector<16xf32>
        %parallel_loop3A_860 = arith.addf %parallel_loop3A_844, %parallel_loop3A_859 : vector<16xf32>
        %parallel_loop3A_861 = arith.constant 35944 : i32
        %parallel_loop3A_862 = tpu.memref_slice %arg5[%parallel_loop3A_861] : memref<107832xf32, #tpu.memory_space<vmem>> -> memref<35944xf32, #tpu.memory_space<vmem>>
        %parallel_loop3A_863 = tpu.vector_load_idx %parallel_loop3A_862[%parallel_loop3A_855] : memref<35944xf32, #tpu.memory_space<vmem>>[vector<16xi32>], vector<16xf32>,
        %parallel_loop3A_864 = arith.mulf %parallel_loop3A_863, %parallel_loop3A_835 : vector<16xf32>
        %parallel_loop3A_865 = arith.addf %parallel_loop3A_848, %parallel_loop3A_864 : vector<16xf32>
        %parallel_loop3A_866 = arith.constant 71888 : i32
        %parallel_loop3A_867 = tpu.memref_slice %arg5[%parallel_loop3A_866] : memref<107832xf32, #tpu.memory_space<vmem>> -> memref<35944xf32, #tpu.memory_space<vmem>>
        %parallel_loop3A_868 = tpu.vector_load_idx %parallel_loop3A_867[%parallel_loop3A_855] : memref<35944xf32, #tpu.memory_space<vmem>>[vector<16xi32>], vector<16xf32>,
        %parallel_loop3A_869 = arith.mulf %parallel_loop3A_868, %parallel_loop3A_835 : vector<16xf32>
        %parallel_loop3A_870 = arith.addf %parallel_loop3A_852, %parallel_loop3A_869 : vector<16xf32>
        %parallel_loop3A_871 = arith.constant 33 : i32
        %parallel_loop3A_872 = vector.broadcast %parallel_loop3A_871 : i32 to vector<16xi32>
        %parallel_loop3A_873 = arith.addi %parallel_loop3A_827, %parallel_loop3A_872 : vector<16xi32>
        %parallel_loop3A_874 = arith.constant 0 : i32
        %parallel_loop3A_875 = tpu.memref_slice %arg5[%parallel_loop3A_874] : memref<107832xf32, #tpu.memory_space<vmem>> -> memref<35944xf32, #tpu.memory_space<vmem>>
        %parallel_loop3A_876 = tpu.vector_load_idx %parallel_loop3A_875[%parallel_loop3A_873] : memref<35944xf32, #tpu.memory_space<vmem>>[vector<16xi32>], vector<16xf32>,
        %parallel_loop3A_877 = arith.mulf %parallel_loop3A_876, %parallel_loop3A_836 : vector<16xf32>
        %parallel_loop3A_878 = arith.addf %parallel_loop3A_860, %parallel_loop3A_877 : vector<16xf32>
        %parallel_loop3A_879 = arith.constant 35944 : i32
        %parallel_loop3A_880 = tpu.memref_slice %arg5[%parallel_loop3A_879] : memref<107832xf32, #tpu.memory_space<vmem>> -> memref<35944xf32, #tpu.memory_space<vmem>>
        %parallel_loop3A_881 = tpu.vector_load_idx %parallel_loop3A_880[%parallel_loop3A_873] : memref<35944xf32, #tpu.memory_space<vmem>>[vector<16xi32>], vector<16xf32>,
        %parallel_loop3A_882 = arith.mulf %parallel_loop3A_881, %parallel_loop3A_836 : vector<16xf32>
        %parallel_loop3A_883 = arith.addf %parallel_loop3A_865, %parallel_loop3A_882 : vector<16xf32>
        %parallel_loop3A_884 = arith.constant 71888 : i32
        %parallel_loop3A_885 = tpu.memref_slice %arg5[%parallel_loop3A_884] : memref<107832xf32, #tpu.memory_space<vmem>> -> memref<35944xf32, #tpu.memory_space<vmem>>
        %parallel_loop3A_886 = tpu.vector_load_idx %parallel_loop3A_885[%parallel_loop3A_873] : memref<35944xf32, #tpu.memory_space<vmem>>[vector<16xi32>], vector<16xf32>,
        %parallel_loop3A_887 = arith.mulf %parallel_loop3A_886, %parallel_loop3A_836 : vector<16xf32>
        %parallel_loop3A_888 = arith.addf %parallel_loop3A_870, %parallel_loop3A_887 : vector<16xf32>
        %parallel_loop3A_889 = arith.constant 34 : i32
        %parallel_loop3A_890 = vector.broadcast %parallel_loop3A_889 : i32 to vector<16xi32>
        %parallel_loop3A_891 = arith.addi %parallel_loop3A_827, %parallel_loop3A_890 : vector<16xi32>
        %parallel_loop3A_892 = arith.constant 0 : i32
        %parallel_loop3A_893 = tpu.memref_slice %arg5[%parallel_loop3A_892] : memref<107832xf32, #tpu.memory_space<vmem>> -> memref<35944xf32, #tpu.memory_space<vmem>>
        %parallel_loop3A_894 = tpu.vector_load_idx %parallel_loop3A_893[%parallel_loop3A_891] : memref<35944xf32, #tpu.memory_space<vmem>>[vector<16xi32>], vector<16xf32>,
        %parallel_loop3A_895 = arith.mulf %parallel_loop3A_894, %parallel_loop3A_837 : vector<16xf32>
        %parallel_loop3A_896 = arith.addf %parallel_loop3A_878, %parallel_loop3A_895 : vector<16xf32>
        %parallel_loop3A_897 = arith.constant 35944 : i32
        %parallel_loop3A_898 = tpu.memref_slice %arg5[%parallel_loop3A_897] : memref<107832xf32, #tpu.memory_space<vmem>> -> memref<35944xf32, #tpu.memory_space<vmem>>
        %parallel_loop3A_899 = tpu.vector_load_idx %parallel_loop3A_898[%parallel_loop3A_891] : memref<35944xf32, #tpu.memory_space<vmem>>[vector<16xi32>], vector<16xf32>,
        %parallel_loop3A_900 = arith.mulf %parallel_loop3A_899, %parallel_loop3A_837 : vector<16xf32>
        %parallel_loop3A_901 = arith.addf %parallel_loop3A_883, %parallel_loop3A_900 : vector<16xf32>
        %parallel_loop3A_902 = arith.constant 71888 : i32
        %parallel_loop3A_903 = tpu.memref_slice %arg5[%parallel_loop3A_902] : memref<107832xf32, #tpu.memory_space<vmem>> -> memref<35944xf32, #tpu.memory_space<vmem>>
        %parallel_loop3A_904 = tpu.vector_load_idx %parallel_loop3A_903[%parallel_loop3A_891] : memref<35944xf32, #tpu.memory_space<vmem>>[vector<16xi32>], vector<16xf32>,
        %parallel_loop3A_905 = arith.mulf %parallel_loop3A_904, %parallel_loop3A_837 : vector<16xf32>
        %parallel_loop3A_906 = arith.addf %parallel_loop3A_888, %parallel_loop3A_905 : vector<16xf32>
        %parallel_loop3A_907 = arith.constant 1089 : i32
        %parallel_loop3A_908 = vector.broadcast %parallel_loop3A_907 : i32 to vector<16xi32>
        %parallel_loop3A_909 = arith.addi %parallel_loop3A_827, %parallel_loop3A_908 : vector<16xi32>
        %parallel_loop3A_910 = arith.constant 0 : i32
        %parallel_loop3A_911 = tpu.memref_slice %arg5[%parallel_loop3A_910] : memref<107832xf32, #tpu.memory_space<vmem>> -> memref<35944xf32, #tpu.memory_space<vmem>>
        %parallel_loop3A_912 = tpu.vector_load_idx %parallel_loop3A_911[%parallel_loop3A_909] : memref<35944xf32, #tpu.memory_space<vmem>>[vector<16xi32>], vector<16xf32>,
        %parallel_loop3A_913 = arith.mulf %parallel_loop3A_912, %parallel_loop3A_834 : vector<16xf32>
        %parallel_loop3A_914 = arith.constant 35944 : i32
        %parallel_loop3A_915 = tpu.memref_slice %arg5[%parallel_loop3A_914] : memref<107832xf32, #tpu.memory_space<vmem>> -> memref<35944xf32, #tpu.memory_space<vmem>>
        %parallel_loop3A_916 = tpu.vector_load_idx %parallel_loop3A_915[%parallel_loop3A_909] : memref<35944xf32, #tpu.memory_space<vmem>>[vector<16xi32>], vector<16xf32>,
        %parallel_loop3A_917 = arith.mulf %parallel_loop3A_916, %parallel_loop3A_834 : vector<16xf32>
        %parallel_loop3A_918 = arith.constant 71888 : i32
        %parallel_loop3A_919 = tpu.memref_slice %arg5[%parallel_loop3A_918] : memref<107832xf32, #tpu.memory_space<vmem>> -> memref<35944xf32, #tpu.memory_space<vmem>>
        %parallel_loop3A_920 = tpu.vector_load_idx %parallel_loop3A_919[%parallel_loop3A_909] : memref<35944xf32, #tpu.memory_space<vmem>>[vector<16xi32>], vector<16xf32>,
        %parallel_loop3A_921 = arith.mulf %parallel_loop3A_920, %parallel_loop3A_834 : vector<16xf32>
        %parallel_loop3A_922 = arith.constant 1090 : i32
        %parallel_loop3A_923 = vector.broadcast %parallel_loop3A_922 : i32 to vector<16xi32>
        %parallel_loop3A_924 = arith.addi %parallel_loop3A_827, %parallel_loop3A_923 : vector<16xi32>
        %parallel_loop3A_925 = arith.constant 0 : i32
        %parallel_loop3A_926 = tpu.memref_slice %arg5[%parallel_loop3A_925] : memref<107832xf32, #tpu.memory_space<vmem>> -> memref<35944xf32, #tpu.memory_space<vmem>>
        %parallel_loop3A_927 = tpu.vector_load_idx %parallel_loop3A_926[%parallel_loop3A_924] : memref<35944xf32, #tpu.memory_space<vmem>>[vector<16xi32>], vector<16xf32>,
        %parallel_loop3A_928 = arith.mulf %parallel_loop3A_927, %parallel_loop3A_835 : vector<16xf32>
        %parallel_loop3A_929 = arith.addf %parallel_loop3A_913, %parallel_loop3A_928 : vector<16xf32>
        %parallel_loop3A_930 = arith.constant 35944 : i32
        %parallel_loop3A_931 = tpu.memref_slice %arg5[%parallel_loop3A_930] : memref<107832xf32, #tpu.memory_space<vmem>> -> memref<35944xf32, #tpu.memory_space<vmem>>
        %parallel_loop3A_932 = tpu.vector_load_idx %parallel_loop3A_931[%parallel_loop3A_924] : memref<35944xf32, #tpu.memory_space<vmem>>[vector<16xi32>], vector<16xf32>,
        %parallel_loop3A_933 = arith.mulf %parallel_loop3A_932, %parallel_loop3A_835 : vector<16xf32>
        %parallel_loop3A_934 = arith.addf %parallel_loop3A_917, %parallel_loop3A_933 : vector<16xf32>
        %parallel_loop3A_935 = arith.constant 71888 : i32
        %parallel_loop3A_936 = tpu.memref_slice %arg5[%parallel_loop3A_935] : memref<107832xf32, #tpu.memory_space<vmem>> -> memref<35944xf32, #tpu.memory_space<vmem>>
        %parallel_loop3A_937 = tpu.vector_load_idx %parallel_loop3A_936[%parallel_loop3A_924] : memref<35944xf32, #tpu.memory_space<vmem>>[vector<16xi32>], vector<16xf32>,
        %parallel_loop3A_938 = arith.mulf %parallel_loop3A_937, %parallel_loop3A_835 : vector<16xf32>
        %parallel_loop3A_939 = arith.addf %parallel_loop3A_921, %parallel_loop3A_938 : vector<16xf32>
        %parallel_loop3A_940 = arith.constant 1122 : i32
        %parallel_loop3A_941 = vector.broadcast %parallel_loop3A_940 : i32 to vector<16xi32>
        %parallel_loop3A_942 = arith.addi %parallel_loop3A_827, %parallel_loop3A_941 : vector<16xi32>
        %parallel_loop3A_943 = arith.constant 0 : i32
        %parallel_loop3A_944 = tpu.memref_slice %arg5[%parallel_loop3A_943] : memref<107832xf32, #tpu.memory_space<vmem>> -> memref<35944xf32, #tpu.memory_space<vmem>>
        %parallel_loop3A_945 = tpu.vector_load_idx %parallel_loop3A_944[%parallel_loop3A_942] : memref<35944xf32, #tpu.memory_space<vmem>>[vector<16xi32>], vector<16xf32>,
        %parallel_loop3A_946 = arith.mulf %parallel_loop3A_945, %parallel_loop3A_836 : vector<16xf32>
        %parallel_loop3A_947 = arith.addf %parallel_loop3A_929, %parallel_loop3A_946 : vector<16xf32>
        %parallel_loop3A_948 = arith.constant 35944 : i32
        %parallel_loop3A_949 = tpu.memref_slice %arg5[%parallel_loop3A_948] : memref<107832xf32, #tpu.memory_space<vmem>> -> memref<35944xf32, #tpu.memory_space<vmem>>
        %parallel_loop3A_950 = tpu.vector_load_idx %parallel_loop3A_949[%parallel_loop3A_942] : memref<35944xf32, #tpu.memory_space<vmem>>[vector<16xi32>], vector<16xf32>,
        %parallel_loop3A_951 = arith.mulf %parallel_loop3A_950, %parallel_loop3A_836 : vector<16xf32>
        %parallel_loop3A_952 = arith.addf %parallel_loop3A_934, %parallel_loop3A_951 : vector<16xf32>
        %parallel_loop3A_953 = arith.constant 71888 : i32
        %parallel_loop3A_954 = tpu.memref_slice %arg5[%parallel_loop3A_953] : memref<107832xf32, #tpu.memory_space<vmem>> -> memref<35944xf32, #tpu.memory_space<vmem>>
        %parallel_loop3A_955 = tpu.vector_load_idx %parallel_loop3A_954[%parallel_loop3A_942] : memref<35944xf32, #tpu.memory_space<vmem>>[vector<16xi32>], vector<16xf32>,
        %parallel_loop3A_956 = arith.mulf %parallel_loop3A_955, %parallel_loop3A_836 : vector<16xf32>
        %parallel_loop3A_957 = arith.addf %parallel_loop3A_939, %parallel_loop3A_956 : vector<16xf32>
        %parallel_loop3A_958 = arith.constant 1123 : i32
        %parallel_loop3A_959 = vector.broadcast %parallel_loop3A_958 : i32 to vector<16xi32>
        %parallel_loop3A_960 = arith.addi %parallel_loop3A_827, %parallel_loop3A_959 : vector<16xi32>
        %parallel_loop3A_961 = arith.constant 0 : i32
        %parallel_loop3A_962 = tpu.memref_slice %arg5[%parallel_loop3A_961] : memref<107832xf32, #tpu.memory_space<vmem>> -> memref<35944xf32, #tpu.memory_space<vmem>>
        %parallel_loop3A_963 = tpu.vector_load_idx %parallel_loop3A_962[%parallel_loop3A_960] : memref<35944xf32, #tpu.memory_space<vmem>>[vector<16xi32>], vector<16xf32>,
        %parallel_loop3A_964 = arith.mulf %parallel_loop3A_963, %parallel_loop3A_837 : vector<16xf32>
        %parallel_loop3A_965 = arith.addf %parallel_loop3A_947, %parallel_loop3A_964 : vector<16xf32>
        %parallel_loop3A_966 = arith.constant 35944 : i32
        %parallel_loop3A_967 = tpu.memref_slice %arg5[%parallel_loop3A_966] : memref<107832xf32, #tpu.memory_space<vmem>> -> memref<35944xf32, #tpu.memory_space<vmem>>
        %parallel_loop3A_968 = tpu.vector_load_idx %parallel_loop3A_967[%parallel_loop3A_960] : memref<35944xf32, #tpu.memory_space<vmem>>[vector<16xi32>], vector<16xf32>,
        %parallel_loop3A_969 = arith.mulf %parallel_loop3A_968, %parallel_loop3A_837 : vector<16xf32>
        %parallel_loop3A_970 = arith.addf %parallel_loop3A_952, %parallel_loop3A_969 : vector<16xf32>
        %parallel_loop3A_971 = arith.constant 71888 : i32
        %parallel_loop3A_972 = tpu.memref_slice %arg5[%parallel_loop3A_971] : memref<107832xf32, #tpu.memory_space<vmem>> -> memref<35944xf32, #tpu.memory_space<vmem>>
        %parallel_loop3A_973 = tpu.vector_load_idx %parallel_loop3A_972[%parallel_loop3A_960] : memref<35944xf32, #tpu.memory_space<vmem>>[vector<16xi32>], vector<16xf32>,
        %parallel_loop3A_974 = arith.mulf %parallel_loop3A_973, %parallel_loop3A_837 : vector<16xf32>
        %parallel_loop3A_975 = arith.addf %parallel_loop3A_957, %parallel_loop3A_974 : vector<16xf32>
        %parallel_loop3A_976 = arith.mulf %parallel_loop3A_896, %parallel_loop3A_840 : vector<16xf32>
        %parallel_loop3A_977 = arith.mulf %parallel_loop3A_965, %parallel_loop3A_807 : vector<16xf32>
        %parallel_loop3A_978 = arith.addf %parallel_loop3A_976, %parallel_loop3A_977 : vector<16xf32>
        %parallel_loop3A_979 = arith.index_cast %parallel_loop3A_776 : i32 to index
        %parallel_loop3A_980 = arith.index_cast %parallel_loop3A_792 : i32 to index
        %parallel_loop3A_981 = tpu.vector_load %arg12[%parallel_loop3A_979, %parallel_loop3A_980] {strides = array<i32>} : memref<8x128xf32, #tpu.memory_space<vmem>>, vector<16xf32>,
        tpu.vector_store %arg12[%parallel_loop3A_979, %parallel_loop3A_980], %parallel_loop3A_978 {strides = array<i32>} : memref<8x128xf32, #tpu.memory_space<vmem>>, vector<16xf32>,
        %parallel_loop3A_982 = arith.mulf %parallel_loop3A_901, %parallel_loop3A_840 : vector<16xf32>
        %parallel_loop3A_983 = arith.mulf %parallel_loop3A_970, %parallel_loop3A_807 : vector<16xf32>
        %parallel_loop3A_984 = arith.addf %parallel_loop3A_982, %parallel_loop3A_983 : vector<16xf32>
        %parallel_loop3A_985 = arith.index_cast %parallel_loop3A_776 : i32 to index
        %parallel_loop3A_986 = arith.index_cast %parallel_loop3A_792 : i32 to index
        %parallel_loop3A_987 = tpu.vector_load %arg13[%parallel_loop3A_985, %parallel_loop3A_986] {strides = array<i32>} : memref<8x128xf32, #tpu.memory_space<vmem>>, vector<16xf32>,
        tpu.vector_store %arg13[%parallel_loop3A_985, %parallel_loop3A_986], %parallel_loop3A_984 {strides = array<i32>} : memref<8x128xf32, #tpu.memory_space<vmem>>, vector<16xf32>,
        %parallel_loop3A_988 = arith.mulf %parallel_loop3A_906, %parallel_loop3A_840 : vector<16xf32>
        %parallel_loop3A_989 = arith.mulf %parallel_loop3A_975, %parallel_loop3A_807 : vector<16xf32>
        %parallel_loop3A_990 = arith.addf %parallel_loop3A_988, %parallel_loop3A_989 : vector<16xf32>
        %parallel_loop3A_991 = arith.index_cast %parallel_loop3A_776 : i32 to index
        %parallel_loop3A_992 = arith.index_cast %parallel_loop3A_792 : i32 to index
        %parallel_loop3A_993 = tpu.vector_load %arg14[%parallel_loop3A_991, %parallel_loop3A_992] {strides = array<i32>} : memref<8x128xf32, #tpu.memory_space<vmem>>, vector<16xf32>,
        tpu.vector_store %arg14[%parallel_loop3A_991, %parallel_loop3A_992], %parallel_loop3A_990 {strides = array<i32>} : memref<8x128xf32, #tpu.memory_space<vmem>>, vector<16xf32>,
      } {sc.loop_unroll_factor = 1 : i64, sc.parallel_access}
      %jit3A_283 = arith.constant 4 : i32
      %div3A_284 = arith.divsi %add3A_121, %jit3A_283 : i32
      %sign3A_285 = arith.constant 0 : i32
      %sign3A_286 = arith.cmpi sgt, %add3A_121, %sign3A_285 : i32
      %sign3A_287 = arith.extui %sign3A_286 : i1 to i32
      %sign3A_288 = arith.constant 0 : i32
      %sign3A_289 = arith.cmpi slt, %add3A_121, %sign3A_288 : i32
      %sign3A_290 = arith.extui %sign3A_289 : i1 to i32
      %sign3A_291 = arith.subi %sign3A_287, %sign3A_290 : i32
      %sign3A_292 = arith.constant 0 : i32
      %sign3A_293 = arith.cmpi sgt, %jit3A_283, %sign3A_292 : i32
      %sign3A_294 = arith.extui %sign3A_293 : i1 to i32
      %sign3A_295 = arith.constant 0 : i32
      %sign3A_296 = arith.cmpi slt, %jit3A_283, %sign3A_295 : i32
      %sign3A_297 = arith.extui %sign3A_296 : i1 to i32
      %sign3A_298 = arith.subi %sign3A_294, %sign3A_297 : i32
      %ne3A_299 = arith.cmpi ne, %sign3A_291, %sign3A_298 : i32
      %rem3A_300 = arith.remsi %add3A_121, %jit3A_283 : i32
      %ne3A_301 = arith.constant 0 : i32
      %ne3A_302 = arith.cmpi ne, %rem3A_300, %ne3A_301 : i32
      %and3A_303 = arith.andi %ne3A_299, %ne3A_302 : i1
      %sub3A_304 = arith.constant 1 : i32
      %sub3A_305 = arith.subi %div3A_284, %sub3A_304 : i32
      %select_n3A_306 = arith.select %and3A_303, %sub3A_305, %div3A_284 : i32
      %mul3A_307 = arith.constant 8 : i32
      %mul3A_308 = arith.muli %select_n3A_306, %mul3A_307 : i32
      %add3A_309 = arith.addi %mul3A_32, %mul3A_308 : i32
      %jit3A_310 = arith.constant 4 : i32
      %eq3A_311 = arith.constant 0 : i32
      %eq3A_312 = arith.cmpi eq, %jit3A_310, %eq3A_311 : i32
      %jit3A_313 = arith.constant 1 : i32
      %select_n3A_314 = arith.select %eq3A_312, %jit3A_313, %jit3A_310 : i32
      %rem3A_315 = arith.remsi %add3A_121, %select_n3A_314 : i32
      %ne3A_316 = arith.constant 0 : i32
      %ne3A_317 = arith.cmpi ne, %rem3A_315, %ne3A_316 : i32
      %lt3A_318 = arith.constant 0 : i32
      %lt3A_319 = arith.cmpi slt, %rem3A_315, %lt3A_318 : i32
      %lt3A_320 = arith.constant 0 : i32
      %lt3A_321 = arith.cmpi slt, %select_n3A_314, %lt3A_320 : i32
      %ne3A_322 = arith.xori %lt3A_319, %lt3A_321 : i1
      %and3A_323 = arith.andi %ne3A_322, %ne3A_317 : i1
      %add3A_324 = arith.addi %rem3A_315, %select_n3A_314 : i32
      %select_n3A_325 = arith.select %and3A_323, %add3A_324, %rem3A_315 : i32
      %mul3A_326 = arith.constant 128 : i32
      %mul3A_327 = arith.muli %select_n3A_325, %mul3A_326 : i32
      %dma_start3A_328 = arith.constant 0 : i32
      %dma_start3A_329 = tpu.memref_slice %arg4[%select_n3A, %dma_start3A_328, %add3A_309, %mul3A_327] : memref<8x3x512x512xf32, #tpu.memory_space<hbm>> -> memref<1x1x8x128xf32, #tpu.memory_space<hbm>>
      %dma_start3A_330 = tpu.memref_squeeze %dma_start3A_329 : memref<1x1x8x128xf32, #tpu.memory_space<hbm>> -> memref<8x128xf32, #tpu.memory_space<hbm>>
      %dma_start3A_331 = tpu.memref_slice %arg4[%select_n3A, %dma_start3A_328, %add3A_309, %mul3A_327] : memref<8x3x512x512xf32, #tpu.memory_space<hbm>> -> memref<1x1x8x128xf32, #tpu.memory_space<hbm>>
      %dma_start3A_332 = tpu.memref_squeeze %dma_start3A_331 : memref<1x1x8x128xf32, #tpu.memory_space<hbm>> -> memref<8x128xf32, #tpu.memory_space<hbm>>
      tpu.enqueue_dma source(%arg12 : memref<8x128xf32, #tpu.memory_space<vmem>>) target(%dma_start3A_332 : memref<8x128xf32, #tpu.memory_space<hbm>>) target_semaphore(%arg20 : memref<!tpu.dma_semaphore, #tpu.memory_space<semaphore_mem>>)
      %jit3A_333 = arith.constant 4 : i32
      %div3A_334 = arith.divsi %add3A_121, %jit3A_333 : i32
      %sign3A_335 = arith.constant 0 : i32
      %sign3A_336 = arith.cmpi sgt, %add3A_121, %sign3A_335 : i32
      %sign3A_337 = arith.extui %sign3A_336 : i1 to i32
      %sign3A_338 = arith.constant 0 : i32
      %sign3A_339 = arith.cmpi slt, %add3A_121, %sign3A_338 : i32
      %sign3A_340 = arith.extui %sign3A_339 : i1 to i32
      %sign3A_341 = arith.subi %sign3A_337, %sign3A_340 : i32
      %sign3A_342 = arith.constant 0 : i32
      %sign3A_343 = arith.cmpi sgt, %jit3A_333, %sign3A_342 : i32
      %sign3A_344 = arith.extui %sign3A_343 : i1 to i32
      %sign3A_345 = arith.constant 0 : i32
      %sign3A_346 = arith.cmpi slt, %jit3A_333, %sign3A_345 : i32
      %sign3A_347 = arith.extui %sign3A_346 : i1 to i32
      %sign3A_348 = arith.subi %sign3A_344, %sign3A_347 : i32
      %ne3A_349 = arith.cmpi ne, %sign3A_341, %sign3A_348 : i32
      %rem3A_350 = arith.remsi %add3A_121, %jit3A_333 : i32
      %ne3A_351 = arith.constant 0 : i32
      %ne3A_352 = arith.cmpi ne, %rem3A_350, %ne3A_351 : i32
      %and3A_353 = arith.andi %ne3A_349, %ne3A_352 : i1
      %sub3A_354 = arith.constant 1 : i32
      %sub3A_355 = arith.subi %div3A_334, %sub3A_354 : i32
      %select_n3A_356 = arith.select %and3A_353, %sub3A_355, %div3A_334 : i32
      %mul3A_357 = arith.constant 8 : i32
      %mul3A_358 = arith.muli %select_n3A_356, %mul3A_357 : i32
      %add3A_359 = arith.addi %mul3A_32, %mul3A_358 : i32
      %jit3A_360 = arith.constant 4 : i32
      %eq3A_361 = arith.constant 0 : i32
      %eq3A_362 = arith.cmpi eq, %jit3A_360, %eq3A_361 : i32
      %jit3A_363 = arith.constant 1 : i32
      %select_n3A_364 = arith.select %eq3A_362, %jit3A_363, %jit3A_360 : i32
      %rem3A_365 = arith.remsi %add3A_121, %select_n3A_364 : i32
      %ne3A_366 = arith.constant 0 : i32
      %ne3A_367 = arith.cmpi ne, %rem3A_365, %ne3A_366 : i32
      %lt3A_368 = arith.constant 0 : i32
      %lt3A_369 = arith.cmpi slt, %rem3A_365, %lt3A_368 : i32
      %lt3A_370 = arith.constant 0 : i32
      %lt3A_371 = arith.cmpi slt, %select_n3A_364, %lt3A_370 : i32
      %ne3A_372 = arith.xori %lt3A_369, %lt3A_371 : i1
      %and3A_373 = arith.andi %ne3A_372, %ne3A_367 : i1
      %add3A_374 = arith.addi %rem3A_365, %select_n3A_364 : i32
      %select_n3A_375 = arith.select %and3A_373, %add3A_374, %rem3A_365 : i32
      %mul3A_376 = arith.constant 128 : i32
      %mul3A_377 = arith.muli %select_n3A_375, %mul3A_376 : i32
      %dma_start3A_378 = arith.constant 1 : i32
      %dma_start3A_379 = tpu.memref_slice %arg4[%select_n3A, %dma_start3A_378, %add3A_359, %mul3A_377] : memref<8x3x512x512xf32, #tpu.memory_space<hbm>> -> memref<1x1x8x128xf32, #tpu.memory_space<hbm>>
      %dma_start3A_380 = tpu.memref_squeeze %dma_start3A_379 : memref<1x1x8x128xf32, #tpu.memory_space<hbm>> -> memref<8x128xf32, #tpu.memory_space<hbm>>
      %dma_start3A_381 = tpu.memref_slice %arg4[%select_n3A, %dma_start3A_378, %add3A_359, %mul3A_377] : memref<8x3x512x512xf32, #tpu.memory_space<hbm>> -> memref<1x1x8x128xf32, #tpu.memory_space<hbm>>
      %dma_start3A_382 = tpu.memref_squeeze %dma_start3A_381 : memref<1x1x8x128xf32, #tpu.memory_space<hbm>> -> memref<8x128xf32, #tpu.memory_space<hbm>>
      tpu.enqueue_dma source(%arg13 : memref<8x128xf32, #tpu.memory_space<vmem>>) target(%dma_start3A_382 : memref<8x128xf32, #tpu.memory_space<hbm>>) target_semaphore(%arg20 : memref<!tpu.dma_semaphore, #tpu.memory_space<semaphore_mem>>)
      %jit3A_383 = arith.constant 4 : i32
      %div3A_384 = arith.divsi %add3A_121, %jit3A_383 : i32
      %sign3A_385 = arith.constant 0 : i32
      %sign3A_386 = arith.cmpi sgt, %add3A_121, %sign3A_385 : i32
      %sign3A_387 = arith.extui %sign3A_386 : i1 to i32
      %sign3A_388 = arith.constant 0 : i32
      %sign3A_389 = arith.cmpi slt, %add3A_121, %sign3A_388 : i32
      %sign3A_390 = arith.extui %sign3A_389 : i1 to i32
      %sign3A_391 = arith.subi %sign3A_387, %sign3A_390 : i32
      %sign3A_392 = arith.constant 0 : i32
      %sign3A_393 = arith.cmpi sgt, %jit3A_383, %sign3A_392 : i32
      %sign3A_394 = arith.extui %sign3A_393 : i1 to i32
      %sign3A_395 = arith.constant 0 : i32
      %sign3A_396 = arith.cmpi slt, %jit3A_383, %sign3A_395 : i32
      %sign3A_397 = arith.extui %sign3A_396 : i1 to i32
      %sign3A_398 = arith.subi %sign3A_394, %sign3A_397 : i32
      %ne3A_399 = arith.cmpi ne, %sign3A_391, %sign3A_398 : i32
      %rem3A_400 = arith.remsi %add3A_121, %jit3A_383 : i32
      %ne3A_401 = arith.constant 0 : i32
      %ne3A_402 = arith.cmpi ne, %rem3A_400, %ne3A_401 : i32
      %and3A_403 = arith.andi %ne3A_399, %ne3A_402 : i1
      %sub3A_404 = arith.constant 1 : i32
      %sub3A_405 = arith.subi %div3A_384, %sub3A_404 : i32
      %select_n3A_406 = arith.select %and3A_403, %sub3A_405, %div3A_384 : i32
      %mul3A_407 = arith.constant 8 : i32
      %mul3A_408 = arith.muli %select_n3A_406, %mul3A_407 : i32
      %add3A_409 = arith.addi %mul3A_32, %mul3A_408 : i32
      %jit3A_410 = arith.constant 4 : i32
      %eq3A_411 = arith.constant 0 : i32
      %eq3A_412 = arith.cmpi eq, %jit3A_410, %eq3A_411 : i32
      %jit3A_413 = arith.constant 1 : i32
      %select_n3A_414 = arith.select %eq3A_412, %jit3A_413, %jit3A_410 : i32
      %rem3A_415 = arith.remsi %add3A_121, %select_n3A_414 : i32
      %ne3A_416 = arith.constant 0 : i32
      %ne3A_417 = arith.cmpi ne, %rem3A_415, %ne3A_416 : i32
      %lt3A_418 = arith.constant 0 : i32
      %lt3A_419 = arith.cmpi slt, %rem3A_415, %lt3A_418 : i32
      %lt3A_420 = arith.constant 0 : i32
      %lt3A_421 = arith.cmpi slt, %select_n3A_414, %lt3A_420 : i32
      %ne3A_422 = arith.xori %lt3A_419, %lt3A_421 : i1
      %and3A_423 = arith.andi %ne3A_422, %ne3A_417 : i1
      %add3A_424 = arith.addi %rem3A_415, %select_n3A_414 : i32
      %select_n3A_425 = arith.select %and3A_423, %add3A_424, %rem3A_415 : i32
      %mul3A_426 = arith.constant 128 : i32
      %mul3A_427 = arith.muli %select_n3A_425, %mul3A_426 : i32
      %dma_start3A_428 = arith.constant 2 : i32
      %dma_start3A_429 = tpu.memref_slice %arg4[%select_n3A, %dma_start3A_428, %add3A_409, %mul3A_427] : memref<8x3x512x512xf32, #tpu.memory_space<hbm>> -> memref<1x1x8x128xf32, #tpu.memory_space<hbm>>
      %dma_start3A_430 = tpu.memref_squeeze %dma_start3A_429 : memref<1x1x8x128xf32, #tpu.memory_space<hbm>> -> memref<8x128xf32, #tpu.memory_space<hbm>>
      %dma_start3A_431 = tpu.memref_slice %arg4[%select_n3A, %dma_start3A_428, %add3A_409, %mul3A_427] : memref<8x3x512x512xf32, #tpu.memory_space<hbm>> -> memref<1x1x8x128xf32, #tpu.memory_space<hbm>>
      %dma_start3A_432 = tpu.memref_squeeze %dma_start3A_431 : memref<1x1x8x128xf32, #tpu.memory_space<hbm>> -> memref<8x128xf32, #tpu.memory_space<hbm>>
      tpu.enqueue_dma source(%arg14 : memref<8x128xf32, #tpu.memory_space<vmem>>) target(%dma_start3A_432 : memref<8x128xf32, #tpu.memory_space<hbm>>) target_semaphore(%arg20 : memref<!tpu.dma_semaphore, #tpu.memory_space<semaphore_mem>>)
      %mul3A_433 = arith.constant 2 : i32
      %mul3A_434 = arith.muli %scan3A_117, %mul3A_433 : i32
      %add3A_435 = arith.constant 1 : i32
      %add3A_436 = arith.addi %mul3A_434, %add3A_435 : i32
      %add3A_437 = arith.constant 1 : i32
      %add3A_438 = arith.addi %add3A_436, %add3A_437 : i32
      %lt3A_439 = arith.constant 64 : i32
      %lt3A_440 = arith.cmpi slt, %add3A_438, %lt3A_439 : i32
      %convert_element_type3A_441 = arith.extui %lt3A_440 : i1 to i32
      %cond3A_442 = arith.constant 0 : i32
      %cond3A_443 = arith.cmpi ne, %convert_element_type3A_441, %cond3A_442 : i32
      scf.if %cond3A_443 {
        %add3A_752 = arith.constant 1 : i32
        %add3A_753 = arith.addi %add3A_436, %add3A_752 : i32
        %jit3A_754 = arith.constant 4 : i32
        %div3A_755 = arith.divsi %add3A_753, %jit3A_754 : i32
        %sign3A_756 = arith.constant 0 : i32
        %sign3A_757 = arith.cmpi sgt, %add3A_753, %sign3A_756 : i32
        %sign3A_758 = arith.extui %sign3A_757 : i1 to i32
        %sign3A_759 = arith.constant 0 : i32
        %sign3A_760 = arith.cmpi slt, %add3A_753, %sign3A_759 : i32
        %sign3A_761 = arith.extui %sign3A_760 : i1 to i32
        %sign3A_762 = arith.subi %sign3A_758, %sign3A_761 : i32
        %sign3A_763 = arith.constant 0 : i32
        %sign3A_764 = arith.cmpi sgt, %jit3A_754, %sign3A_763 : i32
        %sign3A_765 = arith.extui %sign3A_764 : i1 to i32
        %sign3A_766 = arith.constant 0 : i32
        %sign3A_767 = arith.cmpi slt, %jit3A_754, %sign3A_766 : i32
        %sign3A_768 = arith.extui %sign3A_767 : i1 to i32
        %sign3A_769 = arith.subi %sign3A_765, %sign3A_768 : i32
        %ne3A_770 = arith.cmpi ne, %sign3A_762, %sign3A_769 : i32
        %rem3A_771 = arith.remsi %add3A_753, %jit3A_754 : i32
        %ne3A_772 = arith.constant 0 : i32
        %ne3A_773 = arith.cmpi ne, %rem3A_771, %ne3A_772 : i32
        %and3A_774 = arith.andi %ne3A_770, %ne3A_773 : i1
        %sub3A_775 = arith.constant 1 : i32
        %sub3A_776 = arith.subi %div3A_755, %sub3A_775 : i32
        %select_n3A_777 = arith.select %and3A_774, %sub3A_776, %div3A_755 : i32
        %mul3A_778 = arith.constant 8 : i32
        %mul3A_779 = arith.muli %select_n3A_777, %mul3A_778 : i32
        %add3A_780 = arith.addi %mul3A_32, %mul3A_779 : i32
        %jit3A_781 = arith.constant 4 : i32
        %eq3A_782 = arith.constant 0 : i32
        %eq3A_783 = arith.cmpi eq, %jit3A_781, %eq3A_782 : i32
        %jit3A_784 = arith.constant 1 : i32
        %select_n3A_785 = arith.select %eq3A_783, %jit3A_784, %jit3A_781 : i32
        %rem3A_786 = arith.remsi %add3A_753, %select_n3A_785 : i32
        %ne3A_787 = arith.constant 0 : i32
        %ne3A_788 = arith.cmpi ne, %rem3A_786, %ne3A_787 : i32
        %lt3A_789 = arith.constant 0 : i32
        %lt3A_790 = arith.cmpi slt, %rem3A_786, %lt3A_789 : i32
        %lt3A_791 = arith.constant 0 : i32
        %lt3A_792 = arith.cmpi slt, %select_n3A_785, %lt3A_791 : i32
        %ne3A_793 = arith.xori %lt3A_790, %lt3A_792 : i1
        %and3A_794 = arith.andi %ne3A_793, %ne3A_788 : i1
        %add3A_795 = arith.addi %rem3A_786, %select_n3A_785 : i32
        %select_n3A_796 = arith.select %and3A_794, %add3A_795, %rem3A_786 : i32
        %mul3A_797 = arith.constant 128 : i32
        %mul3A_798 = arith.muli %select_n3A_796, %mul3A_797 : i32
        %dma_start3A_799 = arith.constant 0 : i32
        %dma_start3A_800 = tpu.memref_slice %arg2[%select_n3A, %dma_start3A_799, %add3A_780, %mul3A_798] : memref<8x3x512x512xf32, #tpu.memory_space<hbm>> -> memref<1x1x8x128xf32, #tpu.memory_space<hbm>>
        %dma_start3A_801 = tpu.memref_squeeze %dma_start3A_800 : memref<1x1x8x128xf32, #tpu.memory_space<hbm>> -> memref<8x128xf32, #tpu.memory_space<hbm>>
        %dma_start3A_802 = tpu.memref_slice %arg2[%select_n3A, %dma_start3A_799, %add3A_780, %mul3A_798] : memref<8x3x512x512xf32, #tpu.memory_space<hbm>> -> memref<1x1x8x128xf32, #tpu.memory_space<hbm>>
        %dma_start3A_803 = tpu.memref_squeeze %dma_start3A_802 : memref<1x1x8x128xf32, #tpu.memory_space<hbm>> -> memref<8x128xf32, #tpu.memory_space<hbm>>
        tpu.enqueue_dma source(%dma_start3A_803 : memref<8x128xf32, #tpu.memory_space<hbm>>) target(%arg6 : memref<8x128xf32, #tpu.memory_space<vmem>>) target_semaphore(%arg18 : memref<!tpu.dma_semaphore, #tpu.memory_space<semaphore_mem>>)
        %jit3A_804 = arith.constant 4 : i32
        %div3A_805 = arith.divsi %add3A_753, %jit3A_804 : i32
        %sign3A_806 = arith.constant 0 : i32
        %sign3A_807 = arith.cmpi sgt, %add3A_753, %sign3A_806 : i32
        %sign3A_808 = arith.extui %sign3A_807 : i1 to i32
        %sign3A_809 = arith.constant 0 : i32
        %sign3A_810 = arith.cmpi slt, %add3A_753, %sign3A_809 : i32
        %sign3A_811 = arith.extui %sign3A_810 : i1 to i32
        %sign3A_812 = arith.subi %sign3A_808, %sign3A_811 : i32
        %sign3A_813 = arith.constant 0 : i32
        %sign3A_814 = arith.cmpi sgt, %jit3A_804, %sign3A_813 : i32
        %sign3A_815 = arith.extui %sign3A_814 : i1 to i32
        %sign3A_816 = arith.constant 0 : i32
        %sign3A_817 = arith.cmpi slt, %jit3A_804, %sign3A_816 : i32
        %sign3A_818 = arith.extui %sign3A_817 : i1 to i32
        %sign3A_819 = arith.subi %sign3A_815, %sign3A_818 : i32
        %ne3A_820 = arith.cmpi ne, %sign3A_812, %sign3A_819 : i32
        %rem3A_821 = arith.remsi %add3A_753, %jit3A_804 : i32
        %ne3A_822 = arith.constant 0 : i32
        %ne3A_823 = arith.cmpi ne, %rem3A_821, %ne3A_822 : i32
        %and3A_824 = arith.andi %ne3A_820, %ne3A_823 : i1
        %sub3A_825 = arith.constant 1 : i32
        %sub3A_826 = arith.subi %div3A_805, %sub3A_825 : i32
        %select_n3A_827 = arith.select %and3A_824, %sub3A_826, %div3A_805 : i32
        %mul3A_828 = arith.constant 8 : i32
        %mul3A_829 = arith.muli %select_n3A_827, %mul3A_828 : i32
        %add3A_830 = arith.addi %mul3A_32, %mul3A_829 : i32
        %jit3A_831 = arith.constant 4 : i32
        %eq3A_832 = arith.constant 0 : i32
        %eq3A_833 = arith.cmpi eq, %jit3A_831, %eq3A_832 : i32
        %jit3A_834 = arith.constant 1 : i32
        %select_n3A_835 = arith.select %eq3A_833, %jit3A_834, %jit3A_831 : i32
        %rem3A_836 = arith.remsi %add3A_753, %select_n3A_835 : i32
        %ne3A_837 = arith.constant 0 : i32
        %ne3A_838 = arith.cmpi ne, %rem3A_836, %ne3A_837 : i32
        %lt3A_839 = arith.constant 0 : i32
        %lt3A_840 = arith.cmpi slt, %rem3A_836, %lt3A_839 : i32
        %lt3A_841 = arith.constant 0 : i32
        %lt3A_842 = arith.cmpi slt, %select_n3A_835, %lt3A_841 : i32
        %ne3A_843 = arith.xori %lt3A_840, %lt3A_842 : i1
        %and3A_844 = arith.andi %ne3A_843, %ne3A_838 : i1
        %add3A_845 = arith.addi %rem3A_836, %select_n3A_835 : i32
        %select_n3A_846 = arith.select %and3A_844, %add3A_845, %rem3A_836 : i32
        %mul3A_847 = arith.constant 128 : i32
        %mul3A_848 = arith.muli %select_n3A_846, %mul3A_847 : i32
        %dma_start3A_849 = arith.constant 1 : i32
        %dma_start3A_850 = tpu.memref_slice %arg2[%select_n3A, %dma_start3A_849, %add3A_830, %mul3A_848] : memref<8x3x512x512xf32, #tpu.memory_space<hbm>> -> memref<1x1x8x128xf32, #tpu.memory_space<hbm>>
        %dma_start3A_851 = tpu.memref_squeeze %dma_start3A_850 : memref<1x1x8x128xf32, #tpu.memory_space<hbm>> -> memref<8x128xf32, #tpu.memory_space<hbm>>
        %dma_start3A_852 = tpu.memref_slice %arg2[%select_n3A, %dma_start3A_849, %add3A_830, %mul3A_848] : memref<8x3x512x512xf32, #tpu.memory_space<hbm>> -> memref<1x1x8x128xf32, #tpu.memory_space<hbm>>
        %dma_start3A_853 = tpu.memref_squeeze %dma_start3A_852 : memref<1x1x8x128xf32, #tpu.memory_space<hbm>> -> memref<8x128xf32, #tpu.memory_space<hbm>>
        tpu.enqueue_dma source(%dma_start3A_853 : memref<8x128xf32, #tpu.memory_space<hbm>>) target(%arg7 : memref<8x128xf32, #tpu.memory_space<vmem>>) target_semaphore(%arg18 : memref<!tpu.dma_semaphore, #tpu.memory_space<semaphore_mem>>)
        %jit3A_854 = arith.constant 4 : i32
        %div3A_855 = arith.divsi %add3A_753, %jit3A_854 : i32
        %sign3A_856 = arith.constant 0 : i32
        %sign3A_857 = arith.cmpi sgt, %add3A_753, %sign3A_856 : i32
        %sign3A_858 = arith.extui %sign3A_857 : i1 to i32
        %sign3A_859 = arith.constant 0 : i32
        %sign3A_860 = arith.cmpi slt, %add3A_753, %sign3A_859 : i32
        %sign3A_861 = arith.extui %sign3A_860 : i1 to i32
        %sign3A_862 = arith.subi %sign3A_858, %sign3A_861 : i32
        %sign3A_863 = arith.constant 0 : i32
        %sign3A_864 = arith.cmpi sgt, %jit3A_854, %sign3A_863 : i32
        %sign3A_865 = arith.extui %sign3A_864 : i1 to i32
        %sign3A_866 = arith.constant 0 : i32
        %sign3A_867 = arith.cmpi slt, %jit3A_854, %sign3A_866 : i32
        %sign3A_868 = arith.extui %sign3A_867 : i1 to i32
        %sign3A_869 = arith.subi %sign3A_865, %sign3A_868 : i32
        %ne3A_870 = arith.cmpi ne, %sign3A_862, %sign3A_869 : i32
        %rem3A_871 = arith.remsi %add3A_753, %jit3A_854 : i32
        %ne3A_872 = arith.constant 0 : i32
        %ne3A_873 = arith.cmpi ne, %rem3A_871, %ne3A_872 : i32
        %and3A_874 = arith.andi %ne3A_870, %ne3A_873 : i1
        %sub3A_875 = arith.constant 1 : i32
        %sub3A_876 = arith.subi %div3A_855, %sub3A_875 : i32
        %select_n3A_877 = arith.select %and3A_874, %sub3A_876, %div3A_855 : i32
        %mul3A_878 = arith.constant 8 : i32
        %mul3A_879 = arith.muli %select_n3A_877, %mul3A_878 : i32
        %add3A_880 = arith.addi %mul3A_32, %mul3A_879 : i32
        %jit3A_881 = arith.constant 4 : i32
        %eq3A_882 = arith.constant 0 : i32
        %eq3A_883 = arith.cmpi eq, %jit3A_881, %eq3A_882 : i32
        %jit3A_884 = arith.constant 1 : i32
        %select_n3A_885 = arith.select %eq3A_883, %jit3A_884, %jit3A_881 : i32
        %rem3A_886 = arith.remsi %add3A_753, %select_n3A_885 : i32
        %ne3A_887 = arith.constant 0 : i32
        %ne3A_888 = arith.cmpi ne, %rem3A_886, %ne3A_887 : i32
        %lt3A_889 = arith.constant 0 : i32
        %lt3A_890 = arith.cmpi slt, %rem3A_886, %lt3A_889 : i32
        %lt3A_891 = arith.constant 0 : i32
        %lt3A_892 = arith.cmpi slt, %select_n3A_885, %lt3A_891 : i32
        %ne3A_893 = arith.xori %lt3A_890, %lt3A_892 : i1
        %and3A_894 = arith.andi %ne3A_893, %ne3A_888 : i1
        %add3A_895 = arith.addi %rem3A_886, %select_n3A_885 : i32
        %select_n3A_896 = arith.select %and3A_894, %add3A_895, %rem3A_886 : i32
        %mul3A_897 = arith.constant 128 : i32
        %mul3A_898 = arith.muli %select_n3A_896, %mul3A_897 : i32
        %dma_start3A_899 = arith.constant 2 : i32
        %dma_start3A_900 = tpu.memref_slice %arg2[%select_n3A, %dma_start3A_899, %add3A_880, %mul3A_898] : memref<8x3x512x512xf32, #tpu.memory_space<hbm>> -> memref<1x1x8x128xf32, #tpu.memory_space<hbm>>
        %dma_start3A_901 = tpu.memref_squeeze %dma_start3A_900 : memref<1x1x8x128xf32, #tpu.memory_space<hbm>> -> memref<8x128xf32, #tpu.memory_space<hbm>>
        %dma_start3A_902 = tpu.memref_slice %arg2[%select_n3A, %dma_start3A_899, %add3A_880, %mul3A_898] : memref<8x3x512x512xf32, #tpu.memory_space<hbm>> -> memref<1x1x8x128xf32, #tpu.memory_space<hbm>>
        %dma_start3A_903 = tpu.memref_squeeze %dma_start3A_902 : memref<1x1x8x128xf32, #tpu.memory_space<hbm>> -> memref<8x128xf32, #tpu.memory_space<hbm>>
        tpu.enqueue_dma source(%dma_start3A_903 : memref<8x128xf32, #tpu.memory_space<hbm>>) target(%arg8 : memref<8x128xf32, #tpu.memory_space<vmem>>) target_semaphore(%arg18 : memref<!tpu.dma_semaphore, #tpu.memory_space<semaphore_mem>>)
      } else {
      }
      %jit3A_444 = arith.constant 4 : i32
      %div3A_445 = arith.divsi %add3A_436, %jit3A_444 : i32
      %sign3A_446 = arith.constant 0 : i32
      %sign3A_447 = arith.cmpi sgt, %add3A_436, %sign3A_446 : i32
      %sign3A_448 = arith.extui %sign3A_447 : i1 to i32
      %sign3A_449 = arith.constant 0 : i32
      %sign3A_450 = arith.cmpi slt, %add3A_436, %sign3A_449 : i32
      %sign3A_451 = arith.extui %sign3A_450 : i1 to i32
      %sign3A_452 = arith.subi %sign3A_448, %sign3A_451 : i32
      %sign3A_453 = arith.constant 0 : i32
      %sign3A_454 = arith.cmpi sgt, %jit3A_444, %sign3A_453 : i32
      %sign3A_455 = arith.extui %sign3A_454 : i1 to i32
      %sign3A_456 = arith.constant 0 : i32
      %sign3A_457 = arith.cmpi slt, %jit3A_444, %sign3A_456 : i32
      %sign3A_458 = arith.extui %sign3A_457 : i1 to i32
      %sign3A_459 = arith.subi %sign3A_455, %sign3A_458 : i32
      %ne3A_460 = arith.cmpi ne, %sign3A_452, %sign3A_459 : i32
      %rem3A_461 = arith.remsi %add3A_436, %jit3A_444 : i32
      %ne3A_462 = arith.constant 0 : i32
      %ne3A_463 = arith.cmpi ne, %rem3A_461, %ne3A_462 : i32
      %and3A_464 = arith.andi %ne3A_460, %ne3A_463 : i1
      %sub3A_465 = arith.constant 1 : i32
      %sub3A_466 = arith.subi %div3A_445, %sub3A_465 : i32
      %select_n3A_467 = arith.select %and3A_464, %sub3A_466, %div3A_445 : i32
      %mul3A_468 = arith.constant 8 : i32
      %mul3A_469 = arith.muli %select_n3A_467, %mul3A_468 : i32
      %add3A_470 = arith.addi %mul3A_32, %mul3A_469 : i32
      %jit3A_471 = arith.constant 4 : i32
      %eq3A_472 = arith.constant 0 : i32
      %eq3A_473 = arith.cmpi eq, %jit3A_471, %eq3A_472 : i32
      %jit3A_474 = arith.constant 1 : i32
      %select_n3A_475 = arith.select %eq3A_473, %jit3A_474, %jit3A_471 : i32
      %rem3A_476 = arith.remsi %add3A_436, %select_n3A_475 : i32
      %ne3A_477 = arith.constant 0 : i32
      %ne3A_478 = arith.cmpi ne, %rem3A_476, %ne3A_477 : i32
      %lt3A_479 = arith.constant 0 : i32
      %lt3A_480 = arith.cmpi slt, %rem3A_476, %lt3A_479 : i32
      %lt3A_481 = arith.constant 0 : i32
      %lt3A_482 = arith.cmpi slt, %select_n3A_475, %lt3A_481 : i32
      %ne3A_483 = arith.xori %lt3A_480, %lt3A_482 : i1
      %and3A_484 = arith.andi %ne3A_483, %ne3A_478 : i1
      %add3A_485 = arith.addi %rem3A_476, %select_n3A_475 : i32
      %select_n3A_486 = arith.select %and3A_484, %add3A_485, %rem3A_476 : i32
      %mul3A_487 = arith.constant 128 : i32
      %mul3A_488 = arith.muli %select_n3A_486, %mul3A_487 : i32
      %dma_wait3A_489 = arith.constant 0 : i32
      %dma_wait3A_490 = tpu.memref_slice %arg2[%select_n3A, %dma_wait3A_489, %add3A_470, %mul3A_488] : memref<8x3x512x512xf32, #tpu.memory_space<hbm>> -> memref<1x1x8x128xf32, #tpu.memory_space<hbm>>
      %dma_wait3A_491 = tpu.memref_squeeze %dma_wait3A_490 : memref<1x1x8x128xf32, #tpu.memory_space<hbm>> -> memref<8x128xf32, #tpu.memory_space<hbm>>
      %dma_wait3A_492 = tpu.memref_slice %arg2[%select_n3A, %dma_wait3A_489, %add3A_470, %mul3A_488] : memref<8x3x512x512xf32, #tpu.memory_space<hbm>> -> memref<1x1x8x128xf32, #tpu.memory_space<hbm>>
      %dma_wait3A_493 = tpu.memref_squeeze %dma_wait3A_492 : memref<1x1x8x128xf32, #tpu.memory_space<hbm>> -> memref<8x128xf32, #tpu.memory_space<hbm>>
      tpu.wait_dma2 semaphore(%arg19 : memref<!tpu.dma_semaphore, #tpu.memory_space<semaphore_mem>>) src(%dma_wait3A_493 : memref<8x128xf32, #tpu.memory_space<hbm>>) dst(%arg9 : memref<8x128xf32, #tpu.memory_space<vmem>>)
      %jit3A_494 = arith.constant 4 : i32
      %div3A_495 = arith.divsi %add3A_436, %jit3A_494 : i32
      %sign3A_496 = arith.constant 0 : i32
      %sign3A_497 = arith.cmpi sgt, %add3A_436, %sign3A_496 : i32
      %sign3A_498 = arith.extui %sign3A_497 : i1 to i32
      %sign3A_499 = arith.constant 0 : i32
      %sign3A_500 = arith.cmpi slt, %add3A_436, %sign3A_499 : i32
      %sign3A_501 = arith.extui %sign3A_500 : i1 to i32
      %sign3A_502 = arith.subi %sign3A_498, %sign3A_501 : i32
      %sign3A_503 = arith.constant 0 : i32
      %sign3A_504 = arith.cmpi sgt, %jit3A_494, %sign3A_503 : i32
      %sign3A_505 = arith.extui %sign3A_504 : i1 to i32
      %sign3A_506 = arith.constant 0 : i32
      %sign3A_507 = arith.cmpi slt, %jit3A_494, %sign3A_506 : i32
      %sign3A_508 = arith.extui %sign3A_507 : i1 to i32
      %sign3A_509 = arith.subi %sign3A_505, %sign3A_508 : i32
      %ne3A_510 = arith.cmpi ne, %sign3A_502, %sign3A_509 : i32
      %rem3A_511 = arith.remsi %add3A_436, %jit3A_494 : i32
      %ne3A_512 = arith.constant 0 : i32
      %ne3A_513 = arith.cmpi ne, %rem3A_511, %ne3A_512 : i32
      %and3A_514 = arith.andi %ne3A_510, %ne3A_513 : i1
      %sub3A_515 = arith.constant 1 : i32
      %sub3A_516 = arith.subi %div3A_495, %sub3A_515 : i32
      %select_n3A_517 = arith.select %and3A_514, %sub3A_516, %div3A_495 : i32
      %mul3A_518 = arith.constant 8 : i32
      %mul3A_519 = arith.muli %select_n3A_517, %mul3A_518 : i32
      %add3A_520 = arith.addi %mul3A_32, %mul3A_519 : i32
      %jit3A_521 = arith.constant 4 : i32
      %eq3A_522 = arith.constant 0 : i32
      %eq3A_523 = arith.cmpi eq, %jit3A_521, %eq3A_522 : i32
      %jit3A_524 = arith.constant 1 : i32
      %select_n3A_525 = arith.select %eq3A_523, %jit3A_524, %jit3A_521 : i32
      %rem3A_526 = arith.remsi %add3A_436, %select_n3A_525 : i32
      %ne3A_527 = arith.constant 0 : i32
      %ne3A_528 = arith.cmpi ne, %rem3A_526, %ne3A_527 : i32
      %lt3A_529 = arith.constant 0 : i32
      %lt3A_530 = arith.cmpi slt, %rem3A_526, %lt3A_529 : i32
      %lt3A_531 = arith.constant 0 : i32
      %lt3A_532 = arith.cmpi slt, %select_n3A_525, %lt3A_531 : i32
      %ne3A_533 = arith.xori %lt3A_530, %lt3A_532 : i1
      %and3A_534 = arith.andi %ne3A_533, %ne3A_528 : i1
      %add3A_535 = arith.addi %rem3A_526, %select_n3A_525 : i32
      %select_n3A_536 = arith.select %and3A_534, %add3A_535, %rem3A_526 : i32
      %mul3A_537 = arith.constant 128 : i32
      %mul3A_538 = arith.muli %select_n3A_536, %mul3A_537 : i32
      %dma_wait3A_539 = arith.constant 1 : i32
      %dma_wait3A_540 = tpu.memref_slice %arg2[%select_n3A, %dma_wait3A_539, %add3A_520, %mul3A_538] : memref<8x3x512x512xf32, #tpu.memory_space<hbm>> -> memref<1x1x8x128xf32, #tpu.memory_space<hbm>>
      %dma_wait3A_541 = tpu.memref_squeeze %dma_wait3A_540 : memref<1x1x8x128xf32, #tpu.memory_space<hbm>> -> memref<8x128xf32, #tpu.memory_space<hbm>>
      %dma_wait3A_542 = tpu.memref_slice %arg2[%select_n3A, %dma_wait3A_539, %add3A_520, %mul3A_538] : memref<8x3x512x512xf32, #tpu.memory_space<hbm>> -> memref<1x1x8x128xf32, #tpu.memory_space<hbm>>
      %dma_wait3A_543 = tpu.memref_squeeze %dma_wait3A_542 : memref<1x1x8x128xf32, #tpu.memory_space<hbm>> -> memref<8x128xf32, #tpu.memory_space<hbm>>
      tpu.wait_dma2 semaphore(%arg19 : memref<!tpu.dma_semaphore, #tpu.memory_space<semaphore_mem>>) src(%dma_wait3A_543 : memref<8x128xf32, #tpu.memory_space<hbm>>) dst(%arg10 : memref<8x128xf32, #tpu.memory_space<vmem>>)
      %jit3A_544 = arith.constant 4 : i32
      %div3A_545 = arith.divsi %add3A_436, %jit3A_544 : i32
      %sign3A_546 = arith.constant 0 : i32
      %sign3A_547 = arith.cmpi sgt, %add3A_436, %sign3A_546 : i32
      %sign3A_548 = arith.extui %sign3A_547 : i1 to i32
      %sign3A_549 = arith.constant 0 : i32
      %sign3A_550 = arith.cmpi slt, %add3A_436, %sign3A_549 : i32
      %sign3A_551 = arith.extui %sign3A_550 : i1 to i32
      %sign3A_552 = arith.subi %sign3A_548, %sign3A_551 : i32
      %sign3A_553 = arith.constant 0 : i32
      %sign3A_554 = arith.cmpi sgt, %jit3A_544, %sign3A_553 : i32
      %sign3A_555 = arith.extui %sign3A_554 : i1 to i32
      %sign3A_556 = arith.constant 0 : i32
      %sign3A_557 = arith.cmpi slt, %jit3A_544, %sign3A_556 : i32
      %sign3A_558 = arith.extui %sign3A_557 : i1 to i32
      %sign3A_559 = arith.subi %sign3A_555, %sign3A_558 : i32
      %ne3A_560 = arith.cmpi ne, %sign3A_552, %sign3A_559 : i32
      %rem3A_561 = arith.remsi %add3A_436, %jit3A_544 : i32
      %ne3A_562 = arith.constant 0 : i32
      %ne3A_563 = arith.cmpi ne, %rem3A_561, %ne3A_562 : i32
      %and3A_564 = arith.andi %ne3A_560, %ne3A_563 : i1
      %sub3A_565 = arith.constant 1 : i32
      %sub3A_566 = arith.subi %div3A_545, %sub3A_565 : i32
      %select_n3A_567 = arith.select %and3A_564, %sub3A_566, %div3A_545 : i32
      %mul3A_568 = arith.constant 8 : i32
      %mul3A_569 = arith.muli %select_n3A_567, %mul3A_568 : i32
      %add3A_570 = arith.addi %mul3A_32, %mul3A_569 : i32
      %jit3A_571 = arith.constant 4 : i32
      %eq3A_572 = arith.constant 0 : i32
      %eq3A_573 = arith.cmpi eq, %jit3A_571, %eq3A_572 : i32
      %jit3A_574 = arith.constant 1 : i32
      %select_n3A_575 = arith.select %eq3A_573, %jit3A_574, %jit3A_571 : i32
      %rem3A_576 = arith.remsi %add3A_436, %select_n3A_575 : i32
      %ne3A_577 = arith.constant 0 : i32
      %ne3A_578 = arith.cmpi ne, %rem3A_576, %ne3A_577 : i32
      %lt3A_579 = arith.constant 0 : i32
      %lt3A_580 = arith.cmpi slt, %rem3A_576, %lt3A_579 : i32
      %lt3A_581 = arith.constant 0 : i32
      %lt3A_582 = arith.cmpi slt, %select_n3A_575, %lt3A_581 : i32
      %ne3A_583 = arith.xori %lt3A_580, %lt3A_582 : i1
      %and3A_584 = arith.andi %ne3A_583, %ne3A_578 : i1
      %add3A_585 = arith.addi %rem3A_576, %select_n3A_575 : i32
      %select_n3A_586 = arith.select %and3A_584, %add3A_585, %rem3A_576 : i32
      %mul3A_587 = arith.constant 128 : i32
      %mul3A_588 = arith.muli %select_n3A_586, %mul3A_587 : i32
      %dma_wait3A_589 = arith.constant 2 : i32
      %dma_wait3A_590 = tpu.memref_slice %arg2[%select_n3A, %dma_wait3A_589, %add3A_570, %mul3A_588] : memref<8x3x512x512xf32, #tpu.memory_space<hbm>> -> memref<1x1x8x128xf32, #tpu.memory_space<hbm>>
      %dma_wait3A_591 = tpu.memref_squeeze %dma_wait3A_590 : memref<1x1x8x128xf32, #tpu.memory_space<hbm>> -> memref<8x128xf32, #tpu.memory_space<hbm>>
      %dma_wait3A_592 = tpu.memref_slice %arg2[%select_n3A, %dma_wait3A_589, %add3A_570, %mul3A_588] : memref<8x3x512x512xf32, #tpu.memory_space<hbm>> -> memref<1x1x8x128xf32, #tpu.memory_space<hbm>>
      %dma_wait3A_593 = tpu.memref_squeeze %dma_wait3A_592 : memref<1x1x8x128xf32, #tpu.memory_space<hbm>> -> memref<8x128xf32, #tpu.memory_space<hbm>>
      tpu.wait_dma2 semaphore(%arg19 : memref<!tpu.dma_semaphore, #tpu.memory_space<semaphore_mem>>) src(%dma_wait3A_593 : memref<8x128xf32, #tpu.memory_space<hbm>>) dst(%arg11 : memref<8x128xf32, #tpu.memory_space<vmem>>)
      %ge3A_594 = arith.constant 2 : i32
      %ge3A_595 = arith.cmpi sge, %add3A_436, %ge3A_594 : i32
      %convert_element_type3A_596 = arith.extui %ge3A_595 : i1 to i32
      %cond3A_597 = arith.constant 0 : i32
      %cond3A_598 = arith.cmpi ne, %convert_element_type3A_596, %cond3A_597 : i32
      scf.if %cond3A_598 {
        %sub3A_752 = arith.constant 2 : i32
        %sub3A_753 = arith.subi %add3A_436, %sub3A_752 : i32
        %jit3A_754 = arith.constant 4 : i32
        %div3A_755 = arith.divsi %sub3A_753, %jit3A_754 : i32
        %sign3A_756 = arith.constant 0 : i32
        %sign3A_757 = arith.cmpi sgt, %sub3A_753, %sign3A_756 : i32
        %sign3A_758 = arith.extui %sign3A_757 : i1 to i32
        %sign3A_759 = arith.constant 0 : i32
        %sign3A_760 = arith.cmpi slt, %sub3A_753, %sign3A_759 : i32
        %sign3A_761 = arith.extui %sign3A_760 : i1 to i32
        %sign3A_762 = arith.subi %sign3A_758, %sign3A_761 : i32
        %sign3A_763 = arith.constant 0 : i32
        %sign3A_764 = arith.cmpi sgt, %jit3A_754, %sign3A_763 : i32
        %sign3A_765 = arith.extui %sign3A_764 : i1 to i32
        %sign3A_766 = arith.constant 0 : i32
        %sign3A_767 = arith.cmpi slt, %jit3A_754, %sign3A_766 : i32
        %sign3A_768 = arith.extui %sign3A_767 : i1 to i32
        %sign3A_769 = arith.subi %sign3A_765, %sign3A_768 : i32
        %ne3A_770 = arith.cmpi ne, %sign3A_762, %sign3A_769 : i32
        %rem3A_771 = arith.remsi %sub3A_753, %jit3A_754 : i32
        %ne3A_772 = arith.constant 0 : i32
        %ne3A_773 = arith.cmpi ne, %rem3A_771, %ne3A_772 : i32
        %and3A_774 = arith.andi %ne3A_770, %ne3A_773 : i1
        %sub3A_775 = arith.constant 1 : i32
        %sub3A_776 = arith.subi %div3A_755, %sub3A_775 : i32
        %select_n3A_777 = arith.select %and3A_774, %sub3A_776, %div3A_755 : i32
        %mul3A_778 = arith.constant 8 : i32
        %mul3A_779 = arith.muli %select_n3A_777, %mul3A_778 : i32
        %add3A_780 = arith.addi %mul3A_32, %mul3A_779 : i32
        %jit3A_781 = arith.constant 4 : i32
        %eq3A_782 = arith.constant 0 : i32
        %eq3A_783 = arith.cmpi eq, %jit3A_781, %eq3A_782 : i32
        %jit3A_784 = arith.constant 1 : i32
        %select_n3A_785 = arith.select %eq3A_783, %jit3A_784, %jit3A_781 : i32
        %rem3A_786 = arith.remsi %sub3A_753, %select_n3A_785 : i32
        %ne3A_787 = arith.constant 0 : i32
        %ne3A_788 = arith.cmpi ne, %rem3A_786, %ne3A_787 : i32
        %lt3A_789 = arith.constant 0 : i32
        %lt3A_790 = arith.cmpi slt, %rem3A_786, %lt3A_789 : i32
        %lt3A_791 = arith.constant 0 : i32
        %lt3A_792 = arith.cmpi slt, %select_n3A_785, %lt3A_791 : i32
        %ne3A_793 = arith.xori %lt3A_790, %lt3A_792 : i1
        %and3A_794 = arith.andi %ne3A_793, %ne3A_788 : i1
        %add3A_795 = arith.addi %rem3A_786, %select_n3A_785 : i32
        %select_n3A_796 = arith.select %and3A_794, %add3A_795, %rem3A_786 : i32
        %mul3A_797 = arith.constant 128 : i32
        %mul3A_798 = arith.muli %select_n3A_796, %mul3A_797 : i32
        %dma_wait3A_799 = arith.constant 0 : i32
        %dma_wait3A_800 = tpu.memref_slice %arg4[%select_n3A, %dma_wait3A_799, %add3A_780, %mul3A_798] : memref<8x3x512x512xf32, #tpu.memory_space<hbm>> -> memref<1x1x8x128xf32, #tpu.memory_space<hbm>>
        %dma_wait3A_801 = tpu.memref_squeeze %dma_wait3A_800 : memref<1x1x8x128xf32, #tpu.memory_space<hbm>> -> memref<8x128xf32, #tpu.memory_space<hbm>>
        %dma_wait3A_802 = tpu.memref_slice %arg4[%select_n3A, %dma_wait3A_799, %add3A_780, %mul3A_798] : memref<8x3x512x512xf32, #tpu.memory_space<hbm>> -> memref<1x1x8x128xf32, #tpu.memory_space<hbm>>
        %dma_wait3A_803 = tpu.memref_squeeze %dma_wait3A_802 : memref<1x1x8x128xf32, #tpu.memory_space<hbm>> -> memref<8x128xf32, #tpu.memory_space<hbm>>
        tpu.wait_dma2 semaphore(%arg21 : memref<!tpu.dma_semaphore, #tpu.memory_space<semaphore_mem>>) src(%arg15 : memref<8x128xf32, #tpu.memory_space<vmem>>) dst(%dma_wait3A_803 : memref<8x128xf32, #tpu.memory_space<hbm>>)
        %jit3A_804 = arith.constant 4 : i32
        %div3A_805 = arith.divsi %sub3A_753, %jit3A_804 : i32
        %sign3A_806 = arith.constant 0 : i32
        %sign3A_807 = arith.cmpi sgt, %sub3A_753, %sign3A_806 : i32
        %sign3A_808 = arith.extui %sign3A_807 : i1 to i32
        %sign3A_809 = arith.constant 0 : i32
        %sign3A_810 = arith.cmpi slt, %sub3A_753, %sign3A_809 : i32
        %sign3A_811 = arith.extui %sign3A_810 : i1 to i32
        %sign3A_812 = arith.subi %sign3A_808, %sign3A_811 : i32
        %sign3A_813 = arith.constant 0 : i32
        %sign3A_814 = arith.cmpi sgt, %jit3A_804, %sign3A_813 : i32
        %sign3A_815 = arith.extui %sign3A_814 : i1 to i32
        %sign3A_816 = arith.constant 0 : i32
        %sign3A_817 = arith.cmpi slt, %jit3A_804, %sign3A_816 : i32
        %sign3A_818 = arith.extui %sign3A_817 : i1 to i32
        %sign3A_819 = arith.subi %sign3A_815, %sign3A_818 : i32
        %ne3A_820 = arith.cmpi ne, %sign3A_812, %sign3A_819 : i32
        %rem3A_821 = arith.remsi %sub3A_753, %jit3A_804 : i32
        %ne3A_822 = arith.constant 0 : i32
        %ne3A_823 = arith.cmpi ne, %rem3A_821, %ne3A_822 : i32
        %and3A_824 = arith.andi %ne3A_820, %ne3A_823 : i1
        %sub3A_825 = arith.constant 1 : i32
        %sub3A_826 = arith.subi %div3A_805, %sub3A_825 : i32
        %select_n3A_827 = arith.select %and3A_824, %sub3A_826, %div3A_805 : i32
        %mul3A_828 = arith.constant 8 : i32
        %mul3A_829 = arith.muli %select_n3A_827, %mul3A_828 : i32
        %add3A_830 = arith.addi %mul3A_32, %mul3A_829 : i32
        %jit3A_831 = arith.constant 4 : i32
        %eq3A_832 = arith.constant 0 : i32
        %eq3A_833 = arith.cmpi eq, %jit3A_831, %eq3A_832 : i32
        %jit3A_834 = arith.constant 1 : i32
        %select_n3A_835 = arith.select %eq3A_833, %jit3A_834, %jit3A_831 : i32
        %rem3A_836 = arith.remsi %sub3A_753, %select_n3A_835 : i32
        %ne3A_837 = arith.constant 0 : i32
        %ne3A_838 = arith.cmpi ne, %rem3A_836, %ne3A_837 : i32
        %lt3A_839 = arith.constant 0 : i32
        %lt3A_840 = arith.cmpi slt, %rem3A_836, %lt3A_839 : i32
        %lt3A_841 = arith.constant 0 : i32
        %lt3A_842 = arith.cmpi slt, %select_n3A_835, %lt3A_841 : i32
        %ne3A_843 = arith.xori %lt3A_840, %lt3A_842 : i1
        %and3A_844 = arith.andi %ne3A_843, %ne3A_838 : i1
        %add3A_845 = arith.addi %rem3A_836, %select_n3A_835 : i32
        %select_n3A_846 = arith.select %and3A_844, %add3A_845, %rem3A_836 : i32
        %mul3A_847 = arith.constant 128 : i32
        %mul3A_848 = arith.muli %select_n3A_846, %mul3A_847 : i32
        %dma_wait3A_849 = arith.constant 1 : i32
        %dma_wait3A_850 = tpu.memref_slice %arg4[%select_n3A, %dma_wait3A_849, %add3A_830, %mul3A_848] : memref<8x3x512x512xf32, #tpu.memory_space<hbm>> -> memref<1x1x8x128xf32, #tpu.memory_space<hbm>>
        %dma_wait3A_851 = tpu.memref_squeeze %dma_wait3A_850 : memref<1x1x8x128xf32, #tpu.memory_space<hbm>> -> memref<8x128xf32, #tpu.memory_space<hbm>>
        %dma_wait3A_852 = tpu.memref_slice %arg4[%select_n3A, %dma_wait3A_849, %add3A_830, %mul3A_848] : memref<8x3x512x512xf32, #tpu.memory_space<hbm>> -> memref<1x1x8x128xf32, #tpu.memory_space<hbm>>
        %dma_wait3A_853 = tpu.memref_squeeze %dma_wait3A_852 : memref<1x1x8x128xf32, #tpu.memory_space<hbm>> -> memref<8x128xf32, #tpu.memory_space<hbm>>
        tpu.wait_dma2 semaphore(%arg21 : memref<!tpu.dma_semaphore, #tpu.memory_space<semaphore_mem>>) src(%arg16 : memref<8x128xf32, #tpu.memory_space<vmem>>) dst(%dma_wait3A_853 : memref<8x128xf32, #tpu.memory_space<hbm>>)
        %jit3A_854 = arith.constant 4 : i32
        %div3A_855 = arith.divsi %sub3A_753, %jit3A_854 : i32
        %sign3A_856 = arith.constant 0 : i32
        %sign3A_857 = arith.cmpi sgt, %sub3A_753, %sign3A_856 : i32
        %sign3A_858 = arith.extui %sign3A_857 : i1 to i32
        %sign3A_859 = arith.constant 0 : i32
        %sign3A_860 = arith.cmpi slt, %sub3A_753, %sign3A_859 : i32
        %sign3A_861 = arith.extui %sign3A_860 : i1 to i32
        %sign3A_862 = arith.subi %sign3A_858, %sign3A_861 : i32
        %sign3A_863 = arith.constant 0 : i32
        %sign3A_864 = arith.cmpi sgt, %jit3A_854, %sign3A_863 : i32
        %sign3A_865 = arith.extui %sign3A_864 : i1 to i32
        %sign3A_866 = arith.constant 0 : i32
        %sign3A_867 = arith.cmpi slt, %jit3A_854, %sign3A_866 : i32
        %sign3A_868 = arith.extui %sign3A_867 : i1 to i32
        %sign3A_869 = arith.subi %sign3A_865, %sign3A_868 : i32
        %ne3A_870 = arith.cmpi ne, %sign3A_862, %sign3A_869 : i32
        %rem3A_871 = arith.remsi %sub3A_753, %jit3A_854 : i32
        %ne3A_872 = arith.constant 0 : i32
        %ne3A_873 = arith.cmpi ne, %rem3A_871, %ne3A_872 : i32
        %and3A_874 = arith.andi %ne3A_870, %ne3A_873 : i1
        %sub3A_875 = arith.constant 1 : i32
        %sub3A_876 = arith.subi %div3A_855, %sub3A_875 : i32
        %select_n3A_877 = arith.select %and3A_874, %sub3A_876, %div3A_855 : i32
        %mul3A_878 = arith.constant 8 : i32
        %mul3A_879 = arith.muli %select_n3A_877, %mul3A_878 : i32
        %add3A_880 = arith.addi %mul3A_32, %mul3A_879 : i32
        %jit3A_881 = arith.constant 4 : i32
        %eq3A_882 = arith.constant 0 : i32
        %eq3A_883 = arith.cmpi eq, %jit3A_881, %eq3A_882 : i32
        %jit3A_884 = arith.constant 1 : i32
        %select_n3A_885 = arith.select %eq3A_883, %jit3A_884, %jit3A_881 : i32
        %rem3A_886 = arith.remsi %sub3A_753, %select_n3A_885 : i32
        %ne3A_887 = arith.constant 0 : i32
        %ne3A_888 = arith.cmpi ne, %rem3A_886, %ne3A_887 : i32
        %lt3A_889 = arith.constant 0 : i32
        %lt3A_890 = arith.cmpi slt, %rem3A_886, %lt3A_889 : i32
        %lt3A_891 = arith.constant 0 : i32
        %lt3A_892 = arith.cmpi slt, %select_n3A_885, %lt3A_891 : i32
        %ne3A_893 = arith.xori %lt3A_890, %lt3A_892 : i1
        %and3A_894 = arith.andi %ne3A_893, %ne3A_888 : i1
        %add3A_895 = arith.addi %rem3A_886, %select_n3A_885 : i32
        %select_n3A_896 = arith.select %and3A_894, %add3A_895, %rem3A_886 : i32
        %mul3A_897 = arith.constant 128 : i32
        %mul3A_898 = arith.muli %select_n3A_896, %mul3A_897 : i32
        %dma_wait3A_899 = arith.constant 2 : i32
        %dma_wait3A_900 = tpu.memref_slice %arg4[%select_n3A, %dma_wait3A_899, %add3A_880, %mul3A_898] : memref<8x3x512x512xf32, #tpu.memory_space<hbm>> -> memref<1x1x8x128xf32, #tpu.memory_space<hbm>>
        %dma_wait3A_901 = tpu.memref_squeeze %dma_wait3A_900 : memref<1x1x8x128xf32, #tpu.memory_space<hbm>> -> memref<8x128xf32, #tpu.memory_space<hbm>>
        %dma_wait3A_902 = tpu.memref_slice %arg4[%select_n3A, %dma_wait3A_899, %add3A_880, %mul3A_898] : memref<8x3x512x512xf32, #tpu.memory_space<hbm>> -> memref<1x1x8x128xf32, #tpu.memory_space<hbm>>
        %dma_wait3A_903 = tpu.memref_squeeze %dma_wait3A_902 : memref<1x1x8x128xf32, #tpu.memory_space<hbm>> -> memref<8x128xf32, #tpu.memory_space<hbm>>
        tpu.wait_dma2 semaphore(%arg21 : memref<!tpu.dma_semaphore, #tpu.memory_space<semaphore_mem>>) src(%arg17 : memref<8x128xf32, #tpu.memory_space<vmem>>) dst(%dma_wait3A_903 : memref<8x128xf32, #tpu.memory_space<hbm>>)
      } else {
      }
      %parallel_loop3A_599 = arith.constant 0 : i32
      %parallel_loop3A_600 = arith.constant 1024 : i32
      %parallel_loop3A_601 = arith.constant 16 : i32
      scf.for %parallel_loop3A_752 = %parallel_loop3A_599 to %parallel_loop3A_600 step %parallel_loop3A_601  : i32 {
        %parallel_loop3A_753 = arith.constant 128 : i32
        %parallel_loop3A_754 = arith.divsi %parallel_loop3A_752, %parallel_loop3A_753 : i32
        %parallel_loop3A_755 = arith.constant 0 : i32
        %parallel_loop3A_756 = arith.cmpi sgt, %parallel_loop3A_752, %parallel_loop3A_755 : i32
        %parallel_loop3A_757 = arith.extui %parallel_loop3A_756 : i1 to i32
        %parallel_loop3A_758 = arith.constant 0 : i32
        %parallel_loop3A_759 = arith.cmpi slt, %parallel_loop3A_752, %parallel_loop3A_758 : i32
        %parallel_loop3A_760 = arith.extui %parallel_loop3A_759 : i1 to i32
        %parallel_loop3A_761 = arith.subi %parallel_loop3A_757, %parallel_loop3A_760 : i32
        %parallel_loop3A_762 = arith.constant 0 : i32
        %parallel_loop3A_763 = arith.cmpi sgt, %parallel_loop3A_753, %parallel_loop3A_762 : i32
        %parallel_loop3A_764 = arith.extui %parallel_loop3A_763 : i1 to i32
        %parallel_loop3A_765 = arith.constant 0 : i32
        %parallel_loop3A_766 = arith.cmpi slt, %parallel_loop3A_753, %parallel_loop3A_765 : i32
        %parallel_loop3A_767 = arith.extui %parallel_loop3A_766 : i1 to i32
        %parallel_loop3A_768 = arith.subi %parallel_loop3A_764, %parallel_loop3A_767 : i32
        %parallel_loop3A_769 = arith.cmpi ne, %parallel_loop3A_761, %parallel_loop3A_768 : i32
        %parallel_loop3A_770 = arith.remsi %parallel_loop3A_752, %parallel_loop3A_753 : i32
        %parallel_loop3A_771 = arith.constant 0 : i32
        %parallel_loop3A_772 = arith.cmpi ne, %parallel_loop3A_770, %parallel_loop3A_771 : i32
        %parallel_loop3A_773 = arith.andi %parallel_loop3A_769, %parallel_loop3A_772 : i1
        %parallel_loop3A_774 = arith.constant 1 : i32
        %parallel_loop3A_775 = arith.subi %parallel_loop3A_754, %parallel_loop3A_774 : i32
        %parallel_loop3A_776 = arith.select %parallel_loop3A_773, %parallel_loop3A_775, %parallel_loop3A_754 : i32
        %parallel_loop3A_777 = arith.constant 128 : i32
        %parallel_loop3A_778 = arith.constant 0 : i32
        %parallel_loop3A_779 = arith.cmpi eq, %parallel_loop3A_777, %parallel_loop3A_778 : i32
        %parallel_loop3A_780 = arith.constant 1 : i32
        %parallel_loop3A_781 = arith.select %parallel_loop3A_779, %parallel_loop3A_780, %parallel_loop3A_777 : i32
        %parallel_loop3A_782 = arith.remsi %parallel_loop3A_752, %parallel_loop3A_781 : i32
        %parallel_loop3A_783 = arith.constant 0 : i32
        %parallel_loop3A_784 = arith.cmpi ne, %parallel_loop3A_782, %parallel_loop3A_783 : i32
        %parallel_loop3A_785 = arith.constant 0 : i32
        %parallel_loop3A_786 = arith.cmpi slt, %parallel_loop3A_782, %parallel_loop3A_785 : i32
        %parallel_loop3A_787 = arith.constant 0 : i32
        %parallel_loop3A_788 = arith.cmpi slt, %parallel_loop3A_781, %parallel_loop3A_787 : i32
        %parallel_loop3A_789 = arith.xori %parallel_loop3A_786, %parallel_loop3A_788 : i1
        %parallel_loop3A_790 = arith.andi %parallel_loop3A_789, %parallel_loop3A_784 : i1
        %parallel_loop3A_791 = arith.addi %parallel_loop3A_782, %parallel_loop3A_781 : i32
        %parallel_loop3A_792 = arith.select %parallel_loop3A_790, %parallel_loop3A_791, %parallel_loop3A_782 : i32
        %parallel_loop3A_793 = arith.index_cast %parallel_loop3A_776 : i32 to index
        %parallel_loop3A_794 = arith.index_cast %parallel_loop3A_792 : i32 to index
        %parallel_loop3A_795 = tpu.vector_load %arg9[%parallel_loop3A_793, %parallel_loop3A_794] {strides = array<i32>} : memref<8x128xf32, #tpu.memory_space<vmem>>, vector<16xf32>,
        %parallel_loop3A_796 = arith.index_cast %parallel_loop3A_776 : i32 to index
        %parallel_loop3A_797 = arith.index_cast %parallel_loop3A_792 : i32 to index
        %parallel_loop3A_798 = tpu.vector_load %arg10[%parallel_loop3A_796, %parallel_loop3A_797] {strides = array<i32>} : memref<8x128xf32, #tpu.memory_space<vmem>>, vector<16xf32>,
        %parallel_loop3A_799 = arith.index_cast %parallel_loop3A_776 : i32 to index
        %parallel_loop3A_800 = arith.index_cast %parallel_loop3A_792 : i32 to index
        %parallel_loop3A_801 = tpu.vector_load %arg11[%parallel_loop3A_799, %parallel_loop3A_800] {strides = array<i32>} : memref<8x128xf32, #tpu.memory_space<vmem>>, vector<16xf32>,
        %parallel_loop3A_802 = arith.constant 3.200000e+01 : f32
        %parallel_loop3A_803 = vector.broadcast %parallel_loop3A_802 : f32 to vector<16xf32>
        %parallel_loop3A_804 = arith.mulf %parallel_loop3A_795, %parallel_loop3A_803 : vector<16xf32>
        %parallel_loop3A_805 = arith.fptosi %parallel_loop3A_804 : vector<16xf32> to vector<16xi32>
        %parallel_loop3A_806 = arith.sitofp %parallel_loop3A_805 : vector<16xi32> to vector<16xf32>
        %parallel_loop3A_807 = arith.subf %parallel_loop3A_804, %parallel_loop3A_806 : vector<16xf32>
        %parallel_loop3A_808 = arith.constant 3.200000e+01 : f32
        %parallel_loop3A_809 = vector.broadcast %parallel_loop3A_808 : f32 to vector<16xf32>
        %parallel_loop3A_810 = arith.mulf %parallel_loop3A_798, %parallel_loop3A_809 : vector<16xf32>
        %parallel_loop3A_811 = arith.fptosi %parallel_loop3A_810 : vector<16xf32> to vector<16xi32>
        %parallel_loop3A_812 = arith.sitofp %parallel_loop3A_811 : vector<16xi32> to vector<16xf32>
        %parallel_loop3A_813 = arith.subf %parallel_loop3A_810, %parallel_loop3A_812 : vector<16xf32>
        %parallel_loop3A_814 = arith.constant 3.200000e+01 : f32
        %parallel_loop3A_815 = vector.broadcast %parallel_loop3A_814 : f32 to vector<16xf32>
        %parallel_loop3A_816 = arith.mulf %parallel_loop3A_801, %parallel_loop3A_815 : vector<16xf32>
        %parallel_loop3A_817 = arith.fptosi %parallel_loop3A_816 : vector<16xf32> to vector<16xi32>
        %parallel_loop3A_818 = arith.sitofp %parallel_loop3A_817 : vector<16xi32> to vector<16xf32>
        %parallel_loop3A_819 = arith.subf %parallel_loop3A_816, %parallel_loop3A_818 : vector<16xf32>
        %parallel_loop3A_820 = arith.constant 1089 : i32
        %parallel_loop3A_821 = vector.broadcast %parallel_loop3A_820 : i32 to vector<16xi32>
        %parallel_loop3A_822 = arith.muli %parallel_loop3A_805, %parallel_loop3A_821 : vector<16xi32>
        %parallel_loop3A_823 = arith.constant 33 : i32
        %parallel_loop3A_824 = vector.broadcast %parallel_loop3A_823 : i32 to vector<16xi32>
        %parallel_loop3A_825 = arith.muli %parallel_loop3A_811, %parallel_loop3A_824 : vector<16xi32>
        %parallel_loop3A_826 = arith.addi %parallel_loop3A_822, %parallel_loop3A_825 : vector<16xi32>
        %parallel_loop3A_827 = arith.addi %parallel_loop3A_826, %parallel_loop3A_817 : vector<16xi32>
        %parallel_loop3A_828 = arith.constant 1.000000e+00 : f32
        %parallel_loop3A_829 = vector.broadcast %parallel_loop3A_828 : f32 to vector<16xf32>
        %parallel_loop3A_830 = arith.subf %parallel_loop3A_829, %parallel_loop3A_819 : vector<16xf32>
        %parallel_loop3A_831 = arith.constant 1.000000e+00 : f32
        %parallel_loop3A_832 = vector.broadcast %parallel_loop3A_831 : f32 to vector<16xf32>
        %parallel_loop3A_833 = arith.subf %parallel_loop3A_832, %parallel_loop3A_813 : vector<16xf32>
        %parallel_loop3A_834 = arith.mulf %parallel_loop3A_833, %parallel_loop3A_830 : vector<16xf32>
        %parallel_loop3A_835 = arith.mulf %parallel_loop3A_833, %parallel_loop3A_819 : vector<16xf32>
        %parallel_loop3A_836 = arith.mulf %parallel_loop3A_813, %parallel_loop3A_830 : vector<16xf32>
        %parallel_loop3A_837 = arith.mulf %parallel_loop3A_813, %parallel_loop3A_819 : vector<16xf32>
        %parallel_loop3A_838 = arith.constant 1.000000e+00 : f32
        %parallel_loop3A_839 = vector.broadcast %parallel_loop3A_838 : f32 to vector<16xf32>
        %parallel_loop3A_840 = arith.subf %parallel_loop3A_839, %parallel_loop3A_807 : vector<16xf32>
        %parallel_loop3A_841 = arith.constant 0 : i32
        %parallel_loop3A_842 = tpu.memref_slice %arg5[%parallel_loop3A_841] : memref<107832xf32, #tpu.memory_space<vmem>> -> memref<35944xf32, #tpu.memory_space<vmem>>
        %parallel_loop3A_843 = tpu.vector_load_idx %parallel_loop3A_842[%parallel_loop3A_827] : memref<35944xf32, #tpu.memory_space<vmem>>[vector<16xi32>], vector<16xf32>,
        %parallel_loop3A_844 = arith.mulf %parallel_loop3A_843, %parallel_loop3A_834 : vector<16xf32>
        %parallel_loop3A_845 = arith.constant 35944 : i32
        %parallel_loop3A_846 = tpu.memref_slice %arg5[%parallel_loop3A_845] : memref<107832xf32, #tpu.memory_space<vmem>> -> memref<35944xf32, #tpu.memory_space<vmem>>
        %parallel_loop3A_847 = tpu.vector_load_idx %parallel_loop3A_846[%parallel_loop3A_827] : memref<35944xf32, #tpu.memory_space<vmem>>[vector<16xi32>], vector<16xf32>,
        %parallel_loop3A_848 = arith.mulf %parallel_loop3A_847, %parallel_loop3A_834 : vector<16xf32>
        %parallel_loop3A_849 = arith.constant 71888 : i32
        %parallel_loop3A_850 = tpu.memref_slice %arg5[%parallel_loop3A_849] : memref<107832xf32, #tpu.memory_space<vmem>> -> memref<35944xf32, #tpu.memory_space<vmem>>
        %parallel_loop3A_851 = tpu.vector_load_idx %parallel_loop3A_850[%parallel_loop3A_827] : memref<35944xf32, #tpu.memory_space<vmem>>[vector<16xi32>], vector<16xf32>,
        %parallel_loop3A_852 = arith.mulf %parallel_loop3A_851, %parallel_loop3A_834 : vector<16xf32>
        %parallel_loop3A_853 = arith.constant 1 : i32
        %parallel_loop3A_854 = vector.broadcast %parallel_loop3A_853 : i32 to vector<16xi32>
        %parallel_loop3A_855 = arith.addi %parallel_loop3A_827, %parallel_loop3A_854 : vector<16xi32>
        %parallel_loop3A_856 = arith.constant 0 : i32
        %parallel_loop3A_857 = tpu.memref_slice %arg5[%parallel_loop3A_856] : memref<107832xf32, #tpu.memory_space<vmem>> -> memref<35944xf32, #tpu.memory_space<vmem>>
        %parallel_loop3A_858 = tpu.vector_load_idx %parallel_loop3A_857[%parallel_loop3A_855] : memref<35944xf32, #tpu.memory_space<vmem>>[vector<16xi32>], vector<16xf32>,
        %parallel_loop3A_859 = arith.mulf %parallel_loop3A_858, %parallel_loop3A_835 : vector<16xf32>
        %parallel_loop3A_860 = arith.addf %parallel_loop3A_844, %parallel_loop3A_859 : vector<16xf32>
        %parallel_loop3A_861 = arith.constant 35944 : i32
        %parallel_loop3A_862 = tpu.memref_slice %arg5[%parallel_loop3A_861] : memref<107832xf32, #tpu.memory_space<vmem>> -> memref<35944xf32, #tpu.memory_space<vmem>>
        %parallel_loop3A_863 = tpu.vector_load_idx %parallel_loop3A_862[%parallel_loop3A_855] : memref<35944xf32, #tpu.memory_space<vmem>>[vector<16xi32>], vector<16xf32>,
        %parallel_loop3A_864 = arith.mulf %parallel_loop3A_863, %parallel_loop3A_835 : vector<16xf32>
        %parallel_loop3A_865 = arith.addf %parallel_loop3A_848, %parallel_loop3A_864 : vector<16xf32>
        %parallel_loop3A_866 = arith.constant 71888 : i32
        %parallel_loop3A_867 = tpu.memref_slice %arg5[%parallel_loop3A_866] : memref<107832xf32, #tpu.memory_space<vmem>> -> memref<35944xf32, #tpu.memory_space<vmem>>
        %parallel_loop3A_868 = tpu.vector_load_idx %parallel_loop3A_867[%parallel_loop3A_855] : memref<35944xf32, #tpu.memory_space<vmem>>[vector<16xi32>], vector<16xf32>,
        %parallel_loop3A_869 = arith.mulf %parallel_loop3A_868, %parallel_loop3A_835 : vector<16xf32>
        %parallel_loop3A_870 = arith.addf %parallel_loop3A_852, %parallel_loop3A_869 : vector<16xf32>
        %parallel_loop3A_871 = arith.constant 33 : i32
        %parallel_loop3A_872 = vector.broadcast %parallel_loop3A_871 : i32 to vector<16xi32>
        %parallel_loop3A_873 = arith.addi %parallel_loop3A_827, %parallel_loop3A_872 : vector<16xi32>
        %parallel_loop3A_874 = arith.constant 0 : i32
        %parallel_loop3A_875 = tpu.memref_slice %arg5[%parallel_loop3A_874] : memref<107832xf32, #tpu.memory_space<vmem>> -> memref<35944xf32, #tpu.memory_space<vmem>>
        %parallel_loop3A_876 = tpu.vector_load_idx %parallel_loop3A_875[%parallel_loop3A_873] : memref<35944xf32, #tpu.memory_space<vmem>>[vector<16xi32>], vector<16xf32>,
        %parallel_loop3A_877 = arith.mulf %parallel_loop3A_876, %parallel_loop3A_836 : vector<16xf32>
        %parallel_loop3A_878 = arith.addf %parallel_loop3A_860, %parallel_loop3A_877 : vector<16xf32>
        %parallel_loop3A_879 = arith.constant 35944 : i32
        %parallel_loop3A_880 = tpu.memref_slice %arg5[%parallel_loop3A_879] : memref<107832xf32, #tpu.memory_space<vmem>> -> memref<35944xf32, #tpu.memory_space<vmem>>
        %parallel_loop3A_881 = tpu.vector_load_idx %parallel_loop3A_880[%parallel_loop3A_873] : memref<35944xf32, #tpu.memory_space<vmem>>[vector<16xi32>], vector<16xf32>,
        %parallel_loop3A_882 = arith.mulf %parallel_loop3A_881, %parallel_loop3A_836 : vector<16xf32>
        %parallel_loop3A_883 = arith.addf %parallel_loop3A_865, %parallel_loop3A_882 : vector<16xf32>
        %parallel_loop3A_884 = arith.constant 71888 : i32
        %parallel_loop3A_885 = tpu.memref_slice %arg5[%parallel_loop3A_884] : memref<107832xf32, #tpu.memory_space<vmem>> -> memref<35944xf32, #tpu.memory_space<vmem>>
        %parallel_loop3A_886 = tpu.vector_load_idx %parallel_loop3A_885[%parallel_loop3A_873] : memref<35944xf32, #tpu.memory_space<vmem>>[vector<16xi32>], vector<16xf32>,
        %parallel_loop3A_887 = arith.mulf %parallel_loop3A_886, %parallel_loop3A_836 : vector<16xf32>
        %parallel_loop3A_888 = arith.addf %parallel_loop3A_870, %parallel_loop3A_887 : vector<16xf32>
        %parallel_loop3A_889 = arith.constant 34 : i32
        %parallel_loop3A_890 = vector.broadcast %parallel_loop3A_889 : i32 to vector<16xi32>
        %parallel_loop3A_891 = arith.addi %parallel_loop3A_827, %parallel_loop3A_890 : vector<16xi32>
        %parallel_loop3A_892 = arith.constant 0 : i32
        %parallel_loop3A_893 = tpu.memref_slice %arg5[%parallel_loop3A_892] : memref<107832xf32, #tpu.memory_space<vmem>> -> memref<35944xf32, #tpu.memory_space<vmem>>
        %parallel_loop3A_894 = tpu.vector_load_idx %parallel_loop3A_893[%parallel_loop3A_891] : memref<35944xf32, #tpu.memory_space<vmem>>[vector<16xi32>], vector<16xf32>,
        %parallel_loop3A_895 = arith.mulf %parallel_loop3A_894, %parallel_loop3A_837 : vector<16xf32>
        %parallel_loop3A_896 = arith.addf %parallel_loop3A_878, %parallel_loop3A_895 : vector<16xf32>
        %parallel_loop3A_897 = arith.constant 35944 : i32
        %parallel_loop3A_898 = tpu.memref_slice %arg5[%parallel_loop3A_897] : memref<107832xf32, #tpu.memory_space<vmem>> -> memref<35944xf32, #tpu.memory_space<vmem>>
        %parallel_loop3A_899 = tpu.vector_load_idx %parallel_loop3A_898[%parallel_loop3A_891] : memref<35944xf32, #tpu.memory_space<vmem>>[vector<16xi32>], vector<16xf32>,
        %parallel_loop3A_900 = arith.mulf %parallel_loop3A_899, %parallel_loop3A_837 : vector<16xf32>
        %parallel_loop3A_901 = arith.addf %parallel_loop3A_883, %parallel_loop3A_900 : vector<16xf32>
        %parallel_loop3A_902 = arith.constant 71888 : i32
        %parallel_loop3A_903 = tpu.memref_slice %arg5[%parallel_loop3A_902] : memref<107832xf32, #tpu.memory_space<vmem>> -> memref<35944xf32, #tpu.memory_space<vmem>>
        %parallel_loop3A_904 = tpu.vector_load_idx %parallel_loop3A_903[%parallel_loop3A_891] : memref<35944xf32, #tpu.memory_space<vmem>>[vector<16xi32>], vector<16xf32>,
        %parallel_loop3A_905 = arith.mulf %parallel_loop3A_904, %parallel_loop3A_837 : vector<16xf32>
        %parallel_loop3A_906 = arith.addf %parallel_loop3A_888, %parallel_loop3A_905 : vector<16xf32>
        %parallel_loop3A_907 = arith.constant 1089 : i32
        %parallel_loop3A_908 = vector.broadcast %parallel_loop3A_907 : i32 to vector<16xi32>
        %parallel_loop3A_909 = arith.addi %parallel_loop3A_827, %parallel_loop3A_908 : vector<16xi32>
        %parallel_loop3A_910 = arith.constant 0 : i32
        %parallel_loop3A_911 = tpu.memref_slice %arg5[%parallel_loop3A_910] : memref<107832xf32, #tpu.memory_space<vmem>> -> memref<35944xf32, #tpu.memory_space<vmem>>
        %parallel_loop3A_912 = tpu.vector_load_idx %parallel_loop3A_911[%parallel_loop3A_909] : memref<35944xf32, #tpu.memory_space<vmem>>[vector<16xi32>], vector<16xf32>,
        %parallel_loop3A_913 = arith.mulf %parallel_loop3A_912, %parallel_loop3A_834 : vector<16xf32>
        %parallel_loop3A_914 = arith.constant 35944 : i32
        %parallel_loop3A_915 = tpu.memref_slice %arg5[%parallel_loop3A_914] : memref<107832xf32, #tpu.memory_space<vmem>> -> memref<35944xf32, #tpu.memory_space<vmem>>
        %parallel_loop3A_916 = tpu.vector_load_idx %parallel_loop3A_915[%parallel_loop3A_909] : memref<35944xf32, #tpu.memory_space<vmem>>[vector<16xi32>], vector<16xf32>,
        %parallel_loop3A_917 = arith.mulf %parallel_loop3A_916, %parallel_loop3A_834 : vector<16xf32>
        %parallel_loop3A_918 = arith.constant 71888 : i32
        %parallel_loop3A_919 = tpu.memref_slice %arg5[%parallel_loop3A_918] : memref<107832xf32, #tpu.memory_space<vmem>> -> memref<35944xf32, #tpu.memory_space<vmem>>
        %parallel_loop3A_920 = tpu.vector_load_idx %parallel_loop3A_919[%parallel_loop3A_909] : memref<35944xf32, #tpu.memory_space<vmem>>[vector<16xi32>], vector<16xf32>,
        %parallel_loop3A_921 = arith.mulf %parallel_loop3A_920, %parallel_loop3A_834 : vector<16xf32>
        %parallel_loop3A_922 = arith.constant 1090 : i32
        %parallel_loop3A_923 = vector.broadcast %parallel_loop3A_922 : i32 to vector<16xi32>
        %parallel_loop3A_924 = arith.addi %parallel_loop3A_827, %parallel_loop3A_923 : vector<16xi32>
        %parallel_loop3A_925 = arith.constant 0 : i32
        %parallel_loop3A_926 = tpu.memref_slice %arg5[%parallel_loop3A_925] : memref<107832xf32, #tpu.memory_space<vmem>> -> memref<35944xf32, #tpu.memory_space<vmem>>
        %parallel_loop3A_927 = tpu.vector_load_idx %parallel_loop3A_926[%parallel_loop3A_924] : memref<35944xf32, #tpu.memory_space<vmem>>[vector<16xi32>], vector<16xf32>,
        %parallel_loop3A_928 = arith.mulf %parallel_loop3A_927, %parallel_loop3A_835 : vector<16xf32>
        %parallel_loop3A_929 = arith.addf %parallel_loop3A_913, %parallel_loop3A_928 : vector<16xf32>
        %parallel_loop3A_930 = arith.constant 35944 : i32
        %parallel_loop3A_931 = tpu.memref_slice %arg5[%parallel_loop3A_930] : memref<107832xf32, #tpu.memory_space<vmem>> -> memref<35944xf32, #tpu.memory_space<vmem>>
        %parallel_loop3A_932 = tpu.vector_load_idx %parallel_loop3A_931[%parallel_loop3A_924] : memref<35944xf32, #tpu.memory_space<vmem>>[vector<16xi32>], vector<16xf32>,
        %parallel_loop3A_933 = arith.mulf %parallel_loop3A_932, %parallel_loop3A_835 : vector<16xf32>
        %parallel_loop3A_934 = arith.addf %parallel_loop3A_917, %parallel_loop3A_933 : vector<16xf32>
        %parallel_loop3A_935 = arith.constant 71888 : i32
        %parallel_loop3A_936 = tpu.memref_slice %arg5[%parallel_loop3A_935] : memref<107832xf32, #tpu.memory_space<vmem>> -> memref<35944xf32, #tpu.memory_space<vmem>>
        %parallel_loop3A_937 = tpu.vector_load_idx %parallel_loop3A_936[%parallel_loop3A_924] : memref<35944xf32, #tpu.memory_space<vmem>>[vector<16xi32>], vector<16xf32>,
        %parallel_loop3A_938 = arith.mulf %parallel_loop3A_937, %parallel_loop3A_835 : vector<16xf32>
        %parallel_loop3A_939 = arith.addf %parallel_loop3A_921, %parallel_loop3A_938 : vector<16xf32>
        %parallel_loop3A_940 = arith.constant 1122 : i32
        %parallel_loop3A_941 = vector.broadcast %parallel_loop3A_940 : i32 to vector<16xi32>
        %parallel_loop3A_942 = arith.addi %parallel_loop3A_827, %parallel_loop3A_941 : vector<16xi32>
        %parallel_loop3A_943 = arith.constant 0 : i32
        %parallel_loop3A_944 = tpu.memref_slice %arg5[%parallel_loop3A_943] : memref<107832xf32, #tpu.memory_space<vmem>> -> memref<35944xf32, #tpu.memory_space<vmem>>
        %parallel_loop3A_945 = tpu.vector_load_idx %parallel_loop3A_944[%parallel_loop3A_942] : memref<35944xf32, #tpu.memory_space<vmem>>[vector<16xi32>], vector<16xf32>,
        %parallel_loop3A_946 = arith.mulf %parallel_loop3A_945, %parallel_loop3A_836 : vector<16xf32>
        %parallel_loop3A_947 = arith.addf %parallel_loop3A_929, %parallel_loop3A_946 : vector<16xf32>
        %parallel_loop3A_948 = arith.constant 35944 : i32
        %parallel_loop3A_949 = tpu.memref_slice %arg5[%parallel_loop3A_948] : memref<107832xf32, #tpu.memory_space<vmem>> -> memref<35944xf32, #tpu.memory_space<vmem>>
        %parallel_loop3A_950 = tpu.vector_load_idx %parallel_loop3A_949[%parallel_loop3A_942] : memref<35944xf32, #tpu.memory_space<vmem>>[vector<16xi32>], vector<16xf32>,
        %parallel_loop3A_951 = arith.mulf %parallel_loop3A_950, %parallel_loop3A_836 : vector<16xf32>
        %parallel_loop3A_952 = arith.addf %parallel_loop3A_934, %parallel_loop3A_951 : vector<16xf32>
        %parallel_loop3A_953 = arith.constant 71888 : i32
        %parallel_loop3A_954 = tpu.memref_slice %arg5[%parallel_loop3A_953] : memref<107832xf32, #tpu.memory_space<vmem>> -> memref<35944xf32, #tpu.memory_space<vmem>>
        %parallel_loop3A_955 = tpu.vector_load_idx %parallel_loop3A_954[%parallel_loop3A_942] : memref<35944xf32, #tpu.memory_space<vmem>>[vector<16xi32>], vector<16xf32>,
        %parallel_loop3A_956 = arith.mulf %parallel_loop3A_955, %parallel_loop3A_836 : vector<16xf32>
        %parallel_loop3A_957 = arith.addf %parallel_loop3A_939, %parallel_loop3A_956 : vector<16xf32>
        %parallel_loop3A_958 = arith.constant 1123 : i32
        %parallel_loop3A_959 = vector.broadcast %parallel_loop3A_958 : i32 to vector<16xi32>
        %parallel_loop3A_960 = arith.addi %parallel_loop3A_827, %parallel_loop3A_959 : vector<16xi32>
        %parallel_loop3A_961 = arith.constant 0 : i32
        %parallel_loop3A_962 = tpu.memref_slice %arg5[%parallel_loop3A_961] : memref<107832xf32, #tpu.memory_space<vmem>> -> memref<35944xf32, #tpu.memory_space<vmem>>
        %parallel_loop3A_963 = tpu.vector_load_idx %parallel_loop3A_962[%parallel_loop3A_960] : memref<35944xf32, #tpu.memory_space<vmem>>[vector<16xi32>], vector<16xf32>,
        %parallel_loop3A_964 = arith.mulf %parallel_loop3A_963, %parallel_loop3A_837 : vector<16xf32>
        %parallel_loop3A_965 = arith.addf %parallel_loop3A_947, %parallel_loop3A_964 : vector<16xf32>
        %parallel_loop3A_966 = arith.constant 35944 : i32
        %parallel_loop3A_967 = tpu.memref_slice %arg5[%parallel_loop3A_966] : memref<107832xf32, #tpu.memory_space<vmem>> -> memref<35944xf32, #tpu.memory_space<vmem>>
        %parallel_loop3A_968 = tpu.vector_load_idx %parallel_loop3A_967[%parallel_loop3A_960] : memref<35944xf32, #tpu.memory_space<vmem>>[vector<16xi32>], vector<16xf32>,
        %parallel_loop3A_969 = arith.mulf %parallel_loop3A_968, %parallel_loop3A_837 : vector<16xf32>
        %parallel_loop3A_970 = arith.addf %parallel_loop3A_952, %parallel_loop3A_969 : vector<16xf32>
        %parallel_loop3A_971 = arith.constant 71888 : i32
        %parallel_loop3A_972 = tpu.memref_slice %arg5[%parallel_loop3A_971] : memref<107832xf32, #tpu.memory_space<vmem>> -> memref<35944xf32, #tpu.memory_space<vmem>>
        %parallel_loop3A_973 = tpu.vector_load_idx %parallel_loop3A_972[%parallel_loop3A_960] : memref<35944xf32, #tpu.memory_space<vmem>>[vector<16xi32>], vector<16xf32>,
        %parallel_loop3A_974 = arith.mulf %parallel_loop3A_973, %parallel_loop3A_837 : vector<16xf32>
        %parallel_loop3A_975 = arith.addf %parallel_loop3A_957, %parallel_loop3A_974 : vector<16xf32>
        %parallel_loop3A_976 = arith.mulf %parallel_loop3A_896, %parallel_loop3A_840 : vector<16xf32>
        %parallel_loop3A_977 = arith.mulf %parallel_loop3A_965, %parallel_loop3A_807 : vector<16xf32>
        %parallel_loop3A_978 = arith.addf %parallel_loop3A_976, %parallel_loop3A_977 : vector<16xf32>
        %parallel_loop3A_979 = arith.index_cast %parallel_loop3A_776 : i32 to index
        %parallel_loop3A_980 = arith.index_cast %parallel_loop3A_792 : i32 to index
        %parallel_loop3A_981 = tpu.vector_load %arg15[%parallel_loop3A_979, %parallel_loop3A_980] {strides = array<i32>} : memref<8x128xf32, #tpu.memory_space<vmem>>, vector<16xf32>,
        tpu.vector_store %arg15[%parallel_loop3A_979, %parallel_loop3A_980], %parallel_loop3A_978 {strides = array<i32>} : memref<8x128xf32, #tpu.memory_space<vmem>>, vector<16xf32>,
        %parallel_loop3A_982 = arith.mulf %parallel_loop3A_901, %parallel_loop3A_840 : vector<16xf32>
        %parallel_loop3A_983 = arith.mulf %parallel_loop3A_970, %parallel_loop3A_807 : vector<16xf32>
        %parallel_loop3A_984 = arith.addf %parallel_loop3A_982, %parallel_loop3A_983 : vector<16xf32>
        %parallel_loop3A_985 = arith.index_cast %parallel_loop3A_776 : i32 to index
        %parallel_loop3A_986 = arith.index_cast %parallel_loop3A_792 : i32 to index
        %parallel_loop3A_987 = tpu.vector_load %arg16[%parallel_loop3A_985, %parallel_loop3A_986] {strides = array<i32>} : memref<8x128xf32, #tpu.memory_space<vmem>>, vector<16xf32>,
        tpu.vector_store %arg16[%parallel_loop3A_985, %parallel_loop3A_986], %parallel_loop3A_984 {strides = array<i32>} : memref<8x128xf32, #tpu.memory_space<vmem>>, vector<16xf32>,
        %parallel_loop3A_988 = arith.mulf %parallel_loop3A_906, %parallel_loop3A_840 : vector<16xf32>
        %parallel_loop3A_989 = arith.mulf %parallel_loop3A_975, %parallel_loop3A_807 : vector<16xf32>
        %parallel_loop3A_990 = arith.addf %parallel_loop3A_988, %parallel_loop3A_989 : vector<16xf32>
        %parallel_loop3A_991 = arith.index_cast %parallel_loop3A_776 : i32 to index
        %parallel_loop3A_992 = arith.index_cast %parallel_loop3A_792 : i32 to index
        %parallel_loop3A_993 = tpu.vector_load %arg17[%parallel_loop3A_991, %parallel_loop3A_992] {strides = array<i32>} : memref<8x128xf32, #tpu.memory_space<vmem>>, vector<16xf32>,
        tpu.vector_store %arg17[%parallel_loop3A_991, %parallel_loop3A_992], %parallel_loop3A_990 {strides = array<i32>} : memref<8x128xf32, #tpu.memory_space<vmem>>, vector<16xf32>,
      } {sc.loop_unroll_factor = 1 : i64, sc.parallel_access}
      %jit3A_602 = arith.constant 4 : i32
      %div3A_603 = arith.divsi %add3A_436, %jit3A_602 : i32
      %sign3A_604 = arith.constant 0 : i32
      %sign3A_605 = arith.cmpi sgt, %add3A_436, %sign3A_604 : i32
      %sign3A_606 = arith.extui %sign3A_605 : i1 to i32
      %sign3A_607 = arith.constant 0 : i32
      %sign3A_608 = arith.cmpi slt, %add3A_436, %sign3A_607 : i32
      %sign3A_609 = arith.extui %sign3A_608 : i1 to i32
      %sign3A_610 = arith.subi %sign3A_606, %sign3A_609 : i32
      %sign3A_611 = arith.constant 0 : i32
      %sign3A_612 = arith.cmpi sgt, %jit3A_602, %sign3A_611 : i32
      %sign3A_613 = arith.extui %sign3A_612 : i1 to i32
      %sign3A_614 = arith.constant 0 : i32
      %sign3A_615 = arith.cmpi slt, %jit3A_602, %sign3A_614 : i32
      %sign3A_616 = arith.extui %sign3A_615 : i1 to i32
      %sign3A_617 = arith.subi %sign3A_613, %sign3A_616 : i32
      %ne3A_618 = arith.cmpi ne, %sign3A_610, %sign3A_617 : i32
      %rem3A_619 = arith.remsi %add3A_436, %jit3A_602 : i32
      %ne3A_620 = arith.constant 0 : i32
      %ne3A_621 = arith.cmpi ne, %rem3A_619, %ne3A_620 : i32
      %and3A_622 = arith.andi %ne3A_618, %ne3A_621 : i1
      %sub3A_623 = arith.constant 1 : i32
      %sub3A_624 = arith.subi %div3A_603, %sub3A_623 : i32
      %select_n3A_625 = arith.select %and3A_622, %sub3A_624, %div3A_603 : i32
      %mul3A_626 = arith.constant 8 : i32
      %mul3A_627 = arith.muli %select_n3A_625, %mul3A_626 : i32
      %add3A_628 = arith.addi %mul3A_32, %mul3A_627 : i32
      %jit3A_629 = arith.constant 4 : i32
      %eq3A_630 = arith.constant 0 : i32
      %eq3A_631 = arith.cmpi eq, %jit3A_629, %eq3A_630 : i32
      %jit3A_632 = arith.constant 1 : i32
      %select_n3A_633 = arith.select %eq3A_631, %jit3A_632, %jit3A_629 : i32
      %rem3A_634 = arith.remsi %add3A_436, %select_n3A_633 : i32
      %ne3A_635 = arith.constant 0 : i32
      %ne3A_636 = arith.cmpi ne, %rem3A_634, %ne3A_635 : i32
      %lt3A_637 = arith.constant 0 : i32
      %lt3A_638 = arith.cmpi slt, %rem3A_634, %lt3A_637 : i32
      %lt3A_639 = arith.constant 0 : i32
      %lt3A_640 = arith.cmpi slt, %select_n3A_633, %lt3A_639 : i32
      %ne3A_641 = arith.xori %lt3A_638, %lt3A_640 : i1
      %and3A_642 = arith.andi %ne3A_641, %ne3A_636 : i1
      %add3A_643 = arith.addi %rem3A_634, %select_n3A_633 : i32
      %select_n3A_644 = arith.select %and3A_642, %add3A_643, %rem3A_634 : i32
      %mul3A_645 = arith.constant 128 : i32
      %mul3A_646 = arith.muli %select_n3A_644, %mul3A_645 : i32
      %dma_start3A_647 = arith.constant 0 : i32
      %dma_start3A_648 = tpu.memref_slice %arg4[%select_n3A, %dma_start3A_647, %add3A_628, %mul3A_646] : memref<8x3x512x512xf32, #tpu.memory_space<hbm>> -> memref<1x1x8x128xf32, #tpu.memory_space<hbm>>
      %dma_start3A_649 = tpu.memref_squeeze %dma_start3A_648 : memref<1x1x8x128xf32, #tpu.memory_space<hbm>> -> memref<8x128xf32, #tpu.memory_space<hbm>>
      %dma_start3A_650 = tpu.memref_slice %arg4[%select_n3A, %dma_start3A_647, %add3A_628, %mul3A_646] : memref<8x3x512x512xf32, #tpu.memory_space<hbm>> -> memref<1x1x8x128xf32, #tpu.memory_space<hbm>>
      %dma_start3A_651 = tpu.memref_squeeze %dma_start3A_650 : memref<1x1x8x128xf32, #tpu.memory_space<hbm>> -> memref<8x128xf32, #tpu.memory_space<hbm>>
      tpu.enqueue_dma source(%arg15 : memref<8x128xf32, #tpu.memory_space<vmem>>) target(%dma_start3A_651 : memref<8x128xf32, #tpu.memory_space<hbm>>) target_semaphore(%arg21 : memref<!tpu.dma_semaphore, #tpu.memory_space<semaphore_mem>>)
      %jit3A_652 = arith.constant 4 : i32
      %div3A_653 = arith.divsi %add3A_436, %jit3A_652 : i32
      %sign3A_654 = arith.constant 0 : i32
      %sign3A_655 = arith.cmpi sgt, %add3A_436, %sign3A_654 : i32
      %sign3A_656 = arith.extui %sign3A_655 : i1 to i32
      %sign3A_657 = arith.constant 0 : i32
      %sign3A_658 = arith.cmpi slt, %add3A_436, %sign3A_657 : i32
      %sign3A_659 = arith.extui %sign3A_658 : i1 to i32
      %sign3A_660 = arith.subi %sign3A_656, %sign3A_659 : i32
      %sign3A_661 = arith.constant 0 : i32
      %sign3A_662 = arith.cmpi sgt, %jit3A_652, %sign3A_661 : i32
      %sign3A_663 = arith.extui %sign3A_662 : i1 to i32
      %sign3A_664 = arith.constant 0 : i32
      %sign3A_665 = arith.cmpi slt, %jit3A_652, %sign3A_664 : i32
      %sign3A_666 = arith.extui %sign3A_665 : i1 to i32
      %sign3A_667 = arith.subi %sign3A_663, %sign3A_666 : i32
      %ne3A_668 = arith.cmpi ne, %sign3A_660, %sign3A_667 : i32
      %rem3A_669 = arith.remsi %add3A_436, %jit3A_652 : i32
      %ne3A_670 = arith.constant 0 : i32
      %ne3A_671 = arith.cmpi ne, %rem3A_669, %ne3A_670 : i32
      %and3A_672 = arith.andi %ne3A_668, %ne3A_671 : i1
      %sub3A_673 = arith.constant 1 : i32
      %sub3A_674 = arith.subi %div3A_653, %sub3A_673 : i32
      %select_n3A_675 = arith.select %and3A_672, %sub3A_674, %div3A_653 : i32
      %mul3A_676 = arith.constant 8 : i32
      %mul3A_677 = arith.muli %select_n3A_675, %mul3A_676 : i32
      %add3A_678 = arith.addi %mul3A_32, %mul3A_677 : i32
      %jit3A_679 = arith.constant 4 : i32
      %eq3A_680 = arith.constant 0 : i32
      %eq3A_681 = arith.cmpi eq, %jit3A_679, %eq3A_680 : i32
      %jit3A_682 = arith.constant 1 : i32
      %select_n3A_683 = arith.select %eq3A_681, %jit3A_682, %jit3A_679 : i32
      %rem3A_684 = arith.remsi %add3A_436, %select_n3A_683 : i32
      %ne3A_685 = arith.constant 0 : i32
      %ne3A_686 = arith.cmpi ne, %rem3A_684, %ne3A_685 : i32
      %lt3A_687 = arith.constant 0 : i32
      %lt3A_688 = arith.cmpi slt, %rem3A_684, %lt3A_687 : i32
      %lt3A_689 = arith.constant 0 : i32
      %lt3A_690 = arith.cmpi slt, %select_n3A_683, %lt3A_689 : i32
      %ne3A_691 = arith.xori %lt3A_688, %lt3A_690 : i1
      %and3A_692 = arith.andi %ne3A_691, %ne3A_686 : i1
      %add3A_693 = arith.addi %rem3A_684, %select_n3A_683 : i32
      %select_n3A_694 = arith.select %and3A_692, %add3A_693, %rem3A_684 : i32
      %mul3A_695 = arith.constant 128 : i32
      %mul3A_696 = arith.muli %select_n3A_694, %mul3A_695 : i32
      %dma_start3A_697 = arith.constant 1 : i32
      %dma_start3A_698 = tpu.memref_slice %arg4[%select_n3A, %dma_start3A_697, %add3A_678, %mul3A_696] : memref<8x3x512x512xf32, #tpu.memory_space<hbm>> -> memref<1x1x8x128xf32, #tpu.memory_space<hbm>>
      %dma_start3A_699 = tpu.memref_squeeze %dma_start3A_698 : memref<1x1x8x128xf32, #tpu.memory_space<hbm>> -> memref<8x128xf32, #tpu.memory_space<hbm>>
      %dma_start3A_700 = tpu.memref_slice %arg4[%select_n3A, %dma_start3A_697, %add3A_678, %mul3A_696] : memref<8x3x512x512xf32, #tpu.memory_space<hbm>> -> memref<1x1x8x128xf32, #tpu.memory_space<hbm>>
      %dma_start3A_701 = tpu.memref_squeeze %dma_start3A_700 : memref<1x1x8x128xf32, #tpu.memory_space<hbm>> -> memref<8x128xf32, #tpu.memory_space<hbm>>
      tpu.enqueue_dma source(%arg16 : memref<8x128xf32, #tpu.memory_space<vmem>>) target(%dma_start3A_701 : memref<8x128xf32, #tpu.memory_space<hbm>>) target_semaphore(%arg21 : memref<!tpu.dma_semaphore, #tpu.memory_space<semaphore_mem>>)
      %jit3A_702 = arith.constant 4 : i32
      %div3A_703 = arith.divsi %add3A_436, %jit3A_702 : i32
      %sign3A_704 = arith.constant 0 : i32
      %sign3A_705 = arith.cmpi sgt, %add3A_436, %sign3A_704 : i32
      %sign3A_706 = arith.extui %sign3A_705 : i1 to i32
      %sign3A_707 = arith.constant 0 : i32
      %sign3A_708 = arith.cmpi slt, %add3A_436, %sign3A_707 : i32
      %sign3A_709 = arith.extui %sign3A_708 : i1 to i32
      %sign3A_710 = arith.subi %sign3A_706, %sign3A_709 : i32
      %sign3A_711 = arith.constant 0 : i32
      %sign3A_712 = arith.cmpi sgt, %jit3A_702, %sign3A_711 : i32
      %sign3A_713 = arith.extui %sign3A_712 : i1 to i32
      %sign3A_714 = arith.constant 0 : i32
      %sign3A_715 = arith.cmpi slt, %jit3A_702, %sign3A_714 : i32
      %sign3A_716 = arith.extui %sign3A_715 : i1 to i32
      %sign3A_717 = arith.subi %sign3A_713, %sign3A_716 : i32
      %ne3A_718 = arith.cmpi ne, %sign3A_710, %sign3A_717 : i32
      %rem3A_719 = arith.remsi %add3A_436, %jit3A_702 : i32
      %ne3A_720 = arith.constant 0 : i32
      %ne3A_721 = arith.cmpi ne, %rem3A_719, %ne3A_720 : i32
      %and3A_722 = arith.andi %ne3A_718, %ne3A_721 : i1
      %sub3A_723 = arith.constant 1 : i32
      %sub3A_724 = arith.subi %div3A_703, %sub3A_723 : i32
      %select_n3A_725 = arith.select %and3A_722, %sub3A_724, %div3A_703 : i32
      %mul3A_726 = arith.constant 8 : i32
      %mul3A_727 = arith.muli %select_n3A_725, %mul3A_726 : i32
      %add3A_728 = arith.addi %mul3A_32, %mul3A_727 : i32
      %jit3A_729 = arith.constant 4 : i32
      %eq3A_730 = arith.constant 0 : i32
      %eq3A_731 = arith.cmpi eq, %jit3A_729, %eq3A_730 : i32
      %jit3A_732 = arith.constant 1 : i32
      %select_n3A_733 = arith.select %eq3A_731, %jit3A_732, %jit3A_729 : i32
      %rem3A_734 = arith.remsi %add3A_436, %select_n3A_733 : i32
      %ne3A_735 = arith.constant 0 : i32
      %ne3A_736 = arith.cmpi ne, %rem3A_734, %ne3A_735 : i32
      %lt3A_737 = arith.constant 0 : i32
      %lt3A_738 = arith.cmpi slt, %rem3A_734, %lt3A_737 : i32
      %lt3A_739 = arith.constant 0 : i32
      %lt3A_740 = arith.cmpi slt, %select_n3A_733, %lt3A_739 : i32
      %ne3A_741 = arith.xori %lt3A_738, %lt3A_740 : i1
      %and3A_742 = arith.andi %ne3A_741, %ne3A_736 : i1
      %add3A_743 = arith.addi %rem3A_734, %select_n3A_733 : i32
      %select_n3A_744 = arith.select %and3A_742, %add3A_743, %rem3A_734 : i32
      %mul3A_745 = arith.constant 128 : i32
      %mul3A_746 = arith.muli %select_n3A_744, %mul3A_745 : i32
      %dma_start3A_747 = arith.constant 2 : i32
      %dma_start3A_748 = tpu.memref_slice %arg4[%select_n3A, %dma_start3A_747, %add3A_728, %mul3A_746] : memref<8x3x512x512xf32, #tpu.memory_space<hbm>> -> memref<1x1x8x128xf32, #tpu.memory_space<hbm>>
      %dma_start3A_749 = tpu.memref_squeeze %dma_start3A_748 : memref<1x1x8x128xf32, #tpu.memory_space<hbm>> -> memref<8x128xf32, #tpu.memory_space<hbm>>
      %dma_start3A_750 = tpu.memref_slice %arg4[%select_n3A, %dma_start3A_747, %add3A_728, %mul3A_746] : memref<8x3x512x512xf32, #tpu.memory_space<hbm>> -> memref<1x1x8x128xf32, #tpu.memory_space<hbm>>
      %dma_start3A_751 = tpu.memref_squeeze %dma_start3A_750 : memref<1x1x8x128xf32, #tpu.memory_space<hbm>> -> memref<8x128xf32, #tpu.memory_space<hbm>>
      tpu.enqueue_dma source(%arg17 : memref<8x128xf32, #tpu.memory_space<vmem>>) target(%dma_start3A_751 : memref<8x128xf32, #tpu.memory_space<hbm>>) target_semaphore(%arg21 : memref<!tpu.dma_semaphore, #tpu.memory_space<semaphore_mem>>)
    }
    %scan3A_63 = arith.constant 32 : i32
    %add3A_64 = arith.constant 120 : i32
    %add3A_65 = arith.addi %mul3A_32, %add3A_64 : i32
    %dma_wait3A = arith.constant 0 : i32
    %dma_wait3A_66 = arith.constant 256 : i32
    %dma_wait3A_67 = tpu.memref_slice %arg4[%select_n3A, %dma_wait3A, %add3A_65, %dma_wait3A_66] : memref<8x3x512x512xf32, #tpu.memory_space<hbm>> -> memref<1x1x8x128xf32, #tpu.memory_space<hbm>>
    %dma_wait3A_68 = tpu.memref_squeeze %dma_wait3A_67 : memref<1x1x8x128xf32, #tpu.memory_space<hbm>> -> memref<8x128xf32, #tpu.memory_space<hbm>>
    %dma_wait3A_69 = arith.constant 256 : i32
    %dma_wait3A_70 = tpu.memref_slice %arg4[%select_n3A, %dma_wait3A, %add3A_65, %dma_wait3A_69] : memref<8x3x512x512xf32, #tpu.memory_space<hbm>> -> memref<1x1x8x128xf32, #tpu.memory_space<hbm>>
    %dma_wait3A_71 = tpu.memref_squeeze %dma_wait3A_70 : memref<1x1x8x128xf32, #tpu.memory_space<hbm>> -> memref<8x128xf32, #tpu.memory_space<hbm>>
    tpu.wait_dma2 semaphore(%arg20 : memref<!tpu.dma_semaphore, #tpu.memory_space<semaphore_mem>>) src(%arg12 : memref<8x128xf32, #tpu.memory_space<vmem>>) dst(%dma_wait3A_71 : memref<8x128xf32, #tpu.memory_space<hbm>>)
    %add3A_72 = arith.constant 120 : i32
    %add3A_73 = arith.addi %mul3A_32, %add3A_72 : i32
    %dma_wait3A_74 = arith.constant 1 : i32
    %dma_wait3A_75 = arith.constant 256 : i32
    %dma_wait3A_76 = tpu.memref_slice %arg4[%select_n3A, %dma_wait3A_74, %add3A_73, %dma_wait3A_75] : memref<8x3x512x512xf32, #tpu.memory_space<hbm>> -> memref<1x1x8x128xf32, #tpu.memory_space<hbm>>
    %dma_wait3A_77 = tpu.memref_squeeze %dma_wait3A_76 : memref<1x1x8x128xf32, #tpu.memory_space<hbm>> -> memref<8x128xf32, #tpu.memory_space<hbm>>
    %dma_wait3A_78 = arith.constant 256 : i32
    %dma_wait3A_79 = tpu.memref_slice %arg4[%select_n3A, %dma_wait3A_74, %add3A_73, %dma_wait3A_78] : memref<8x3x512x512xf32, #tpu.memory_space<hbm>> -> memref<1x1x8x128xf32, #tpu.memory_space<hbm>>
    %dma_wait3A_80 = tpu.memref_squeeze %dma_wait3A_79 : memref<1x1x8x128xf32, #tpu.memory_space<hbm>> -> memref<8x128xf32, #tpu.memory_space<hbm>>
    tpu.wait_dma2 semaphore(%arg20 : memref<!tpu.dma_semaphore, #tpu.memory_space<semaphore_mem>>) src(%arg13 : memref<8x128xf32, #tpu.memory_space<vmem>>) dst(%dma_wait3A_80 : memref<8x128xf32, #tpu.memory_space<hbm>>)
    %add3A_81 = arith.constant 120 : i32
    %add3A_82 = arith.addi %mul3A_32, %add3A_81 : i32
    %dma_wait3A_83 = arith.constant 2 : i32
    %dma_wait3A_84 = arith.constant 256 : i32
    %dma_wait3A_85 = tpu.memref_slice %arg4[%select_n3A, %dma_wait3A_83, %add3A_82, %dma_wait3A_84] : memref<8x3x512x512xf32, #tpu.memory_space<hbm>> -> memref<1x1x8x128xf32, #tpu.memory_space<hbm>>
    %dma_wait3A_86 = tpu.memref_squeeze %dma_wait3A_85 : memref<1x1x8x128xf32, #tpu.memory_space<hbm>> -> memref<8x128xf32, #tpu.memory_space<hbm>>
    %dma_wait3A_87 = arith.constant 256 : i32
    %dma_wait3A_88 = tpu.memref_slice %arg4[%select_n3A, %dma_wait3A_83, %add3A_82, %dma_wait3A_87] : memref<8x3x512x512xf32, #tpu.memory_space<hbm>> -> memref<1x1x8x128xf32, #tpu.memory_space<hbm>>
    %dma_wait3A_89 = tpu.memref_squeeze %dma_wait3A_88 : memref<1x1x8x128xf32, #tpu.memory_space<hbm>> -> memref<8x128xf32, #tpu.memory_space<hbm>>
    tpu.wait_dma2 semaphore(%arg20 : memref<!tpu.dma_semaphore, #tpu.memory_space<semaphore_mem>>) src(%arg14 : memref<8x128xf32, #tpu.memory_space<vmem>>) dst(%dma_wait3A_89 : memref<8x128xf32, #tpu.memory_space<hbm>>)
    %add3A_90 = arith.constant 120 : i32
    %add3A_91 = arith.addi %mul3A_32, %add3A_90 : i32
    %dma_wait3A_92 = arith.constant 0 : i32
    %dma_wait3A_93 = arith.constant 384 : i32
    %dma_wait3A_94 = tpu.memref_slice %arg4[%select_n3A, %dma_wait3A_92, %add3A_91, %dma_wait3A_93] : memref<8x3x512x512xf32, #tpu.memory_space<hbm>> -> memref<1x1x8x128xf32, #tpu.memory_space<hbm>>
    %dma_wait3A_95 = tpu.memref_squeeze %dma_wait3A_94 : memref<1x1x8x128xf32, #tpu.memory_space<hbm>> -> memref<8x128xf32, #tpu.memory_space<hbm>>
    %dma_wait3A_96 = arith.constant 384 : i32
    %dma_wait3A_97 = tpu.memref_slice %arg4[%select_n3A, %dma_wait3A_92, %add3A_91, %dma_wait3A_96] : memref<8x3x512x512xf32, #tpu.memory_space<hbm>> -> memref<1x1x8x128xf32, #tpu.memory_space<hbm>>
    %dma_wait3A_98 = tpu.memref_squeeze %dma_wait3A_97 : memref<1x1x8x128xf32, #tpu.memory_space<hbm>> -> memref<8x128xf32, #tpu.memory_space<hbm>>
    tpu.wait_dma2 semaphore(%arg21 : memref<!tpu.dma_semaphore, #tpu.memory_space<semaphore_mem>>) src(%arg15 : memref<8x128xf32, #tpu.memory_space<vmem>>) dst(%dma_wait3A_98 : memref<8x128xf32, #tpu.memory_space<hbm>>)
    %add3A_99 = arith.constant 120 : i32
    %add3A_100 = arith.addi %mul3A_32, %add3A_99 : i32
    %dma_wait3A_101 = arith.constant 1 : i32
    %dma_wait3A_102 = arith.constant 384 : i32
    %dma_wait3A_103 = tpu.memref_slice %arg4[%select_n3A, %dma_wait3A_101, %add3A_100, %dma_wait3A_102] : memref<8x3x512x512xf32, #tpu.memory_space<hbm>> -> memref<1x1x8x128xf32, #tpu.memory_space<hbm>>
    %dma_wait3A_104 = tpu.memref_squeeze %dma_wait3A_103 : memref<1x1x8x128xf32, #tpu.memory_space<hbm>> -> memref<8x128xf32, #tpu.memory_space<hbm>>
    %dma_wait3A_105 = arith.constant 384 : i32
    %dma_wait3A_106 = tpu.memref_slice %arg4[%select_n3A, %dma_wait3A_101, %add3A_100, %dma_wait3A_105] : memref<8x3x512x512xf32, #tpu.memory_space<hbm>> -> memref<1x1x8x128xf32, #tpu.memory_space<hbm>>
    %dma_wait3A_107 = tpu.memref_squeeze %dma_wait3A_106 : memref<1x1x8x128xf32, #tpu.memory_space<hbm>> -> memref<8x128xf32, #tpu.memory_space<hbm>>
    tpu.wait_dma2 semaphore(%arg21 : memref<!tpu.dma_semaphore, #tpu.memory_space<semaphore_mem>>) src(%arg16 : memref<8x128xf32, #tpu.memory_space<vmem>>) dst(%dma_wait3A_107 : memref<8x128xf32, #tpu.memory_space<hbm>>)
    %add3A_108 = arith.constant 120 : i32
    %add3A_109 = arith.addi %mul3A_32, %add3A_108 : i32
    %dma_wait3A_110 = arith.constant 2 : i32
    %dma_wait3A_111 = arith.constant 384 : i32
    %dma_wait3A_112 = tpu.memref_slice %arg4[%select_n3A, %dma_wait3A_110, %add3A_109, %dma_wait3A_111] : memref<8x3x512x512xf32, #tpu.memory_space<hbm>> -> memref<1x1x8x128xf32, #tpu.memory_space<hbm>>
    %dma_wait3A_113 = tpu.memref_squeeze %dma_wait3A_112 : memref<1x1x8x128xf32, #tpu.memory_space<hbm>> -> memref<8x128xf32, #tpu.memory_space<hbm>>
    %dma_wait3A_114 = arith.constant 384 : i32
    %dma_wait3A_115 = tpu.memref_slice %arg4[%select_n3A, %dma_wait3A_110, %add3A_109, %dma_wait3A_114] : memref<8x3x512x512xf32, #tpu.memory_space<hbm>> -> memref<1x1x8x128xf32, #tpu.memory_space<hbm>>
    %dma_wait3A_116 = tpu.memref_squeeze %dma_wait3A_115 : memref<1x1x8x128xf32, #tpu.memory_space<hbm>> -> memref<8x128xf32, #tpu.memory_space<hbm>>
    tpu.wait_dma2 semaphore(%arg21 : memref<!tpu.dma_semaphore, #tpu.memory_space<semaphore_mem>>) src(%arg17 : memref<8x128xf32, #tpu.memory_space<vmem>>) dst(%dma_wait3A_116 : memref<8x128xf32, #tpu.memory_space<hbm>>)
    return
  }
}

</mosaic_0001>

<sc_bundles>
// kernel: kernel.3.cloned.1.call-start
scs
__scs_entry_jumppad:
0x0: {  	(pc) =	sbr.rel $0x88, $3  }
0x1: {  	(tag) =	ssettag $0x0;
	lr =	simm.s32 $0x1  }
0x2: {  	[smem:$0x3F9F] =	sst lr;
	_ =	strace $0xD0000000  }
0x3: {  	_ = 	snop  }
0x4: {  	_ = 	snop  }
0x5: {  	_ = 	snop  }
0x6: {  	_ = 	snop  }
0x7: {  	_ = 	snop  }
__scs_overlays_trampoline_lowered:
0x8: {  	[smem:$0x3FAE] =	sst s0  }
0x9: {  	[smem:$0x3FAF] =	sst s1  }
0xa: {  	[smem:$0x3FB0] =	sst s2  }
0xb: {  	[smem:$0x3FB1] =	sst s3  }
0xc: {  	[smem:$0x3FB2] =	sst s4  }
0xd: {  	[smem:$0x3FB3] =	sst s5  }
0xe: {  	[smem:$0x3FB4] =	sst s6  }
0xf: {  	[smem:$0x3FB5] =	sst s7  }
0x10: {  	[smem:$0x3FB6] =	sst s8  }
0x11: {  	[smem:$0x3FB7] =	sst s9;
	s0 =	simm.s32 @!p0 $0x0  }
0x12: {  	s1 =	sld [smem:$0x3F9D];
	s0 =	simm.s32 @p0 $0x1  }
0x13: {  	[smem:$0x3FB8] =	sst s0;
	s0 =	simm.s32 @!p1 $0x0  }
0x14: {  	s2 =	sld [smem:$0x3F9C];
	s0 =	simm.s32 @p1 $0x1  }
0x15: {  	[smem:$0x3FB9] =	sst s0;
	s0 =	simm.s32 @!p2 $0x0  }
0x16: {  	s3 =	sld [smem:$0x3FDB];
	s0 =	simm.s32 @p2 $0x1  }
0x17: {  	s4 =	simm.s32 $0x1BF5;
	[smem:$0x3FBB] =	sst s0  }
0x18: {  	s0 =	sld [smem:$0x3F9E];
	_ =	swait.ge [sflag:s4], $0x0  }
0x19: {  	s7 =	sld [smem:$0x3F9F]  }
0x1a: {  	s8 =	sadd.s32 $0xFFFFE003, lr  }
0x1b: {  	s9 =	sadd.s32 $0xFFFFFEF7, lr;
	s5 =	simm.s32 $0xFFFFFFFF;
	p2 =	slt.u32 s8, $0xFFFFF086  }
0x1c: {  	p1 =	slt.u32 s9, $0xF7A;
	s5 =	simm.s32 @!p2 $0x0  }
0x1d: {  	s5 =	simm.s32 @p1 $0x1;
	p0 =	seq.s32 s7, s2  }
0x1e: {  	s7 =	smul.u32 @!p0 $0xF7A, s2;
	p2 =	seq.s32 @!p0 s5, $0x0  }
0x1f: {  	s9 =	smul.u32 $0xF7A, s1;
	s8 =	simm.s32 @!p0 $0x1BF5;
	p2 =	por !p2, p0  }
0x20: {  	[sflag:s8] =	ssyncset.s32 @!p0 $0xFFFFF086;
	s6 =	sadd.s32 @!p0 s3, s7;
	s7 =	simm.s32 @!p0 $0x108  }
0x21: {  	s3 =	sadd.s32 s3, s9;
	s6 =	sadd.s32 @!p0 $0x88, s6;
	s7 =	simm.s32 @p2 $0x1082  }
0x22: {  	[simem:s7], [sflag:s8] =	dma.local @!p0 [hbm:s6], $0xF7A  }
0x23: {  	s9 =	sor.u32 $0xD0000000, s2;
	s6 =	simm.s32 $0x108;
	_ =	swait.ge @!p0 [sflag:s8], $0x0  }
0x24: {  	s3 =	sadd.s32 $0x88, s3;
	s6 =	simm.s32 @!p1 $0x1082;
	[sflag:s4] =	ssyncset.s32 $0xFFFFF086  }
0x25: {  	[simem:s6], [sflag:s4] =	dma.local [hbm:s3], $0xF7A  }
0x26: {  	[smem:$0x3F9F] =	sst s1;
	(tag) =	ssettag s2;
	_ =	strace s9  }
0x27: {  	s1 =	sld [smem:$0x3FAF]  }
0x28: {  	s2 =	sld [smem:$0x3FB0]  }
0x29: {  	s4 =	sld [smem:$0x3FB2]  }
0x2a: {  	p0 =	seq.s32 s5, $0x0;
	s5 =	sld [smem:$0x3FB3]  }
0x2b: {  	s6 =	sld [smem:$0x3FB4]  }
0x2c: {  	s7 =	sld [smem:$0x3FB5]  }
0x2d: {  	s3 =	simm.s32 $0x108;
	s8 =	sld [smem:$0x3FB6]  }
0x2e: {  	s3 =	simm.s32 @!p0 $0x1082;
	s9 =	sld [smem:$0x3FB7]  }
0x2f: {  	lr =	sadd.s32 s0, s3;
	s0 =	sld [smem:$0x3FAE]  }
0x30: {  	s3 =	sld [smem:$0x3FB1]  }
0x31: {  	[smem:$0x3FBA] =	sst s10  }
0x32: {  	s10 =	sld [smem:$0x3FB8];
	_ =	sdelay $0x3  }
0x33: {  	p0 =	seq.s32 s10, $0x1;
	s10 =	sld [smem:$0x3FBA];
	_ =	sdelay $0x3  }
0x34: {  	[smem:$0x3FBA] =	sst s10  }
0x35: {  	s10 =	sld [smem:$0x3FB9];
	_ =	sdelay $0x3  }
0x36: {  	p1 =	seq.s32 s10, $0x1;
	s10 =	sld [smem:$0x3FBA];
	_ =	sdelay $0x3  }
0x37: {  	[smem:$0x3FBA] =	sst s10  }
0x38: {  	s10 =	sld [smem:$0x3FBB]  }
0x39: {  	_ = 	snop;
	(pc) =	sbr.ind lr, $3  }
0x3a: {  	_ = 	snop  }
0x3b: {  	_ = 	snop  }
0x3c: {  	p2 =	seq.s32 s10, $0x1;
	s10 =	sld [smem:$0x3FBA]  }
0x3d: {  	_ =	shalt  }
0x3e: {  	_ =	shalt  }
0x3f: {  	_ =	shalt  }
0x40: {  	_ =	shalt  }
0x41: {  	_ =	shalt  }
0x42: {  	_ =	shalt  }
0x43: {  	_ =	shalt  }
0x44: {  	_ =	shalt  }
0x45: {  	_ =	shalt  }
0x46: {  	_ =	shalt  }
0x47: {  	_ =	shalt  }
0x48: {  	_ =	shalt  }
0x49: {  	_ =	shalt  }
0x4a: {  	_ =	shalt  }
0x4b: {  	_ =	shalt  }
0x4c: {  	_ =	shalt  }
0x4d: {  	_ =	shalt  }
0x4e: {  	_ =	shalt  }
0x4f: {  	_ =	shalt  }
0x50: {  	_ =	shalt  }
0x51: {  	_ =	shalt  }
0x52: {  	_ =	shalt  }
0x53: {  	_ =	shalt  }
0x54: {  	_ =	shalt  }
0x55: {  	_ =	shalt  }
0x56: {  	_ =	shalt  }
0x57: {  	_ =	shalt  }
0x58: {  	_ =	shalt  }
0x59: {  	_ =	shalt  }
0x5a: {  	_ =	shalt  }
0x5b: {  	_ =	shalt  }
0x5c: {  	_ =	shalt  }
0x5d: {  	_ =	shalt  }
0x5e: {  	_ =	shalt  }
0x5f: {  	_ =	shalt  }
0x60: {  	_ =	shalt  }
0x61: {  	_ =	shalt  }
0x62: {  	_ =	shalt  }
0x63: {  	_ =	shalt  }
0x64: {  	_ =	shalt  }
0x65: {  	_ =	shalt  }
0x66: {  	_ =	shalt  }
0x67: {  	_ =	shalt  }
0x68: {  	_ =	shalt  }
0x69: {  	_ =	shalt  }
0x6a: {  	_ =	shalt  }
0x6b: {  	_ =	shalt  }
0x6c: {  	_ =	shalt  }
0x6d: {  	_ =	shalt  }
0x6e: {  	_ =	shalt  }
0x6f: {  	_ =	shalt  }
0x70: {  	_ =	shalt  }
0x71: {  	_ =	shalt  }
0x72: {  	_ =	shalt  }
0x73: {  	_ =	shalt  }
0x74: {  	_ =	shalt  }
0x75: {  	_ =	shalt  }
0x76: {  	_ =	shalt  }
0x77: {  	_ =	shalt  }
0x78: {  	_ =	shalt  }
0x79: {  	_ =	shalt  }
0x7a: {  	_ =	shalt  }
0x7b: {  	_ =	shalt  }
0x7c: {  	_ =	shalt  }
0x7d: {  	_ =	shalt  }
0x7e: {  	_ =	shalt  }
0x7f: {  	_ =	shalt  }
0x80: {  	_ =	shalt  }
0x81: {  	_ =	shalt  }
0x82: {  	_ =	shalt  }
0x83: {  	_ =	shalt  }
0x84: {  	_ =	shalt  }
0x85: {  	_ =	shalt  }
0x86: {  	_ =	shalt  }
0x87: {  	_ =	shalt  }
.Lfunc_end0:
.L_simem_size_0:
called_computation_lowered:
.L_overlay_start_0:
0x88: {  	s2 =	sld [smem:$0x3FD9]  }
0x89: {  	s3 =	sld [smem:$0x3FFE];
	_ =	sdelay $0x1  }
0x8a: {  	s1 =	srdreg.scid  }
0x8b: {  	s0 =	sand.u32 $0x1, s1  }
0x8c: {  	s17 =	sshll.u32 s0, $0xA;
	s2 =	sadd.s32 s3, s2  }
0x8d: {  	s2 =	sadd.s32 s2, s17  }
0x8e: {  	[smem:$0x3FC6] =	sst s2  }
0x8f: {  	_ = 	snop  }
0x90: {  	s2 =	sld [smem:$0x3FC9]  }
0x91: {  	s18 =	sld [smem:$0x3FD0];
	(tm) =	ssettm $0x1  }
0x92: {  	s4 =	sld [smem:$0x3FFB];
	_ =	sdelay $0x3  }
0x93: {  	_ =	strace s4  }
0x94: {  	s4 =	sld [smem:$0x3FFC];
	_ =	sdelay $0x3  }
0x95: {  	_ =	strace s4  }
0x96: {  	s4 =	sld [smem:$0x3FFD];
	_ =	sdelay $0x3  }
0x97: {  	_ =	strace s4  }
0x98: {  	_ =	strace $0x8FFFFFFF  }
0x99: {  	s19 =	sld [smem:$0x3FDB];
	_ =	sdelay $0x1  }
0x9a: {  	s5 =	simm.s32 $_scs_section_size  }
0x9b: {  	s6 =	simm.s32 $_size__tile_overlayer_lowered;
	s7 =	simm.s32 $_tile_overlayer_lowered  }
0x9c: {  	s22 =	simm.s32 $0x1BFF;
	s21 =	sshll.u32 s7, $0x1;
	s4 =	sadd.s32 s5, s19  }
0x9d: {  	s8 =	simm.s32 $0x0;
	s20 =	sshll.u32 s6, $0x1;
	s6 =	sadd.s32 s21, s4  }
0x9e: {  	[timem:s8], [sflag:s22] =	dma.local [hbm:s6], s20  }
0x9f: {  	_ =	swait.ge [sflag:s22], s20  }
0xa0: {  	s5 =	ssub.s32 $0x0, s20;
	[sflag:s22] =	ssyncset.done $0x0  }
0xa1: {  	[sflag:s22] =	ssyncadd.s32 s5;
	_ =	sdelay $0x1  }
0xa2: {  	s23 =	simm.s32 $0x1B8B  }
0xa3: {  	_ =	swait.ge [sflag:s23], $0x1  }
0xa4: {  	[sflag:s23] =	ssyncset.done $0x0  }
0xa5: {  	s25 =	simm.s32 $0x1B8E;
	s24 =	sld [smem:$0x3FFE];
	[sflag:s23] =	ssyncadd.s32 $0xFFFFFFFF  }
0xa6: {  	s26 =	simm.s32 $execute0_lowered;
	[smem:$0x3FD2] =	sst s25  }
0xa7: {  	s6 =	sshll.u32 s26, $0x1;
	_ =	strace $0x80000046;
	[dreg:$0x1] =	wrdreg $0xFFFFFFFF  }
0xa8: {  	s28 =	simm.s32 $_size_execute0_lowered;
	s4 =	sadd.s32 s4, s6;
	[dreg:$0x0] =	wrdreg $0x0  }
0xa9: {  	s6 =	sshll.u32 s28, $0x1;
	[dreg:$0x2] =	wrdreg s4  }
0xaa: {  	[dreg:$0x3] =	wrdreg s6  }
0xab: {  	[dreg:$0x4] =	wrdreg $0xC0  }
0xac: {  	_ =	task [dreg:s8], $0x5FFFF  }
0xad: {  	[dreg:$0x1] =	wrdreg $0xFFFFFFFF  }
0xae: {  	[dreg:$0x0] =	wrdreg $0x60  }
0xaf: {  	[dreg:$0x2] =	wrdreg s2  }
0xb0: {  	[dreg:$0x3] =	wrdreg s24  }
0xb1: {  	[dreg:$0x4] =	wrdreg s18  }
0xb2: {  	[dreg:$0x5] =	wrdreg $0x9  }
0xb3: {  	_ =	task.clear_ibuf [dreg:s8], $0x6FFFF;
	_ =	strace $0x90000046  }
0xb4: {  	s29 =	simm.s32 $0x9;
	_ =	strace $0x80000048  }
0xb5: {  	_ =	swait.ge [sflag:s29], $0x1  }
0xb6: {  	[sflag:s29] =	ssyncadd.s32 $0xFFFFFFFF  }
0xb7: {  	_ =	strace $0x90000048  }
0xb8: {  	_ =	sfence  }
0xb9: {  	s30 =	sld [smem:$0x0];
	_ =	sdelay $0x2  }
0xba: {  	s31 =	sshll.u32 s1, $0xD;
	s1 =	sshrl.u32 s1, $0x2  }
0xbb: {  	s3 =	sand.u32 $0x4000, s31;
	s1 =	sadd.s32 s1, s30  }
0xbc: {  	s0 =	sor.u32 s3, s0;
	s1 =	sshll.u32 s1, $0x11  }
0xbd: {  	s0 =	sor.u32 s1, s0  }
0xbe: {  	s0 =	sadd.s32 $0x8F2B, s0  }
0xbf: {  	[sflag:s0] =	ssyncadd.remote.s32 $0x1  }
0xc0: {  	_ =	sfence.sel $0xFFFF  }
0xc1: {  	[dreg:$0x0] =	wrdreg $0xFFFFFFFF;
	(pc) =	sbr.abs _section_cstart, $3  }
0xc2: {  	[dreg:$0x1] =	wrdreg $0xFFFFFFFF  }
0xc3: {  	_ =	task.clear_ibuf [dreg:s8], $0x2FFFF;
	_ =	strace $0x9FFFFFFF  }
0xc4: {  	(tm) =	ssettm $0x7FFFFFFF  }
0xc5: {  	_ =	shalt  }
tec
execute0_lowered:
.L_overlay_start_1:
0x0: {  	(tag) =	ssettag $0x1  }
0x1: {  	s1 =	rddreg [dreg:$0x0]  }
0x2: {  	s4 =	stileid.u32;
	s0 =	rddreg [dreg:$0x1]  }
0x3: {  	s2 =	srdreg.scid;
	s18 =	simm.s32 $0x1;
	s19 =	simm.s32 $0x8C68  }
0x4: {  	s20 =	simm.s32 $0x118D0;
	s3 =	sshll.u32 s4, $0x1;
	s2 =	sand.u32 $0x1, s2  }
0x5: {  	s4 =	sshrl.u32 s4, $0x1;
	s0 =	sadd.s32 $0x400, s0;
	s5 =	sand.u32 $0x2, s3  }
0x6: {  	s3 =	rddreg [dreg:$0x2];
	s6 =	smul.u32 $0xC0000, s4;
	s4 =	simm.s32 $0x0  }
0x7: {  	s5 =	sor.u32 s2, s5;
	[smem:$0x7FF] =	sst s4;
	s2 =	ssub.s32 $0x2, s2  }
0x8: {  	s5 =	sshll.u32 s5, $0x10;
	_ =	strace $0x80000047;
	s29 =	sshrl.u32 s2, $0x1  }
0x9: {  	[dreg:$0x4] =	wrdreg s0;
	s5 =	sor.u32 s6, s5;
	s0 =	ssub.s32 s2, s29  }
0xa: {  	s23 =	simm.s32 $0x1C580;
	s6 =	sshrl.u32 s5, $0x3;
	s0 =	smax.u32 s0, $0x1  }
0xb: {  	s24 =	simm.s32 $0x2;
	s6 =	sadd.s32 s1, s6;
	[dreg:$0x8] =	wrdreg s0  }
0xc: {  	s25 =	simm.s32 $0x1C980;
	s30 =	sadd.s32 $0x8000, s6;
	[dreg:$0x5] =	wrdreg s6  }
0xd: {  	s26 =	simm.s32 $0x1CD80;
	s31 =	sadd.s32 $0x10000, s6;
	[dreg:$0x6] =	wrdreg s30  }
0xe: {  	s28 =	simm.s32 $0x1D180;
	s6 =	simm.s32 $0x0;
	[dreg:$0x7] =	wrdreg s31  }
.LBB2_1:
0xf: {  	[dreg:$0x9] =	wrdreg s6  }
0x10: {  	s0 =	rddreg [dreg:$0x5];
	s2 =	simm.s32 $0x1A580  }
0x11: {  	[tilespmem:s2], [sflag:$0x1] =	stream.linear.gather [hbm4b:s0+s4], $0x400, $0x38;
	[tilespmem:$0x1D580] =	vst v63  }
0x12: {  	s17 =	rddreg [dreg:$0x6];
	s21 =	simm.s32 $0x1A980  }
0x13: {  	[tilespmem:s21], [sflag:$0x1] =	stream.linear.gather [hbm4b:s17+s4], $0x400, $0x38;
	[tilespmem:$0x1D580] =	vst v63  }
0x14: {  	s22 =	rddreg [dreg:$0x7];
	s29 =	simm.s32 $0x1AD80  }
0x15: {  	[tilespmem:s29], [sflag:$0x1] =	stream.linear.gather [hbm4b:s22+s4], $0x400, $0x38;
	[tilespmem:$0x1D580] =	vst v63  }
0x16: {  	s30 =	rddreg [dreg:$0x4];
	s31 =	simm.s32 $0x5  }
0x17: {  	[tilespmem:s4], [sflag:$0x5] =	stream.linear.gather [hbm4b:s30+s4], $0x1A580, $0x38;
	[tilespmem:$0x1D580] =	vst v63  }
0x18: {  	_ =	swait.ge [sflag:s31], $0x1A580  }
0x19: {  	[sflag:s31] =	ssyncset.done $0x0  }
0x1a: {  	s2 =	simm.s32 $0x0;
	[sflag:s31] =	ssyncadd.s32 $0xFFFE5A80  }
.LBB2_2:
0x1b: {  	s13 =	sshll.u32 s2, $0xB  }
0x1c: {  	s0 =	sand.u32 $0xF800, s13  }
0x1d: {  	s0 =	sor.u32 s5, s0  }
0x1e: {  	s6 =	sshrl.u32 s0, $0x3  }
0x1f: {  	s0 =	sor.u32 $0x80, s6  }
0x20: {  	s8 =	simm.s32 $0x1B180;
	s11 =	sadd.s32 $0x8080, s6;
	s7 =	sadd.s32 s1, s0  }
0x21: {  	[tilespmem:s8], [sflag:$0x2] =	stream.linear.gather [hbm4b:s7+s4], $0x400, $0x38;
	[tilespmem:$0x1D580] =	vst v63  }
0x22: {  	s22 =	simm.s32 $0x1B580;
	s12 =	sadd.s32 $0x10080, s6;
	s21 =	sadd.s32 s1, s11  }
0x23: {  	[tilespmem:s22], [sflag:$0x2] =	stream.linear.gather [hbm4b:s21+s4], $0x400, $0x38;
	[tilespmem:$0x1D580] =	vst v63  }
0x24: {  	s10 =	simm.s32 $0x1B980;
	s9 =	sadd.s32 s1, s12  }
0x25: {  	[tilespmem:s10], [sflag:$0x2] =	stream.linear.gather [hbm4b:s9+s4], $0x400, $0x38;
	[tilespmem:$0x1D580] =	vst v63  }
0x26: {  	_ =	swait.ge [sflag:s18], $0x400  }
0x27: {  	[sflag:s18] =	ssyncset.done $0x0  }
0x28: {  	[sflag:s18] =	ssyncadd.s32 $0xFFFFFC00  }
0x29: {  	_ =	swait.ge [sflag:s18], $0x400  }
0x2a: {  	[sflag:s18] =	ssyncset.done $0x0  }
0x2b: {  	[sflag:s18] =	ssyncadd.s32 $0xFFFFFC00  }
0x2c: {  	_ =	swait.ge [sflag:s18], $0x400  }
0x2d: {  	p0 =	seq.s32 s2, $0x0;
	[sflag:s18] =	ssyncset.done $0x0  }
0x2e: {  	s7 =	simm.s32 @!p0 $0x3;
	[sflag:s18] =	ssyncadd.s32 $0xFFFFFC00  }
0x2f: {  	_ =	swait.ge @!p0 [sflag:s7], $0x400  }
0x30: {  	[sflag:s7] =	ssyncset.done @!p0 $0x0  }
0x31: {  	[sflag:s7] =	ssyncadd.s32 @!p0 $0xFFFFFC00  }
0x32: {  	_ =	swait.ge @!p0 [sflag:s7], $0x400  }
0x33: {  	[sflag:s7] =	ssyncset.done @!p0 $0x0  }
0x34: {  	[sflag:s7] =	ssyncadd.s32 @!p0 $0xFFFFFC00  }
0x35: {  	_ =	swait.ge @!p0 [sflag:s7], $0x400  }
0x36: {  	[sflag:s7] =	ssyncset.done @!p0 $0x0  }
0x37: {  	s14 =	simm.s32 $0x1A980;
	[sflag:s7] =	ssyncadd.s32 @!p0 $0xFFFFFC00  }
0x38: {  	s15 =	simm.s32 $0x1A580;
	v0 =	vld [tilespmem:s14+$0x0]  }
0x39: {  	s16 =	simm.s32 $0x1AD80;
	v1 =	vld [tilespmem:s15+$0x0]  }
0x3a: {  	v2 =	vld [tilespmem:s16+$0x0];
	_ =	sdelay $0x3  }
0x3b: {  	v4 =	vmul.f32 $3.200000000e+01, v1;
	v0 =	vmul.f32 $3.200000000e+01, v0  }
0x3c: {  	v1 =	vmul.f32 $3.200000000e+01, v2  }
0x3d: {  	v2 =	vtrunc.f32 v4;
	v3 =	vtrunc.f32 v0  }
0x3e: {  	v3 =	vcvt.f32.s32 v3;
	v2 =	vcvt.f32.s32 v2;
	_ =	sdelay $0x1  }
0x3f: {  	v5 =	vtrunc.f32 v1;
	v6 =	vmul.u32 $0x21, v3;
	v7 =	vmul.u32 $0x441, v2  }
0x40: {  	v5 =	vcvt.f32.s32 v5  }
0x41: {  	s17 =	simm.s32 $0x1AD90;
	v6 =	vadd.s32 v7, v6  }
0x42: {  	s21 =	simm.s32 $0x1A990;
	v9 =	vld [tilespmem:s17+$0x0];
	v6 =	vadd.s32 v5, v6  }
0x43: {  	s22 =	simm.s32 $0x1A590;
	v11 =	vld [tilespmem:s21+$0x0]  }
0x44: {  	v13 =	vld [tilespmem:s22+$0x0];
	s17 =	simm.s32 $0x1A9A0  }
0x45: {  	s21 =	simm.s32 $0x1A5A0;
	v42 =	vld [tilespmem:s17+$0x0];
	v7 =	vadd.s32 $0x442, v6  }
0x46: {  	v45 =	vld [tilespmem:s21+$0x0];
	v5 =	vcvt.s32.f32 v5;
	v8 =	vadd.s32 $0x441, v6  }
0x47: {  	v10 =	vadd.s32 $0x21, v6;
	v15 =	vld.idx.msk [tilespmem:v6+s20+$0x0], $0xffff  }
0x48: {  	v12 =	vadd.s32 $0x462, v6;
	v1 =	vsub.f32 v1, v5;
	v5 =	vld.idx.msk [tilespmem:v6+s19+$0x0], $0xffff  }
0x49: {  	v14 =	vadd.s32 $0x463, v6;
	v18 =	vadd.s32 $0x22, v6;
	v23 =	vadd.s32 $0x1, v6;
	v6 =	vld.idx.msk [tilespmem:v6+s4+$0x0], $0xffff  }
0x4a: {  	v16 =	vld.idx.msk [tilespmem:v7+s20+$0x0], $0xffff  }
0x4b: {  	v17 =	vld.idx.msk [tilespmem:v8+s20+$0x0], $0xffff  }
0x4c: {  	v3 =	vcvt.s32.f32 v3;
	v19 =	vld.idx.msk [tilespmem:v10+s20+$0x0], $0xffff  }
0x4d: {  	v20 =	vld.idx.msk [tilespmem:v12+s20+$0x0], $0xffff  }
0x4e: {  	v9 =	vmul.f32 $3.200000000e+01, v9;
	v3 =	vsub.f32 v0, v3;
	v21 =	vld.idx.msk [tilespmem:v14+s20+$0x0], $0xffff  }
0x4f: {  	v11 =	vmul.f32 $3.200000000e+01, v11;
	v22 =	vld.idx.msk [tilespmem:v12+s19+$0x0], $0xffff  }
0x50: {  	v26 =	vtrunc.f32 v9;
	v0 =	vsub.f32 $1.000000000e+00, v3;
	v24 =	vld.idx.msk [tilespmem:v10+s19+$0x0], $0xffff  }
0x51: {  	v34 =	vtrunc.f32 v11;
	v26 =	vcvt.f32.s32 v26;
	v27 =	vsub.f32 $1.000000000e+00, v1;
	v25 =	vld.idx.msk [tilespmem:v18+s4+$0x0], $0xffff  }
0x52: {  	v34 =	vcvt.f32.s32 v34;
	v28 =	vmul.f32 v1, v0;
	v12 =	vld.idx.msk [tilespmem:v12+s4+$0x0], $0xffff  }
0x53: {  	v29 =	vld.idx.msk [tilespmem:v23+s4+$0x0], $0xffff;
	v31 =	vmul.f32 v27, v0;
	v0 =	vmul.f32 $3.200000000e+01, v13  }
0x54: {  	v2 =	vcvt.s32.f32 v2;
	v30 =	vcvt.s32.f32 v26;
	v10 =	vld.idx.msk [tilespmem:v10+s4+$0x0], $0xffff  }
0x55: {  	v36 =	vmul.f32 v1, v3;
	v13 =	vld.idx.msk [tilespmem:v7+s19+$0x0], $0xffff;
	v33 =	vtrunc.f32 v0  }
0x56: {  	v27 =	vmul.f32 v27, v3;
	v35 =	vld.idx.msk [tilespmem:v14+s19+$0x0], $0xffff;
	v33 =	vcvt.f32.s32 v33  }
0x57: {  	v1 =	vmul.u32 $0x21, v34;
	v7 =	vld.idx.msk [tilespmem:v7+s4+$0x0], $0xffff;
	v32 =	vmul.f32 v31, v15;
	v6 =	vmul.f32 v31, v6  }
0x58: {  	v14 =	vld.idx.msk [tilespmem:v14+s4+$0x0], $0xffff;
	v54 =	vmul.f32 v31, v5;
	v37 =	vmul.f32 v22, v27;
	v22 =	vmul.u32 $0x441, v33  }
0x59: {  	v9 =	vsub.f32 v9, v30;
	v62 =	vld.idx.msk [tilespmem:v23+s20+$0x0], $0xffff;
	v3 =	vmul.f32 v17, v31;
	v20 =	vmul.f32 v20, v27  }
0x5a: {  	v15 =	vld.idx.msk [tilespmem:v8+s19+$0x0], $0xffff;
	v38 =	vmul.f32 v24, v27;
	v39 =	vmul.f32 v19, v27;
	v22 =	vadd.s32 v22, v1  }
0x5b: {  	v8 =	vld.idx.msk [tilespmem:v8+s4+$0x0], $0xffff;
	v19 =	vmul.f32 v25, v36;
	v21 =	vmul.f32 v21, v36;
	v22 =	vadd.s32 v26, v22  }
0x5c: {  	v17 =	vld.idx.msk [tilespmem:v23+s19+$0x0], $0xffff;
	v25 =	vsub.f32 $1.000000000e+00, v9;
	v16 =	vmul.f32 v16, v28;
	v35 =	vmul.f32 v35, v36  }
0x5d: {  	s16 =	simm.s32 $0x1ADA0;
	v24 =	vld.idx.msk [tilespmem:v18+s20+$0x0], $0xffff;
	v63 =	vmul.f32 v7, v28;
	v47 =	vmul.f32 v12, v27;
	v40 =	vadd.s32 $0x442, v22  }
0x5e: {  	v23 =	vld [tilespmem:s16+$0x0];
	v49 =	vmul.f32 v14, v36;
	v51 =	vmul.f32 v10, v27;
	v44 =	vadd.s32 $0x441, v22  }
0x5f: {  	v18 =	vld.idx.msk [tilespmem:v18+s19+$0x0], $0xffff;
	v10 =	vsub.f32 v4, v2;
	v5 =	vmul.f32 v28, v29;
	v41 =	vadd.s32 $0x21, v22  }
0x60: {  	v2 =	vmul.f32 v13, v28;
	v26 =	vcvt.s32.f32 v34;
	v43 =	vadd.s32 $0x462, v22;
	v48 =	vld.idx.msk [tilespmem:v22+s20+$0x0], $0xffff  }
0x61: {  	v5 =	vadd.f32 v6, v5;
	v6 =	vmul.f32 v8, v31;
	v8 =	vmul.f32 v15, v31;
	v15 =	vld.idx.msk [tilespmem:v22+s19+$0x0], $0xffff  }
0x62: {  	v1 =	vcvt.s32.f32 v33;
	v16 =	vadd.f32 v16, v3;
	v34 =	vmul.f32 $3.200000000e+01, v42;
	v14 =	vld.idx.msk [tilespmem:v40+s20+$0x0], $0xffff  }
0x63: {  	v12 =	vadd.s32 $0x22, v22;
	v46 =	vsub.f32 v11, v26;
	v52 =	vmul.f32 $3.200000000e+01, v23;
	v53 =	vld.idx.msk [tilespmem:v44+s20+$0x0], $0xffff  }
0x64: {  	v7 =	vadd.s32 $0x1, v22;
	v20 =	vadd.f32 v20, v16;
	v16 =	vsub.f32 $1.000000000e+00, v10;
	v55 =	vld.idx.msk [tilespmem:v41+s20+$0x0], $0xffff  }
0x65: {  	v29 =	vmul.f32 v28, v17;
	v50 =	vsub.f32 $1.000000000e+00, v46;
	v4 =	vtrunc.f32 v52;
	v13 =	vld.idx.msk [tilespmem:v43+s20+$0x0], $0xffff  }
0x66: {  	v31 =	vadd.f32 v51, v5;
	v30 =	vmul.f32 v24, v36;
	v26 =	vcvt.f32.s32 v4;
	v24 =	vld.idx.msk [tilespmem:v43+s19+$0x0], $0xffff  }
0x67: {  	v11 =	vadd.s32 $0x463, v22;
	v3 =	vmul.f32 v9, v50;
	v4 =	vmul.f32 v25, v50;
	v50 =	vld.idx.msk [tilespmem:v41+s19+$0x0], $0xffff  }
0x68: {  	v18 =	vmul.f32 v18, v36;
	v21 =	vadd.f32 v21, v20;
	v6 =	vadd.f32 v63, v6;
	v57 =	vld.idx.msk [tilespmem:v12+s4+$0x0], $0xffff  }
0x69: {  	v59 =	vadd.f32 v2, v8;
	v2 =	vmul.f32 v62, v28;
	v17 =	vmul.f32 v25, v46;
	v23 =	vld.idx.msk [tilespmem:v43+s4+$0x0], $0xffff  }
0x6a: {  	v8 =	vmul.f32 v9, v46;
	v60 =	vadd.f32 v47, v6;
	v25 =	vld.idx.msk [tilespmem:v22+s4+$0x0], $0xffff;
	v9 =	vadd.f32 v54, v29  }
0x6b: {  	v61 =	vadd.f32 v19, v31;
	v31 =	vmul.f32 v21, v10;
	v20 =	vld.idx.msk [tilespmem:v7+s4+$0x0], $0xffff;
	v29 =	vadd.f32 v37, v59  }
0x6c: {  	v28 =	vld.idx.msk [tilespmem:v41+s4+$0x0], $0xffff;
	v56 =	vcvt.s32.f32 v26;
	v62 =	vadd.f32 v49, v60;
	v63 =	vadd.f32 v38, v9  }
0x6d: {  	v19 =	vld.idx.msk [tilespmem:v44+s19+$0x0], $0xffff;
	v9 =	vtrunc.f32 v34;
	v36 =	vadd.f32 v35, v29;
	v35 =	vmul.f32 v61, v16  }
0x6e: {  	v27 =	vld.idx.msk [tilespmem:v11+s20+$0x0], $0xffff;
	v42 =	vmul.f32 v62, v10;
	v38 =	vcvt.f32.s32 v9  }
0x6f: {  	v29 =	vld.idx.msk [tilespmem:v44+s4+$0x0], $0xffff;
	v22 =	vmul.f32 v13, v17;
	v13 =	vadd.f32 v2, v32;
	v2 =	vmul.f32 $3.200000000e+01, v45  }
0x70: {  	s29 =	simm.s32 $0x1C180;
	v5 =	vmul.f32 v4, v48;
	v37 =	vadd.f32 v18, v63;
	v6 =	vmul.f32 v24, v17;
	v24 =	vld.idx.msk [tilespmem:v40+s19+$0x0], $0xffff  }
0x71: {  	s31 =	simm.s32 $0x1BD80;
	s30 =	simm.s32 $0x1C590;
	s8 =	simm.s32 $0x1C590;
	v33 =	vmul.f32 v53, v4;
	v21 =	vtrunc.f32 v2;
	v41 =	vadd.f32 v39, v13;
	v39 =	vld.idx.msk [tilespmem:v11+s19+$0x0], $0xffff  }
0x72: {  	s10 =	simm.s32 $0x1C580;
	s9 =	simm.s32 $0x1C190;
	s7 =	simm.s32 $0x1BD90;
	v9 =	vmul.f32 v50, v17;
	v40 =	vld.idx.msk [tilespmem:v40+s4+$0x0], $0xffff;
	v43 =	vcvt.f32.s32 v21;
	v21 =	vsub.f32 v52, v56  }
0x73: {  	s22 =	simm.s32 $0x20;
	s14 =	simm.s32 $0x1BDA0;
	s15 =	simm.s32 $0x1C190;
	v44 =	vmul.u32 $0x21, v38;
	v32 =	vld.idx.msk [tilespmem:v7+s19+$0x0], $0xffff;
	v18 =	vmul.f32 v57, v8;
	v13 =	vmul.f32 v55, v17  }
.LBB2_3:
0x74: {  	s22 =	sadd.s32 $0x10, s22;
	v45 =	vmul.u32 $0x441, v43;
	v46 =	vsub.f32 $1.000000000e+00, v21;
	s8 =	sadd.s32 $0x10, s8;
	s9 =	sadd.s32 $0x10, s9;
	v30 =	vadd.f32 v30, v41  }
0x75: {  	v41 =	vcvt.s32.f32 v43;
	v47 =	vmul.f32 v27, v8;
	v27 =	vadd.f32 v42, v35;
	p1 =	slt.u32 s22, $0x3F0;
	v43 =	vld.idx.msk [tilespmem:v12+s20+$0x0], $0xffff  }
0x76: {  	v14 =	vmul.f32 v14, v3;
	v35 =	vadd.s32 v45, v44;
	v42 =	vld.idx.msk [tilespmem:v11+s4+$0x0], $0xffff;
	v44 =	vmul.f32 v39, v8  }
0x77: {  	v40 =	vmul.f32 v40, v3;
	v39 =	vadd.s32 v26, v35;
	v45 =	vld.idx.msk [tilespmem:v12+s19+$0x0], $0xffff;
	v12 =	vmul.f32 v30, v16  }
0x78: {  	s16 =	sadd.s32 $0x10, s16;
	v26 =	vadd.f32 v14, v33;
	v35 =	vadd.s32 $0x441, v39;
	v48 =	vadd.s32 $0x442, v39;
	v49 =	vld.idx.msk [tilespmem:v7+s20+$0x0], $0xffff;
	[tilespmem:s31+$0x0] =	vst v27;
	s31 =	smov.u32 s7;
	s7 =	smov.u32 s14  }
0x79: {  	s17 =	sadd.s32 $0x10, s17;
	v11 =	vcvt.s32.f32 v38;
	v16 =	vmul.f32 v37, v16;
	v38 =	vadd.s32 $0x21, v39;
	v27 =	vld [tilespmem:s16+$0x0]  }
0x7a: {  	s21 =	sadd.s32 $0x10, s21;
	v10 =	vmul.f32 v36, v10;
	v7 =	vadd.s32 $0x1, v39;
	v33 =	vadd.s32 $0x462, v39;
	v37 =	vld [tilespmem:s17+$0x0]  }
0x7b: {  	v50 =	vmul.f32 v23, v17;
	v34 =	vsub.f32 v34, v11;
	v11 =	vadd.s32 $0x463, v39;
	v36 =	vld [tilespmem:s21+$0x0]  }
0x7c: {  	v25 =	vmul.f32 v4, v25;
	v31 =	vadd.f32 v31, v12;
	v42 =	vmul.f32 v42, v8;
	v23 =	vld.idx.msk [tilespmem:v39+s20+$0x0], $0xffff  }
0x7d: {  	v28 =	vmul.f32 v28, v17;
	v12 =	vadd.s32 $0x22, v39;
	v51 =	vsub.f32 $1.000000000e+00, v34;
	v14 =	vld.idx.msk [tilespmem:v48+s20+$0x0], $0xffff  }
0x7e: {  	v54 =	vmul.f32 v4, v15;
	v15 =	vadd.f32 v10, v16;
	v52 =	vmul.f32 $3.200000000e+01, v27;
	v53 =	vld.idx.msk [tilespmem:v35+s20+$0x0], $0xffff  }
0x7f: {  	v24 =	vmul.f32 v24, v3;
	v10 =	vsub.f32 v0, v1;
	v55 =	vmul.f32 v21, v51;
	v56 =	vld.idx.msk [tilespmem:v38+s20+$0x0], $0xffff  }
0x80: {  	v58 =	vmul.f32 v3, v20;
	v17 =	vadd.f32 v22, v26;
	v0 =	vtrunc.f32 v52;
	v57 =	vld.idx.msk [tilespmem:v33+s20+$0x0], $0xffff;
	[tilespmem:s29+$0x0] =	vst v15;
	s29 =	smov.u32 s15;
	s15 =	smov.u32 s9  }
0x81: {  	v20 =	vmul.f32 v3, v32;
	v30 =	vmul.f32 v43, v8;
	v16 =	vsub.f32 $1.000000000e+00, v10;
	v27 =	vld.idx.msk [tilespmem:v11+s20+$0x0], $0xffff;
	[tilespmem:s10+$0x0] =	vst v31;
	s10 =	smov.u32 s30;
	s30 =	smov.u32 s8  }
0x82: {  	v25 =	vadd.f32 v25, v58;
	v1 =	vmovc v41;
	v15 =	vmul.f32 v29, v4;
	v26 =	vcvt.f32.s32 v0;
	v22 =	vld.idx.msk [tilespmem:v33+s19+$0x0], $0xffff  }
0x83: {  	v19 =	vmul.f32 v19, v4;
	v4 =	vmul.f32 v46, v51;
	v31 =	vadd.f32 v47, v17;
	v29 =	vld.idx.msk [tilespmem:v38+s19+$0x0], $0xffff  }
0x84: {  	v43 =	vmul.f32 v45, v8;
	v8 =	vadd.f32 v40, v15;
	v32 =	vcvt.s32.f32 v26;
	v0 =	vmovc v2;
	v47 =	vld.idx.msk [tilespmem:v12+s4+$0x0], $0xffff  }
0x85: {  	v19 =	vadd.f32 v24, v19;
	v17 =	vmul.f32 v46, v34;
	v40 =	vadd.f32 v28, v25;
	v15 =	vld.idx.msk [tilespmem:v39+s19+$0x0], $0xffff  }
0x86: {  	v41 =	vmul.f32 v4, v23;
	v2 =	vmul.f32 v49, v3;
	v45 =	vadd.f32 v50, v8;
	v23 =	vld.idx.msk [tilespmem:v33+s4+$0x0], $0xffff  }
0x87: {  	v8 =	vmul.f32 v21, v34;
	v21 =	vadd.f32 v54, v20;
	v33 =	vmul.f32 v53, v4;
	v25 =	vld.idx.msk [tilespmem:v39+s4+$0x0], $0xffff  }
0x88: {  	v46 =	vadd.f32 v2, v5;
	v39 =	vmul.f32 v22, v17;
	v22 =	vmul.f32 v57, v17;
	v20 =	vld.idx.msk [tilespmem:v7+s4+$0x0], $0xffff  }
0x89: {  	v3 =	vmovc v55;
	v18 =	vadd.f32 v18, v40;
	v2 =	vmul.f32 $3.200000000e+01, v36;
	v36 =	vadd.f32 v6, v19;
	v28 =	vld.idx.msk [tilespmem:v38+s4+$0x0], $0xffff  }
0x8a: {  	v31 =	vmul.f32 v31, v10;
	v34 =	vmul.f32 $3.200000000e+01, v37;
	v5 =	vmovc v41;
	v37 =	vadd.f32 v42, v45;
	v24 =	vld.idx.msk [tilespmem:v48+s19+$0x0], $0xffff  }
.Ltmp0:
0x8b: {  	v21 =	vadd.f32 v9, v21;
	v45 =	vtrunc.f32 v2;
	v41 =	vadd.f32 v13, v46;
	v6 =	vmovc v39;
	v19 =	vld.idx.msk [tilespmem:v35+s19+$0x0], $0xffff;
	(pc) =	sbr.rel @p1 .LBB2_3-.Ltmp0, $4  }
0x8c: {  	v9 =	vtrunc.f32 v34;
	v36 =	vadd.f32 v44, v36;
	v42 =	vmul.f32 v37, v10;
	v39 =	vld.idx.msk [tilespmem:v11+s19+$0x0], $0xffff  }
0x8d: {  	v37 =	vadd.f32 v43, v21;
	v38 =	vcvt.f32.s32 v9;
	v9 =	vmul.f32 v29, v17;
	v40 =	vld.idx.msk [tilespmem:v48+s4+$0x0], $0xffff  }
0x8e: {  	v43 =	vcvt.f32.s32 v45;
	v21 =	vsub.f32 v52, v32;
	v29 =	vld.idx.msk [tilespmem:v35+s4+$0x0], $0xffff;
	v35 =	vmul.f32 v18, v16  }
0x8f: {  	s14 =	sadd.s32 $0x10, s14;
	v13 =	vmul.f32 v56, v17;
	v44 =	vmul.u32 $0x21, v38;
	v18 =	vmul.f32 v47, v8;
	v32 =	vld.idx.msk [tilespmem:v7+s19+$0x0], $0xffff  }
0x90: {  	v30 =	vadd.f32 v30, v41;
	v41 =	vcvt.s32.f32 v43  }
0x91: {  	v45 =	vmul.u32 $0x441, v43;
	v43 =	vmul.f32 v27, v8;
	v14 =	vmul.f32 v14, v3  }
0x92: {  	v46 =	vsub.f32 $1.000000000e+00, v21;
	v38 =	vcvt.s32.f32 v38;
	v10 =	vmul.f32 v36, v10  }
0x93: {  	v23 =	vmul.f32 v23, v17;
	v25 =	vmul.f32 v4, v25;
	v54 =	vadd.s32 v45, v44  }
0x94: {  	v17 =	vmul.f32 v28, v17;
	v15 =	vmul.f32 v4, v15;
	v26 =	vadd.s32 v26, v54  }
0x95: {  	v7 =	vld.idx.msk [tilespmem:v7+s20+$0x0], $0xffff;
	v0 =	vsub.f32 v0, v1;
	v24 =	vmul.f32 v24, v3;
	v20 =	vmul.f32 v3, v20  }
0x96: {  	v11 =	vld.idx.msk [tilespmem:v11+s4+$0x0], $0xffff;
	v39 =	vmul.f32 v39, v8;
	v55 =	vmul.f32 v40, v3;
	v57 =	vadd.s32 $0x442, v26  }
0x97: {  	v58 =	vld.idx.msk [tilespmem:v12+s20+$0x0], $0xffff;
	v30 =	vmul.f32 v30, v16;
	v14 =	vadd.f32 v14, v33;
	v56 =	vadd.s32 $0x441, v26  }
0x98: {  	v12 =	vld.idx.msk [tilespmem:v12+s19+$0x0], $0xffff;
	v16 =	vmul.f32 v37, v16;
	v34 =	vsub.f32 v34, v38;
	v61 =	vadd.s32 $0x462, v26  }
0x99: {  	v50 =	vsub.f32 $1.000000000e+00, v0;
	v20 =	vadd.f32 v25, v20;
	v25 =	vmul.f32 v29, v4;
	v63 =	vld.idx.msk [tilespmem:v26+s20+$0x0], $0xffff  }
0x9a: {  	v59 =	vadd.s32 $0x21, v26;
	v32 =	vmul.f32 v3, v32;
	v3 =	vmul.f32 v7, v3;
	v7 =	vld.idx.msk [tilespmem:v26+s19+$0x0], $0xffff  }
0x9b: {  	v4 =	vmul.f32 v19, v4;
	v30 =	vadd.f32 v31, v30;
	v31 =	vadd.s32 $0x22, v26;
	v48 =	vld.idx.msk [tilespmem:v57+s20+$0x0], $0xffff  }
0x9c: {  	v60 =	vadd.s32 $0x1, v26;
	v47 =	vsub.f32 $1.000000000e+00, v34;
	v14 =	vadd.f32 v22, v14;
	v28 =	vld.idx.msk [tilespmem:v56+s20+$0x0], $0xffff  }
0x9d: {  	v17 =	vadd.f32 v17, v20;
	v11 =	vmul.f32 v11, v8;
	v44 =	vmul.f32 v58, v8;
	v22 =	vld.idx.msk [tilespmem:v61+s20+$0x0], $0xffff  }
0x9e: {  	v8 =	vmul.f32 v12, v8;
	v19 =	vadd.f32 v55, v25;
	v4 =	vadd.f32 v24, v4;
	v51 =	vld.idx.msk [tilespmem:v61+s19+$0x0], $0xffff  }
0x9f: {  	v25 =	vmul.f32 v46, v34;
	v14 =	vadd.f32 v43, v14;
	v15 =	vadd.f32 v15, v32;
	v12 =	vld.idx.msk [tilespmem:v59+s19+$0x0], $0xffff  }
0xa0: {  	v49 =	vmul.f32 v21, v47;
	v17 =	vadd.f32 v18, v17;
	v19 =	vadd.f32 v23, v19;
	v20 =	vld.idx.msk [tilespmem:v31+s4+$0x0], $0xffff  }
0xa1: {  	v29 =	vmul.f32 v46, v47;
	v4 =	vadd.f32 v6, v4;
	v9 =	vadd.f32 v9, v15;
	v18 =	vld.idx.msk [tilespmem:v57+s4+$0x0], $0xffff  }
0xa2: {  	v21 =	vmul.f32 v21, v34;
	v3 =	vadd.f32 v3, v5;
	v11 =	vadd.f32 v11, v19;
	v19 =	vld.idx.msk [tilespmem:v26+s4+$0x0], $0xffff  }
0xa3: {  	v6 =	vmul.f32 v14, v0;
	v14 =	vld.idx.msk [tilespmem:v60+s4+$0x0], $0xffff;
	v4 =	vadd.f32 v39, v4;
	v8 =	vadd.f32 v8, v9  }
0xa4: {  	v15 =	vmul.f32 v17, v50;
	v3 =	vadd.f32 v13, v3;
	v13 =	vld.idx.msk [tilespmem:v59+s4+$0x0], $0xffff;
	v11 =	vmul.f32 v11, v0  }
0xa5: {  	v62 =	vadd.s32 $0x463, v26;
	v17 =	vld.idx.msk [tilespmem:v57+s19+$0x0], $0xffff;
	v0 =	vmul.f32 v4, v0;
	v8 =	vmul.f32 v8, v50  }
0xa6: {  	v10 =	vadd.f32 v10, v16;
	v16 =	vld.idx.msk [tilespmem:v56+s4+$0x0], $0xffff;
	v24 =	vmul.f32 v29, v63;
	v7 =	vmul.f32 v29, v7  }
0xa7: {  	v23 =	vmul.f32 v28, v29;
	v28 =	vld.idx.msk [tilespmem:v61+s4+$0x0], $0xffff;
	v55 =	vmul.f32 v51, v25  }
0xa8: {  	v27 =	vadd.f32 v42, v35;
	v26 =	vld.idx.msk [tilespmem:v56+s19+$0x0], $0xffff;
	v5 =	vmul.f32 v22, v25;
	v12 =	vmul.f32 v12, v25  }
0xa9: {  	v2 =	vsub.f32 v2, v41;
	v4 =	vld.idx.msk [tilespmem:v60+s19+$0x0], $0xffff;
	v9 =	vmul.f32 v20, v21;
	v22 =	vmul.f32 v48, v49  }
0xaa: {  	v54 =	vld.idx.msk [tilespmem:v62+s20+$0x0], $0xffff;
	v3 =	vadd.f32 v44, v3;
	v18 =	vmul.f32 v18, v49;
	v19 =	vmul.f32 v29, v19  }
0xab: {  	v1 =	vld.idx.msk [tilespmem:v59+s20+$0x0], $0xffff;
	v13 =	vmul.f32 v13, v25;
	v0 =	vadd.f32 v0, v8;
	v8 =	vmul.f32 v49, v14  }
0xac: {  	v11 =	vadd.f32 v11, v15;
	v16 =	vmul.f32 v16, v29;
	v15 =	vmul.f32 v28, v25;
	v28 =	vld.idx.msk [tilespmem:v60+s20+$0x0], $0xffff  }
0xad: {  	v14 =	vld.idx.msk [tilespmem:v62+s4+$0x0], $0xffff;
	v17 =	vmul.f32 v17, v49;
	v22 =	vadd.f32 v22, v23;
	v8 =	vadd.f32 v19, v8  }
0xae: {  	v23 =	vld.idx.msk [tilespmem:v62+s19+$0x0], $0xffff;
	v19 =	vmul.f32 v26, v29;
	v4 =	vmul.f32 v49, v4;
	v16 =	vadd.f32 v18, v16  }
0xaf: {  	v20 =	vmul.f32 v54, v21;
	v5 =	vadd.f32 v5, v22;
	v22 =	vld.idx.msk [tilespmem:v31+s19+$0x0], $0xffff;
	v8 =	vadd.f32 v13, v8  }
0xb0: {  	v1 =	vmul.f32 v1, v25;
	v26 =	vld.idx.msk [tilespmem:v31+s20+$0x0], $0xffff;
	v13 =	vadd.f32 v17, v19;
	v4 =	vadd.f32 v7, v4  }
0xb1: {  	v25 =	vsub.f32 $1.000000000e+00, v2;
	v5 =	vadd.f32 v20, v5;
	v17 =	vmul.f32 v28, v49  }
0xb2: {  	v8 =	vadd.f32 v9, v8;
	v13 =	vadd.f32 v55, v13  }
0xb3: {  	v7 =	vmul.f32 v14, v21;
	v15 =	vadd.f32 v15, v16;
	v14 =	vadd.f32 v17, v24  }
0xb4: {  	v4 =	vadd.f32 v12, v4;
	v18 =	vmul.f32 v23, v21;
	v9 =	vmul.f32 v22, v21  }
0xb5: {  	[tilespmem:s31+$0x0] =	vst v27;
	v12 =	vmul.f32 v26, v21;
	v7 =	vadd.f32 v7, v15;
	v1 =	vadd.f32 v1, v14  }
0xb6: {  	[tilespmem:s29+$0x0] =	vst v10;
	v3 =	vmul.f32 v3, v50;
	v10 =	vadd.f32 v18, v13;
	v4 =	vadd.f32 v9, v4  }
0xb7: {  	[tilespmem:s10+$0x0] =	vst v30;
	v8 =	vmul.f32 v8, v25;
	v7 =	vmul.f32 v7, v2;
	v1 =	vadd.f32 v12, v1  }
0xb8: {  	[tilespmem:s7+$0x0] =	vst v11;
	v3 =	vadd.f32 v6, v3;
	v6 =	vmul.f32 v10, v2;
	v4 =	vmul.f32 v4, v25  }
0xb9: {  	[tilespmem:s15+$0x0] =	vst v0;
	v0 =	vmul.f32 v5, v2;
	v2 =	vadd.f32 v7, v8;
	v1 =	vmul.f32 v1, v25  }
0xba: {  	[tilespmem:s30+$0x0] =	vst v3;
	v3 =	vadd.f32 v6, v4  }
0xbb: {  	s9 =	sadd.s32 $0x10, s9;
	[tilespmem:s14+$0x0] =	vst v2;
	v0 =	vadd.f32 v0, v1  }
0xbc: {  	s8 =	sadd.s32 $0x10, s8;
	[tilespmem:s9+$0x0] =	vst v3  }
0xbd: {  	s6 =	sadd.s32 s3, s6;
	s10 =	simm.s32 $0x1BD80;
	[tilespmem:s8+$0x0] =	vst v0  }
0xbe: {  	[hbm4b:s6+s4] =	stream.linear.scatter [tilespmem:s10], [sflag:$0x3], $0x400, $0x38;
	[tilespmem:$0x1D580] =	vst v63  }
0xbf: {  	s15 =	simm.s32 $0x1C180;
	s14 =	sadd.s32 $0x8000, s6  }
0xc0: {  	[hbm4b:s14+s4] =	stream.linear.scatter [tilespmem:s15], [sflag:$0x3], $0x400, $0x38;
	[tilespmem:$0x1D580] =	vst v63  }
0xc1: {  	p1 =	seq.s32 s2, $0x1F;
	s6 =	sadd.s32 $0x10000, s6  }
0xc2: {  	[hbm4b:s6+s4] =	stream.linear.scatter [tilespmem:s23], [sflag:$0x3], $0x400, $0x38;
	[tilespmem:$0x1D580] =	vst v63  }
0xc3: {  	s6 =	sadd.s32 @!p1 $0x800, s13  }
0xc4: {  	s7 =	sand.u32 @!p1 $0x1F000, s6  }
0xc5: {  	s6 =	sand.u32 @!p1 $0x800, s6;
	s7 =	sadd.s32 @!p1 s7, s5  }
0xc6: {  	s6 =	sor.u32 @!p1 s6, s7  }
0xc7: {  	s6 =	sshrl.u32 @!p1 s6, $0x3  }
0xc8: {  	s8 =	simm.s32 @!p1 $0x1A580;
	s7 =	simm.s32 @!p1 $0x0;
	s6 =	sadd.s32 @!p1 s1, s6  }
0xc9: {  	[tilespmem:s8], [sflag:$0x1] =	stream.linear.gather @!p1 [hbm4b:s6+s7], $0x400, $0x38;
	[tilespmem:$0x1D580] =	vst v63  }
0xca: {  	s9 =	simm.s32 @!p1 $0x1A980;
	s8 =	sadd.s32 @!p1 $0x8000, s6  }
0xcb: {  	[tilespmem:s9], [sflag:$0x1] =	stream.linear.gather @!p1 [hbm4b:s8+s7], $0x400, $0x38;
	[tilespmem:$0x1D580] =	vst v63  }
0xcc: {  	s6 =	sadd.s32 @!p1 $0x10000, s6;
	s8 =	simm.s32 @!p1 $0x1AD80  }
0xcd: {  	[tilespmem:s8], [sflag:$0x1] =	stream.linear.gather @!p1 [hbm4b:s6+s7], $0x400, $0x38;
	[tilespmem:$0x1D580] =	vst v63  }
0xce: {  	_ =	swait.ge [sflag:s24], $0x400  }
0xcf: {  	[sflag:s24] =	ssyncset.done $0x0  }
0xd0: {  	[sflag:s24] =	ssyncadd.s32 $0xFFFFFC00  }
0xd1: {  	_ =	swait.ge [sflag:s24], $0x400  }
0xd2: {  	[sflag:s24] =	ssyncset.done $0x0  }
0xd3: {  	[sflag:s24] =	ssyncadd.s32 $0xFFFFFC00  }
0xd4: {  	_ =	swait.ge [sflag:s24], $0x400  }
0xd5: {  	[sflag:s24] =	ssyncset.done $0x0  }
0xd6: {  	s6 =	simm.s32 @!p0 $0x4;
	[sflag:s24] =	ssyncadd.s32 $0xFFFFFC00  }
0xd7: {  	_ =	swait.ge @!p0 [sflag:s6], $0x400  }
0xd8: {  	[sflag:s6] =	ssyncset.done @!p0 $0x0  }
0xd9: {  	[sflag:s6] =	ssyncadd.s32 @!p0 $0xFFFFFC00  }
0xda: {  	_ =	swait.ge @!p0 [sflag:s6], $0x400  }
0xdb: {  	[sflag:s6] =	ssyncset.done @!p0 $0x0  }
0xdc: {  	[sflag:s6] =	ssyncadd.s32 @!p0 $0xFFFFFC00  }
0xdd: {  	_ =	swait.ge @!p0 [sflag:s6], $0x400  }
0xde: {  	[sflag:s6] =	ssyncset.done @!p0 $0x0  }
0xdf: {  	s16 =	simm.s32 $0x1B580;
	[sflag:s6] =	ssyncadd.s32 @!p0 $0xFFFFFC00  }
0xe0: {  	s17 =	simm.s32 $0x1B180;
	v0 =	vld [tilespmem:s16+$0x0]  }
0xe1: {  	s21 =	simm.s32 $0x1B980;
	v1 =	vld [tilespmem:s17+$0x0]  }
0xe2: {  	v2 =	vld [tilespmem:s21+$0x0];
	_ =	sdelay $0x3  }
0xe3: {  	v4 =	vmul.f32 $3.200000000e+01, v1;
	v0 =	vmul.f32 $3.200000000e+01, v0  }
0xe4: {  	v1 =	vmul.f32 $3.200000000e+01, v2  }
0xe5: {  	v2 =	vtrunc.f32 v4;
	v3 =	vtrunc.f32 v0  }
0xe6: {  	v3 =	vcvt.f32.s32 v3;
	v2 =	vcvt.f32.s32 v2;
	_ =	sdelay $0x1  }
0xe7: {  	v5 =	vtrunc.f32 v1;
	v6 =	vmul.u32 $0x21, v3;
	v7 =	vmul.u32 $0x441, v2  }
0xe8: {  	v5 =	vcvt.f32.s32 v5  }
0xe9: {  	s22 =	simm.s32 $0x1B990;
	v6 =	vadd.s32 v7, v6  }
0xea: {  	s30 =	simm.s32 $0x1B590;
	v9 =	vld [tilespmem:s22+$0x0];
	v6 =	vadd.s32 v5, v6  }
0xeb: {  	s31 =	simm.s32 $0x1B190;
	v11 =	vld [tilespmem:s30+$0x0]  }
0xec: {  	v13 =	vld [tilespmem:s31+$0x0];
	s17 =	simm.s32 $0x1B5A0  }
0xed: {  	s21 =	simm.s32 $0x1B1A0;
	v41 =	vld [tilespmem:s17+$0x0];
	v7 =	vadd.s32 $0x442, v6  }
0xee: {  	v43 =	vld [tilespmem:s21+$0x0];
	v5 =	vcvt.s32.f32 v5;
	v8 =	vadd.s32 $0x441, v6  }
0xef: {  	v10 =	vadd.s32 $0x21, v6;
	v15 =	vld.idx.msk [tilespmem:v6+s20+$0x0], $0xffff  }
0xf0: {  	v12 =	vadd.s32 $0x462, v6;
	v1 =	vsub.f32 v1, v5;
	v5 =	vld.idx.msk [tilespmem:v6+s19+$0x0], $0xffff  }
0xf1: {  	v14 =	vadd.s32 $0x463, v6;
	v18 =	vadd.s32 $0x22, v6;
	v23 =	vadd.s32 $0x1, v6;
	v6 =	vld.idx.msk [tilespmem:v6+s4+$0x0], $0xffff  }
0xf2: {  	v16 =	vld.idx.msk [tilespmem:v7+s20+$0x0], $0xffff  }
0xf3: {  	v17 =	vld.idx.msk [tilespmem:v8+s20+$0x0], $0xffff  }
0xf4: {  	v3 =	vcvt.s32.f32 v3;
	v19 =	vld.idx.msk [tilespmem:v10+s20+$0x0], $0xffff  }
0xf5: {  	v20 =	vld.idx.msk [tilespmem:v12+s20+$0x0], $0xffff  }
0xf6: {  	v9 =	vmul.f32 $3.200000000e+01, v9;
	v3 =	vsub.f32 v0, v3;
	v21 =	vld.idx.msk [tilespmem:v14+s20+$0x0], $0xffff  }
0xf7: {  	v11 =	vmul.f32 $3.200000000e+01, v11;
	v22 =	vld.idx.msk [tilespmem:v12+s19+$0x0], $0xffff  }
0xf8: {  	v26 =	vtrunc.f32 v9;
	v0 =	vsub.f32 $1.000000000e+00, v3;
	v24 =	vld.idx.msk [tilespmem:v10+s19+$0x0], $0xffff  }
0xf9: {  	v57 =	vtrunc.f32 v11;
	v26 =	vcvt.f32.s32 v26;
	v27 =	vsub.f32 $1.000000000e+00, v1;
	v25 =	vld.idx.msk [tilespmem:v18+s4+$0x0], $0xffff  }
0xfa: {  	v34 =	vcvt.f32.s32 v57;
	v28 =	vmul.f32 v1, v0;
	v12 =	vld.idx.msk [tilespmem:v12+s4+$0x0], $0xffff  }
0xfb: {  	v29 =	vld.idx.msk [tilespmem:v23+s4+$0x0], $0xffff;
	v30 =	vmul.f32 v27, v0;
	v0 =	vmul.f32 $3.200000000e+01, v13  }
0xfc: {  	v2 =	vcvt.s32.f32 v2;
	v31 =	vcvt.s32.f32 v26;
	v10 =	vld.idx.msk [tilespmem:v10+s4+$0x0], $0xffff  }
0xfd: {  	v36 =	vmul.f32 v1, v3;
	v13 =	vld.idx.msk [tilespmem:v7+s19+$0x0], $0xffff;
	v56 =	vtrunc.f32 v0  }
0xfe: {  	v27 =	vmul.f32 v27, v3;
	v58 =	vld.idx.msk [tilespmem:v14+s19+$0x0], $0xffff;
	v33 =	vcvt.f32.s32 v56  }
0xff: {  	v1 =	vmul.u32 $0x21, v34;
	v7 =	vld.idx.msk [tilespmem:v7+s4+$0x0], $0xffff;
	v32 =	vmul.f32 v30, v15;
	v6 =	vmul.f32 v30, v6  }
0x100: {  	v14 =	vld.idx.msk [tilespmem:v14+s4+$0x0], $0xffff;
	v53 =	vmul.f32 v30, v5;
	v3 =	vmul.f32 v17, v30;
	v59 =	vmul.u32 $0x441, v33  }
0x101: {  	v9 =	vsub.f32 v9, v31;
	v15 =	vld.idx.msk [tilespmem:v8+s19+$0x0], $0xffff;
	v22 =	vmul.f32 v22, v27;
	v20 =	vmul.f32 v20, v27  }
0x102: {  	v17 =	vld.idx.msk [tilespmem:v23+s19+$0x0], $0xffff;
	v38 =	vmul.f32 v24, v27;
	v31 =	vmul.f32 v25, v36;
	v25 =	vadd.s32 v59, v1  }
0x103: {  	s16 =	simm.s32 $0x1B9A0;
	v19 =	vmul.f32 v19, v27;
	v1 =	vcvt.s32.f32 v33;
	v33 =	vld.idx.msk [tilespmem:v23+s20+$0x0], $0xffff;
	v25 =	vadd.s32 v26, v25  }
0x104: {  	v21 =	vmul.f32 v21, v36;
	v16 =	vmul.f32 v16, v28;
	v23 =	vld [tilespmem:s16+$0x0]  }
0x105: {  	v37 =	vsub.f32 $1.000000000e+00, v9;
	v8 =	vld.idx.msk [tilespmem:v8+s4+$0x0], $0xffff;
	v35 =	vmul.f32 v58, v36;
	v60 =	vmul.f32 v12, v27  }
0x106: {  	v24 =	vld.idx.msk [tilespmem:v18+s20+$0x0], $0xffff;
	v48 =	vmul.f32 v14, v36;
	v63 =	vmul.f32 v10, v27;
	v40 =	vadd.s32 $0x442, v25  }
0x107: {  	v18 =	vld.idx.msk [tilespmem:v18+s19+$0x0], $0xffff;
	v10 =	vsub.f32 v4, v2;
	v26 =	vcvt.s32.f32 v34;
	v44 =	vadd.s32 $0x441, v25  }
0x108: {  	v34 =	vmul.f32 v7, v28;
	v39 =	vadd.s32 $0x21, v25;
	v7 =	vadd.s32 $0x1, v25;
	v61 =	vld.idx.msk [tilespmem:v25+s20+$0x0], $0xffff  }
0x109: {  	v42 =	vadd.s32 $0x462, v25;
	v51 =	vmul.f32 $3.200000000e+01, v23;
	v23 =	vmul.f32 v15, v30;
	v15 =	vld.idx.msk [tilespmem:v25+s19+$0x0], $0xffff  }
0x10a: {  	v12 =	vadd.s32 $0x22, v25;
	v45 =	vsub.f32 v11, v26;
	v11 =	vadd.s32 $0x463, v25;
	v25 =	vld.idx.msk [tilespmem:v25+s4+$0x0], $0xffff  }
0x10b: {  	v2 =	vmul.f32 v13, v28;
	v5 =	vmul.f32 v28, v29;
	v16 =	vadd.f32 v16, v3;
	v14 =	vld.idx.msk [tilespmem:v40+s20+$0x0], $0xffff  }
0x10c: {  	v55 =	vmul.f32 v28, v17;
	v29 =	vmul.f32 v24, v36;
	v62 =	vsub.f32 $1.000000000e+00, v45;
	v52 =	vld.idx.msk [tilespmem:v44+s20+$0x0], $0xffff  }
0x10d: {  	v20 =	vadd.f32 v20, v16;
	v18 =	vmul.f32 v18, v36;
	v17 =	vmul.f32 v37, v45;
	v54 =	vld.idx.msk [tilespmem:v39+s20+$0x0], $0xffff  }
0x10e: {  	v16 =	vsub.f32 $1.000000000e+00, v10;
	v3 =	vmul.f32 v9, v62;
	v4 =	vtrunc.f32 v51;
	v13 =	vld.idx.msk [tilespmem:v42+s20+$0x0], $0xffff  }
0x10f: {  	v24 =	vld.idx.msk [tilespmem:v42+s19+$0x0], $0xffff;
	v58 =	vadd.f32 v2, v23;
	v2 =	vmul.f32 v33, v28;
	v9 =	vmul.f32 v9, v45  }
0x110: {  	v56 =	vld.idx.msk [tilespmem:v12+s4+$0x0], $0xffff;
	v26 =	vcvt.f32.s32 v4;
	v4 =	vadd.f32 v6, v5;
	v6 =	vmul.f32 v8, v30  }
0x111: {  	v23 =	vld.idx.msk [tilespmem:v42+s4+$0x0], $0xffff;
	v33 =	vmul.f32 $3.200000000e+01, v41;
	v5 =	vmul.f32 v37, v62;
	v62 =	vadd.f32 v22, v58  }
0x112: {  	v8 =	vld.idx.msk [tilespmem:v39+s19+$0x0], $0xffff;
	v30 =	vadd.f32 v21, v20;
	v49 =	vcvt.s32.f32 v26;
	v6 =	vadd.f32 v34, v6  }
0x113: {  	v28 =	vld.idx.msk [tilespmem:v39+s4+$0x0], $0xffff;
	v57 =	vadd.f32 v63, v4;
	v4 =	vmul.f32 v5, v61;
	v36 =	vadd.f32 v35, v62  }
0x114: {  	v27 =	vld.idx.msk [tilespmem:v11+s20+$0x0], $0xffff;
	v59 =	vadd.f32 v60, v6;
	v34 =	vmul.f32 v52, v5;
	v60 =	vadd.f32 v53, v55  }
0x115: {  	v20 =	vld.idx.msk [tilespmem:v7+s4+$0x0], $0xffff;
	v21 =	vmul.f32 v13, v17;
	v13 =	vadd.f32 v2, v32;
	v2 =	vmul.f32 $3.200000000e+01, v43  }
0x116: {  	v39 =	vld.idx.msk [tilespmem:v11+s19+$0x0], $0xffff;
	v6 =	vmul.f32 v24, v17;
	v61 =	vadd.f32 v31, v57;
	v31 =	vmul.f32 v30, v10  }
0x117: {  	v22 =	vld.idx.msk [tilespmem:v44+s19+$0x0], $0xffff;
	v8 =	vmul.f32 v8, v17;
	v63 =	vadd.f32 v48, v59;
	v30 =	vtrunc.f32 v2  }
0x118: {  	s29 =	simm.s32 $0x1C980;
	v24 =	vld.idx.msk [tilespmem:v40+s19+$0x0], $0xffff;
	v41 =	vadd.f32 v19, v13;
	v13 =	vtrunc.f32 v33;
	v35 =	vmul.f32 v61, v16  }
0x119: {  	s10 =	simm.s32 $0x1C9A0;
	s15 =	simm.s32 $0x1CD90;
	s14 =	simm.s32 $0x1D190;
	v40 =	vld.idx.msk [tilespmem:v40+s4+$0x0], $0xffff;
	v38 =	vadd.f32 v38, v60;
	v37 =	vcvt.f32.s32 v13;
	v43 =	vcvt.f32.s32 v30  }
0x11a: {  	s13 =	simm.s32 $0x1CD80;
	s9 =	simm.s32 $0x1D180;
	s7 =	simm.s32 $0x1C990;
	v32 =	vld.idx.msk [tilespmem:v7+s19+$0x0], $0xffff;
	v19 =	vsub.f32 v51, v49;
	v13 =	vmul.f32 v54, v17;
	v42 =	vmul.f32 v63, v10  }
0x11b: {  	s8 =	simm.s32 $0x1CD90;
	s6 =	simm.s32 $0x1D190;
	s22 =	simm.s32 $0x20;
	v30 =	vld.idx.msk [tilespmem:v44+s4+$0x0], $0xffff;
	v38 =	vadd.f32 v18, v38;
	v18 =	vmul.f32 v56, v9;
	v44 =	vmul.u32 $0x21, v37  }
.LBB2_5:
0x11c: {  	s22 =	sadd.s32 $0x10, s22;
	v45 =	vmul.u32 $0x441, v43;
	v46 =	vsub.f32 $1.000000000e+00, v19;
	s6 =	sadd.s32 $0x10, s6;
	s8 =	sadd.s32 $0x10, s8;
	v29 =	vadd.f32 v29, v41  }
0x11d: {  	v41 =	vcvt.s32.f32 v43;
	v47 =	vmul.f32 v27, v9;
	v27 =	vadd.f32 v42, v35;
	p0 =	slt.u32 s22, $0x3F0;
	v43 =	vld.idx.msk [tilespmem:v12+s20+$0x0], $0xffff  }
0x11e: {  	v14 =	vmul.f32 v14, v3;
	v35 =	vadd.s32 v45, v44;
	v42 =	vld.idx.msk [tilespmem:v11+s4+$0x0], $0xffff;
	v44 =	vmul.f32 v39, v9  }
0x11f: {  	v40 =	vmul.f32 v40, v3;
	v39 =	vadd.s32 v26, v35;
	v45 =	vld.idx.msk [tilespmem:v12+s19+$0x0], $0xffff;
	v12 =	vmul.f32 v29, v16  }
0x120: {  	s16 =	sadd.s32 $0x10, s16;
	v26 =	vadd.f32 v14, v34;
	v35 =	vadd.s32 $0x441, v39;
	v48 =	vadd.s32 $0x442, v39;
	v49 =	vld.idx.msk [tilespmem:v7+s20+$0x0], $0xffff;
	[tilespmem:s29+$0x0] =	vst v27;
	s29 =	smov.u32 s7;
	s7 =	smov.u32 s10  }
0x121: {  	s17 =	sadd.s32 $0x10, s17;
	v11 =	vcvt.s32.f32 v37;
	v16 =	vmul.f32 v38, v16;
	v37 =	vadd.s32 $0x21, v39;
	v27 =	vld [tilespmem:s16+$0x0]  }
0x122: {  	s21 =	sadd.s32 $0x10, s21;
	v10 =	vmul.f32 v36, v10;
	v7 =	vadd.s32 $0x1, v39;
	v34 =	vadd.s32 $0x462, v39;
	v38 =	vld [tilespmem:s17+$0x0]  }
0x123: {  	v50 =	vmul.f32 v23, v17;
	v33 =	vsub.f32 v33, v11;
	v11 =	vadd.s32 $0x463, v39;
	v36 =	vld [tilespmem:s21+$0x0]  }
0x124: {  	v25 =	vmul.f32 v5, v25;
	v31 =	vadd.f32 v31, v12;
	v42 =	vmul.f32 v42, v9;
	v23 =	vld.idx.msk [tilespmem:v39+s20+$0x0], $0xffff  }
0x125: {  	v28 =	vmul.f32 v28, v17;
	v12 =	vadd.s32 $0x22, v39;
	v51 =	vsub.f32 $1.000000000e+00, v33;
	v14 =	vld.idx.msk [tilespmem:v48+s20+$0x0], $0xffff  }
0x126: {  	v54 =	vmul.f32 v5, v15;
	v15 =	vadd.f32 v10, v16;
	v52 =	vmul.f32 $3.200000000e+01, v27;
	v53 =	vld.idx.msk [tilespmem:v35+s20+$0x0], $0xffff  }
0x127: {  	v24 =	vmul.f32 v24, v3;
	v10 =	vsub.f32 v0, v1;
	v55 =	vmul.f32 v19, v51;
	v56 =	vld.idx.msk [tilespmem:v37+s20+$0x0], $0xffff  }
0x128: {  	v58 =	vmul.f32 v3, v20;
	v17 =	vadd.f32 v21, v26;
	v0 =	vtrunc.f32 v52;
	v57 =	vld.idx.msk [tilespmem:v34+s20+$0x0], $0xffff;
	[tilespmem:s13+$0x0] =	vst v15;
	s13 =	smov.u32 s15;
	s15 =	smov.u32 s8  }
0x129: {  	v20 =	vmul.f32 v3, v32;
	v29 =	vmul.f32 v43, v9;
	v16 =	vsub.f32 $1.000000000e+00, v10;
	v27 =	vld.idx.msk [tilespmem:v11+s20+$0x0], $0xffff;
	[tilespmem:s9+$0x0] =	vst v31;
	s9 =	smov.u32 s14;
	s14 =	smov.u32 s6  }
0x12a: {  	v25 =	vadd.f32 v25, v58;
	v1 =	vmovc v41;
	v15 =	vmul.f32 v30, v5;
	v26 =	vcvt.f32.s32 v0;
	v21 =	vld.idx.msk [tilespmem:v34+s19+$0x0], $0xffff  }
0x12b: {  	v22 =	vmul.f32 v22, v5;
	v5 =	vmul.f32 v46, v51;
	v31 =	vadd.f32 v47, v17;
	v30 =	vld.idx.msk [tilespmem:v37+s19+$0x0], $0xffff  }
0x12c: {  	v43 =	vmul.f32 v45, v9;
	v9 =	vadd.f32 v40, v15;
	v32 =	vcvt.s32.f32 v26;
	v0 =	vmovc v2;
	v47 =	vld.idx.msk [tilespmem:v12+s4+$0x0], $0xffff  }
0x12d: {  	v22 =	vadd.f32 v24, v22;
	v17 =	vmul.f32 v46, v33;
	v40 =	vadd.f32 v28, v25;
	v15 =	vld.idx.msk [tilespmem:v39+s19+$0x0], $0xffff  }
0x12e: {  	v41 =	vmul.f32 v5, v23;
	v2 =	vmul.f32 v49, v3;
	v45 =	vadd.f32 v50, v9;
	v23 =	vld.idx.msk [tilespmem:v34+s4+$0x0], $0xffff  }
0x12f: {  	v9 =	vmul.f32 v19, v33;
	v19 =	vadd.f32 v54, v20;
	v34 =	vmul.f32 v53, v5;
	v25 =	vld.idx.msk [tilespmem:v39+s4+$0x0], $0xffff  }
0x130: {  	v46 =	vadd.f32 v2, v4;
	v39 =	vmul.f32 v21, v17;
	v21 =	vmul.f32 v57, v17;
	v20 =	vld.idx.msk [tilespmem:v7+s4+$0x0], $0xffff  }
0x131: {  	v3 =	vmovc v55;
	v18 =	vadd.f32 v18, v40;
	v2 =	vmul.f32 $3.200000000e+01, v36;
	v36 =	vadd.f32 v6, v22;
	v28 =	vld.idx.msk [tilespmem:v37+s4+$0x0], $0xffff  }
0x132: {  	v31 =	vmul.f32 v31, v10;
	v33 =	vmul.f32 $3.200000000e+01, v38;
	v4 =	vmovc v41;
	v37 =	vadd.f32 v42, v45;
	v24 =	vld.idx.msk [tilespmem:v48+s19+$0x0], $0xffff  }
.Ltmp1:
0x133: {  	v19 =	vadd.f32 v8, v19;
	v41 =	vadd.f32 v13, v46;
	v45 =	vtrunc.f32 v2;
	v6 =	vmovc v39;
	v22 =	vld.idx.msk [tilespmem:v35+s19+$0x0], $0xffff;
	(pc) =	sbr.rel @p0 .LBB2_5-.Ltmp1, $4  }
0x134: {  	v8 =	vtrunc.f32 v33;
	v36 =	vadd.f32 v44, v36;
	v42 =	vmul.f32 v37, v10;
	v39 =	vld.idx.msk [tilespmem:v11+s19+$0x0], $0xffff  }
0x135: {  	v38 =	vadd.f32 v43, v19;
	v37 =	vcvt.f32.s32 v8;
	v8 =	vmul.f32 v30, v17;
	v40 =	vld.idx.msk [tilespmem:v48+s4+$0x0], $0xffff  }
0x136: {  	v19 =	vsub.f32 v52, v32;
	v43 =	vcvt.f32.s32 v45;
	v30 =	vld.idx.msk [tilespmem:v35+s4+$0x0], $0xffff;
	v35 =	vmul.f32 v18, v16  }
0x137: {  	s10 =	sadd.s32 $0x10, s10;
	v13 =	vmul.f32 v56, v17;
	v44 =	vmul.u32 $0x21, v37;
	v18 =	vmul.f32 v47, v9;
	v32 =	vld.idx.msk [tilespmem:v7+s19+$0x0], $0xffff  }
0x138: {  	v29 =	vadd.f32 v29, v41;
	v41 =	vcvt.s32.f32 v43;
	v59 =	vmul.f32 v27, v9  }
0x139: {  	v45 =	vmul.u32 $0x441, v43;
	v14 =	vmul.f32 v14, v3;
	v37 =	vcvt.s32.f32 v37  }
0x13a: {  	v46 =	vsub.f32 $1.000000000e+00, v19;
	v10 =	vmul.f32 v36, v10;
	v23 =	vmul.f32 v23, v17  }
0x13b: {  	v25 =	vmul.f32 v5, v25;
	v53 =	vmul.f32 v28, v17;
	v60 =	vadd.s32 v45, v44  }
0x13c: {  	v15 =	vmul.f32 v5, v15;
	v55 =	vmul.f32 v3, v20;
	v26 =	vadd.s32 v26, v60  }
0x13d: {  	v27 =	vadd.f32 v42, v35;
	v11 =	vld.idx.msk [tilespmem:v11+s4+$0x0], $0xffff;
	v24 =	vmul.f32 v24, v3;
	v57 =	vmul.f32 v22, v5  }
0x13e: {  	v61 =	vld.idx.msk [tilespmem:v12+s20+$0x0], $0xffff;
	v0 =	vsub.f32 v0, v1;
	v39 =	vmul.f32 v39, v9;
	v35 =	vmul.f32 v40, v3  }
0x13f: {  	v62 =	vld.idx.msk [tilespmem:v12+s19+$0x0], $0xffff;
	v29 =	vmul.f32 v29, v16;
	v33 =	vsub.f32 v33, v37;
	v42 =	vadd.s32 $0x442, v26  }
0x140: {  	v7 =	vld.idx.msk [tilespmem:v7+s20+$0x0], $0xffff;
	v14 =	vadd.f32 v14, v34;
	v16 =	vmul.f32 v38, v16;
	v40 =	vadd.s32 $0x441, v26  }
0x141: {  	v1 =	vadd.f32 v25, v55;
	v44 =	vadd.s32 $0x21, v26;
	v52 =	vsub.f32 $1.000000000e+00, v33;
	v63 =	vld.idx.msk [tilespmem:v26+s20+$0x0], $0xffff  }
0x142: {  	v43 =	vsub.f32 $1.000000000e+00, v0;
	v30 =	vmul.f32 v30, v5;
	v45 =	vadd.s32 $0x462, v26;
	v37 =	vld.idx.msk [tilespmem:v26+s19+$0x0], $0xffff  }
0x143: {  	v29 =	vadd.f32 v31, v29;
	v20 =	vmul.f32 v19, v52;
	v31 =	vmul.f32 v46, v52;
	v52 =	vld.idx.msk [tilespmem:v26+s4+$0x0], $0xffff  }
0x144: {  	v5 =	vadd.f32 v24, v57;
	v38 =	vadd.s32 $0x1, v26;
	v36 =	vadd.s32 $0x463, v26;
	v48 =	vld.idx.msk [tilespmem:v42+s20+$0x0], $0xffff  }
0x145: {  	v47 =	vadd.s32 $0x22, v26;
	v14 =	vadd.f32 v21, v14;
	v32 =	vmul.f32 v3, v32;
	v54 =	vld.idx.msk [tilespmem:v40+s20+$0x0], $0xffff  }
0x146: {  	v1 =	vadd.f32 v53, v1;
	v11 =	vmul.f32 v11, v9;
	v30 =	vadd.f32 v35, v30;
	v21 =	vld.idx.msk [tilespmem:v44+s20+$0x0], $0xffff  }
0x147: {  	v34 =	vmul.f32 v61, v9;
	v5 =	vadd.f32 v6, v5;
	v15 =	vadd.f32 v15, v32;
	v56 =	vld.idx.msk [tilespmem:v45+s20+$0x0], $0xffff  }
0x148: {  	v14 =	vadd.f32 v59, v14;
	v59 =	vmul.f32 v62, v9;
	v23 =	vadd.f32 v23, v30;
	v58 =	vld.idx.msk [tilespmem:v45+s19+$0x0], $0xffff  }
0x149: {  	v46 =	vmul.f32 v46, v33;
	v1 =	vadd.f32 v18, v1;
	v8 =	vadd.f32 v8, v15;
	v60 =	vld.idx.msk [tilespmem:v36+s20+$0x0], $0xffff  }
0x14a: {  	v19 =	vmul.f32 v19, v33;
	v5 =	vadd.f32 v39, v5;
	v61 =	vld.idx.msk [tilespmem:v44+s19+$0x0], $0xffff;
	v11 =	vadd.f32 v11, v23  }
0x14b: {  	v6 =	vmul.f32 v14, v0;
	v1 =	vmul.f32 v1, v43;
	v62 =	vld.idx.msk [tilespmem:v47+s4+$0x0], $0xffff;
	v8 =	vadd.f32 v59, v8  }
0x14c: {  	v49 =	vld.idx.msk [tilespmem:v45+s4+$0x0], $0xffff;
	v11 =	vmul.f32 v11, v0;
	v0 =	vmul.f32 v5, v0  }
0x14d: {  	v51 =	vld.idx.msk [tilespmem:v42+s4+$0x0], $0xffff;
	v8 =	vmul.f32 v8, v43;
	v24 =	vmul.f32 v31, v63  }
0x14e: {  	v53 =	vld.idx.msk [tilespmem:v38+s4+$0x0], $0xffff;
	v63 =	vmul.f32 v7, v3;
	v23 =	vmul.f32 v31, v52  }
0x14f: {  	v2 =	vsub.f32 v2, v41;
	v55 =	vld.idx.msk [tilespmem:v44+s4+$0x0], $0xffff;
	v7 =	vmul.f32 v31, v37;
	v28 =	vmul.f32 v54, v31  }
0x150: {  	v10 =	vadd.f32 v10, v16;
	v22 =	vmul.f32 v58, v46;
	v50 =	vmul.f32 v56, v46;
	v56 =	vld.idx.msk [tilespmem:v42+s19+$0x0], $0xffff  }
0x151: {  	v41 =	vsub.f32 $1.000000000e+00, v2;
	v54 =	vmul.f32 v61, v46;
	v21 =	vmul.f32 v21, v46;
	v58 =	vld.idx.msk [tilespmem:v40+s4+$0x0], $0xffff  }
0x152: {  	v1 =	vadd.f32 v11, v1;
	v12 =	vmul.f32 v60, v19;
	v59 =	vmul.f32 v48, v20;
	v60 =	vld.idx.msk [tilespmem:v40+s19+$0x0], $0xffff  }
0x153: {  	v57 =	vmul.f32 v62, v19;
	v18 =	vmul.f32 v51, v20;
	v61 =	vld.idx.msk [tilespmem:v38+s19+$0x0], $0xffff;
	v3 =	vadd.f32 v63, v4  }
0x154: {  	v62 =	vmul.f32 v49, v46;
	v63 =	vld.idx.msk [tilespmem:v38+s20+$0x0], $0xffff;
	v38 =	vmul.f32 v20, v53;
	v17 =	vadd.f32 v59, v28  }
0x155: {  	v39 =	vld.idx.msk [tilespmem:v36+s4+$0x0], $0xffff;
	v15 =	vmul.f32 v55, v46;
	v0 =	vadd.f32 v0, v8;
	v3 =	vadd.f32 v13, v3  }
0x156: {  	v37 =	vld.idx.msk [tilespmem:v36+s19+$0x0], $0xffff;
	v8 =	vadd.f32 v23, v38;
	v4 =	vadd.f32 v50, v17;
	v25 =	vmul.f32 v56, v20  }
0x157: {  	v40 =	vld.idx.msk [tilespmem:v47+s19+$0x0], $0xffff;
	v3 =	vadd.f32 v34, v3;
	v16 =	vmul.f32 v58, v31;
	v42 =	vmul.f32 v60, v31  }
0x158: {  	v44 =	vld.idx.msk [tilespmem:v47+s20+$0x0], $0xffff;
	v5 =	vmul.f32 v20, v61;
	v8 =	vadd.f32 v15, v8;
	v4 =	vadd.f32 v12, v4  }
0x159: {  	v47 =	vmul.f32 v63, v20;
	v45 =	vadd.f32 v18, v16;
	v46 =	vadd.f32 v25, v42  }
0x15a: {  	v49 =	vmul.f32 v39, v19;
	v5 =	vadd.f32 v7, v5;
	v8 =	vadd.f32 v57, v8  }
0x15b: {  	v48 =	vmul.f32 v37, v19;
	v50 =	vadd.f32 v47, v24;
	v11 =	vadd.f32 v62, v45  }
0x15c: {  	v51 =	vmul.f32 v40, v19;
	v52 =	vadd.f32 v22, v46;
	v5 =	vadd.f32 v54, v5  }
0x15d: {  	[tilespmem:s29+$0x0] =	vst v27;
	v53 =	vmul.f32 v44, v19;
	v54 =	vadd.f32 v21, v50;
	v7 =	vadd.f32 v49, v11  }
0x15e: {  	[tilespmem:s13+$0x0] =	vst v10;
	v3 =	vmul.f32 v3, v43;
	v55 =	vadd.f32 v48, v52;
	v5 =	vadd.f32 v51, v5  }
0x15f: {  	[tilespmem:s9+$0x0] =	vst v29;
	v8 =	vmul.f32 v8, v41;
	v56 =	vadd.f32 v53, v54;
	v7 =	vmul.f32 v7, v2  }
0x160: {  	[tilespmem:s7+$0x0] =	vst v1;
	v57 =	vadd.f32 v6, v3;
	v58 =	vmul.f32 v5, v41;
	v59 =	vmul.f32 v55, v2  }
0x161: {  	[tilespmem:s15+$0x0] =	vst v0;
	v60 =	vmul.f32 v4, v2;
	v62 =	vmul.f32 v56, v41;
	v61 =	vadd.f32 v7, v8  }
0x162: {  	[tilespmem:s14+$0x0] =	vst v57;
	v63 =	vadd.f32 v59, v58  }
0x163: {  	s29 =	sadd.s32 $0x10, s8;
	v0 =	vadd.f32 v60, v62;
	[tilespmem:s10+$0x0] =	vst v61  }
0x164: {  	s6 =	sadd.s32 $0x10, s6;
	s2 =	sadd.s32 $0x1, s2;
	[tilespmem:s29+$0x0] =	vst v63  }
0x165: {  	s0 =	sadd.s32 s3, s0;
	p0 =	sne.s32 s2, $0x20;
	[tilespmem:s6+$0x0] =	vst v0  }
0x166: {  	[hbm4b:s0+s4] =	stream.linear.scatter [tilespmem:s25], [sflag:$0x4], $0x400, $0x38;
	[tilespmem:$0x1D580] =	vst v63  }
.Ltmp2:
0x167: {  	_ = 	snop;
	(pc) =	sbr.rel @p0 .LBB2_2-.Ltmp2, $4  }
0x168: {  	s30 =	sadd.s32 s3, s11  }
0x169: {  	[hbm4b:s30+s4] =	stream.linear.scatter [tilespmem:s26], [sflag:$0x4], $0x400, $0x38;
	[tilespmem:$0x1D580] =	vst v63  }
0x16a: {  	s31 =	sadd.s32 s3, s12  }
0x16b: {  	[hbm4b:s31+s4] =	stream.linear.scatter [tilespmem:s28], [sflag:$0x4], $0x400, $0x38;
	[tilespmem:$0x1D580] =	vst v63  }
0x16c: {  	s0 =	simm.s32 $0x3  }
0x16d: {  	_ =	swait.ge [sflag:s0], $0x400  }
0x16e: {  	[sflag:s0] =	ssyncset.done $0x0  }
0x16f: {  	[sflag:s0] =	ssyncadd.s32 $0xFFFFFC00  }
0x170: {  	_ =	swait.ge [sflag:s0], $0x400  }
0x171: {  	[sflag:s0] =	ssyncset.done $0x0  }
0x172: {  	[sflag:s0] =	ssyncadd.s32 $0xFFFFFC00  }
0x173: {  	_ =	swait.ge [sflag:s0], $0x400  }
0x174: {  	[sflag:s0] =	ssyncset.done $0x0  }
0x175: {  	s2 =	simm.s32 $0x4;
	[sflag:s0] =	ssyncadd.s32 $0xFFFFFC00  }
0x176: {  	_ =	swait.ge [sflag:s2], $0x400  }
0x177: {  	[sflag:s2] =	ssyncset.done $0x0  }
0x178: {  	[sflag:s2] =	ssyncadd.s32 $0xFFFFFC00  }
0x179: {  	_ =	swait.ge [sflag:s2], $0x400  }
0x17a: {  	[sflag:s2] =	ssyncset.done $0x0  }
0x17b: {  	[sflag:s2] =	ssyncadd.s32 $0xFFFFFC00  }
0x17c: {  	_ =	swait.ge [sflag:s2], $0x400  }
0x17d: {  	s6 =	rddreg [dreg:$0x9]  }
0x17e: {  	s31 =	rddreg [dreg:$0x8];
	s6 =	sadd.s32 $0x1, s6  }
0x17f: {  	p0 =	sne.s32 s6, s31  }
.Ltmp3:
0x180: {  	_ = 	snop;
	(pc) =	sbr.rel @p0 .LBB2_1-.Ltmp3, $3  }
0x181: {  	_ =	sdelay $0x1  }
0x182: {  	[sflag:s2] =	ssyncset.done $0x0  }
0x183: {  	[sflag:s2] =	ssyncadd.s32 $0xFFFFFC00  }
0x184: {  	_ =	sfence.sel $0x180000  }
0x185: {  	[bflag:$0x0] =	sbarrier.arrive $0xFFFF  }
0x186: {  	_ =	strace $0x90000047  }
0x187: {  	s0 =	stileid.u32;
	[bflag:$0x2] =	sbarrier.arrive $0xFFFF  }
0x188: {  	p0 =	sne.s32 s0, $0x0;
	s0 =	rddreg [dreg:$0x3]  }
0x189: {  	s0 =	sadd.s32 @!p0 $0x100000, s0  }
0x18a: {  	[sflag:s0] =	ssyncadd.tile.s32 @!p0 $0x1;
	_ =	shalt  }
.Lfunc_end2:
_tile_overlayer_lowered:
.L_overlay_start_2:
0x18b: {  	(tag) =	ssettag $0x2  }
0x18c: {  	s0 =	rddreg [dreg:$0x0];
	s2 =	stileid.u32  }
0x18d: {  	s1 =	rddreg [dreg:$0x1];
	p0 =	sne.s32 s2, $0x0  }
0x18e: {  	s3 =	rddreg [dreg:$0x2];
	[bflag:$0x3] =	sbarrier.arrive $0xFFFF;
	s2 =	simm.s32 @!p0 $0x1C05  }
0x18f: {  	[timem:s3], [sflag:s2] =	dma.local @!p0 [hbm:s0], s1  }
0x190: {  	s0 =	simm.s32 @!p0 $0x5  }
0x191: {  	_ =	swait.ge @!p0 [sflag:s0], s1  }
0x192: {  	s1 =	ssub.s32 @!p0 $0x0, s1;
	[sflag:s0] =	ssyncset.done @!p0 $0x0  }
0x193: {  	[sflag:s0] =	ssyncadd.s32 @!p0 s1  }
0x194: {  	[bflag:$0x3] =	sbarrier.arrive $0xFFFF  }
0x195: {  	_ =	shalt  }

</sc_bundles>
